<compile_context>
chip_gen: v7x
topology: tpu7x:2x2x1
jax: 0.10.2.dev20260603
libtpu: 0.0.44.dev20260713+nightly
codegen_flags: <defaults>
</compile_context>

<pallas_src>
import functools

import jax
import jax.numpy as jnp
from jax import lax
from jax.experimental import pallas as pl
from jax.experimental.pallas import tpu as pltpu
from jax.experimental.pallas import tpu_sc as plsc

NUM_SAMPLES = 8
K = 32
N = 4096
C = 1024
B = 64
CH = 4

NC = 2
NS = 16
L = 16
SLICE = N // NS


def _lanes():
    return lax.iota(jnp.int32, L)



def _gt(ka, pa, kb, pb):
    return (ka > kb) | ((ka == kb) & (pa < pb))


def _ce(ka, pa, kb, pb):
    g = _gt(ka, pa, kb, pb)
    return (jnp.where(g, ka, kb), jnp.where(g, pa, pb),
            jnp.where(g, kb, ka), jnp.where(g, pb, pa))


def _sort_desc(k, p):
    p1, k1 = lax.sort((p, k), dimension=0, is_stable=True, num_keys=1)
    nk, p2 = lax.sort((-k1, p1), dimension=0, is_stable=True, num_keys=1)
    return -nk, p2


def _sort16(k, p):
    nk, p2 = lax.sort((-k, p), dimension=0, is_stable=True, num_keys=1)
    return -nk, p2


def _merge16(ka, pa, kb, pb):
    rkb = lax.rev(kb, (0,))
    rpb = lax.rev(pb, (0,))
    hk, hp, lk, lp = _ce(ka, pa, rkb, rpb)
    hk, hp = _sort_desc(hk, hp)
    lk, lp = _sort_desc(lk, lp)
    return hk, hp, lk, lp


def _merge32_top32(a, b, cleanup=True):
    ak0, ap0, ak1, ap1 = a
    bk0, bp0, bk1, bp1 = b
    rk0, rp0 = lax.rev(bk1, (0,)), lax.rev(bp1, (0,))
    rk1, rp1 = lax.rev(bk0, (0,)), lax.rev(bp0, (0,))
    h0k, h0p, _, _ = _ce(ak0, ap0, rk0, rp0)
    h1k, h1p, _, _ = _ce(ak1, ap1, rk1, rp1)
    if not cleanup:
        return h0k, h0p, h1k, h1p
    h0k, h0p, h1k, h1p = _ce(h0k, h0p, h1k, h1p)
    h0k, h0p = _sort_desc(h0k, h0p)
    h1k, h1p = _sort_desc(h1k, h1p)
    return h0k, h0p, h1k, h1p


def _tournament(lists32, final_cleanup):
    while len(lists32) > 1:
        nxt = []
        last_level = len(lists32) == 2
        for i in range(0, len(lists32), 2):
            nxt.append(_merge32_top32(
                lists32[i], lists32[i + 1],
                cleanup=final_cleanup or not last_level))
        lists32 = nxt
    return lists32[0]


def _top32_of_vregs(kvs, pvs, final_cleanup):
    lists = [_sort16(k, p) for k, p in zip(kvs, pvs)]
    lists32 = [_merge16(*lists[i], *lists[i + 1])
               for i in range(0, len(lists), 2)]
    return _tournament(lists32, final_cleanup)



def _sc_body(logits_hbm, xflat_hbm, w_hbm, mask_hbm, xsum_hbm, wg_hbm,
             lg_v, pub_v, sh_cand, ccand_v, idx_all_v,
             xidx_a, xidx_b, xg_a, xg_b, mask_v, xs_v, wrow_v,
             sem, semw, semo):
    c = lax.axis_index("c")
    s = lax.axis_index("s")
    wid = s * NC + c
    lanes = _lanes()

    pltpu.sync_copy(logits_hbm.at[pl.ds(s * SLICE, SLICE)], lg_v)
    NV = SLICE // L

    kvs = [lg_v[pl.ds(L * i, L)] for i in range(NV)]
    pvs = [lanes + (s * SLICE + L * i) for i in range(NV)]
    lv0, lp0, lv1, lp1 = _top32_of_vregs(kvs, pvs, final_cleanup=True)

    pub_v[pl.ds(0, 16)] = lv0
    pub_v[pl.ds(16, 16)] = lv1
    pub_v[pl.ds(32, 16)] = plsc.bitcast(lp0, jnp.float32)
    pub_v[pl.ds(48, 16)] = plsc.bitcast(lp1, jnp.float32)
    for _zi in range(8):
        mask_v[pl.ds(16 * _zi, 16)] = jnp.zeros((L,), jnp.float32)
    pltpu.sync_copy(pub_v, sh_cand.at[pl.ds(s * 64, 64)])
    plsc.subcore_barrier()
    pltpu.sync_copy(sh_cand, ccand_v)

    lists32 = []
    for si in range(NS):
        cbase = 64 * si
        lists32.append((
            ccand_v[pl.ds(cbase, 16)],
            plsc.bitcast(ccand_v[pl.ds(cbase + 32, 16)], jnp.int32),
            ccand_v[pl.ds(cbase + 16, 16)],
            plsc.bitcast(ccand_v[pl.ds(cbase + 48, 16)], jnp.int32),
        ))
    _, gi0, _, gi1 = _tournament(lists32, final_cleanup=False)
    idx_all_v[pl.ds(0, 16)] = gi0
    idx_all_v[pl.ds(16, 16)] = gi1

    for rr, xidx_v in enumerate((xidx_a, xidx_b)):
        brow = 2 * wid + rr
        for ch in range(CH):
            off = (brow * CH + ch) * N
            xidx_v[pl.ds(ch * 32, 16)] = gi0 + off
            xidx_v[pl.ds(ch * 32 + 16, 16)] = gi1 + off
    cp_a = pltpu.async_copy(xflat_hbm.at[xidx_a], xg_a, sem)
    cp_b = pltpu.async_copy(xflat_hbm.at[xidx_b], xg_b, sem)

    @pl.when(wid < 4)
    def _():
        pltpu.async_copy(
            w_hbm.at[idx_all_v.at[pl.ds(8 * wid, 8)]], wrow_v, semw)

    mbase = wid * (N // (NC * NS))
    ones = jnp.ones((L,), jnp.float32)
    for gi in (gi0, gi1):
        sel = (gi >= mbase) & (gi < mbase + 128)
        loc = jnp.clip(gi - mbase, 0, 127)
        plsc.store_scatter(mask_v, [loc], ones, mask=sel)
    cpm = pltpu.async_copy(mask_v, mask_hbm.at[pl.ds(mbase, 128)], semo)

    cp_a.wait()
    cp_b.wait()
    for rr, xg_v in enumerate((xg_a, xg_b)):
        for kk in range(2):
            t = xg_v[pl.ds(kk * 16, 16)]
            for ch in range(1, CH):
                t = t + xg_v[pl.ds(ch * 32 + kk * 16, 16)]
            xs_v[pl.ds(rr * 32 + kk * 16, 16)] = t
    cps = pltpu.async_copy(xs_v, xsum_hbm.at[pl.ds(2 * wid * K, 2 * K)], semo)
    cpm.wait()
    cps.wait()

    @pl.when(wid < 4)
    def _():
        pltpu.make_async_copy(w_hbm.at[pl.ds(0, 8)], wrow_v, semw).wait()
        pltpu.sync_copy(wrow_v, wg_hbm.at[pl.ds(8 * wid, 8)])


@functools.partial(jax.jit, static_argnums=())
def _sc_stage(logits, xflat, w):
    mesh = plsc.VectorSubcoreMesh(
        core_axis_name="c", subcore_axis_name="s",
        num_cores=NC, num_subcores=NS)
    f = pl.kernel(
        _sc_body,
        out_type=(
            jax.ShapeDtypeStruct((N,), jnp.float32),
            jax.ShapeDtypeStruct((B * K,), jnp.float32),
            jax.ShapeDtypeStruct((K, C), jnp.float32),
        ),
        mesh=mesh,
        compiler_params=pltpu.CompilerParams(needs_layout_passes=False),
        scratch_types=[
            pltpu.VMEM((SLICE,), jnp.float32),
            pltpu.VMEM((4 * L,), jnp.float32),
            pltpu.VMEM_SHARED((NS * 4 * L,), jnp.float32),
            pltpu.VMEM((NS * 4 * L,), jnp.float32),
            pltpu.VMEM((K,), jnp.int32),
            pltpu.VMEM((128,), jnp.int32),
            pltpu.VMEM((128,), jnp.int32),
            pltpu.VMEM((128,), jnp.float32),
            pltpu.VMEM((128,), jnp.float32),
            pltpu.VMEM((128,), jnp.float32),
            pltpu.VMEM((2 * K,), jnp.float32),
            pltpu.VMEM((8, C), jnp.float32),
            pltpu.SemaphoreType.DMA,
            pltpu.SemaphoreType.DMA,
            pltpu.SemaphoreType.DMA,
        ],
    )
    return f(logits, xflat, w)


def _tc_body(xs_ref, wg_ref, b_ref, m_ref, out_ref, mask_out_ref):
    xm = xs_ref[...] * 0.25
    res = jnp.dot(xm, wg_ref[...], preferred_element_type=jnp.float32)
    res = res + b_ref[...]
    mrow = m_ref[...]
    for smp in range(NUM_SAMPLES):
        out_ref[smp] = res
        mask_out_ref[smp] = mrow


def kernel(x, logits, W, b):
    xflat = x.reshape(-1)
    mask1, xsum, wg = _sc_stage(logits, xflat, W)
    out, mask8 = pl.pallas_call(
        _tc_body,
        out_shape=(
            jax.ShapeDtypeStruct((NUM_SAMPLES, B, C), jnp.float32),
            jax.ShapeDtypeStruct((NUM_SAMPLES, 1, N), jnp.float32),
        ),
    )(xsum.reshape(B, K), wg, b.reshape(1, C), mask1.reshape(1, N))
    return out, mask8

# --- scband reference (transcript-rebuilt; emitter-appended) ---
"""Pipeline reference for scband-l2-x-35450660061326 (READ-ONLY COPY).

The authoritative reference and input builder live on the scoring server;
editing this copy changes nothing except your own understanding.
"""

import jax, jax.numpy as jnp
import numpy as np

NUM_SAMPLES = 8
K = 32
INPUT_SIZE = 4096
NUM_CLASSES = 1024
BATCH = 64
CHANNELS = 4


def setup_inputs(seed: int = 0) -> dict:
    key = jax.random.key(seed)
    k1, k2, k3, k4 = jax.random.split(key, 4)
    x = jax.random.normal(k1, (BATCH, CHANNELS, INPUT_SIZE), dtype=jnp.float32)
    # learned global logits parameter (non-instancewise L2X)
    logits = jax.random.normal(k2, (INPUT_SIZE,), dtype=jnp.float32)
    # classifier = nn.Linear(INPUT_SIZE, NUM_CLASSES)
    W = jax.random.normal(k3, (INPUT_SIZE, NUM_CLASSES), dtype=jnp.float32) * 0.02
    b = jax.random.normal(k4, (NUM_CLASSES,), dtype=jnp.float32) * 0.02
    return {"x": x, "logits": logits, "W": W, "b": b}


def reference(x, logits, W, b):
    # x = x.flatten(2).mean(1)
    xm = jnp.mean(x.reshape(x.shape[0], x.shape[1], -1), axis=1)  # [B, N]
    # sample_mask(self.logits, 1) in eval mode:
    lg = jnp.broadcast_to(logits[None, :], (1, logits.shape[0]))  # [1, N]
    _, idx = jax.lax.top_k(lg, K)  # [1, K]
    mask = jax.nn.one_hot(idx, lg.shape[-1], dtype=jnp.float32).sum(axis=1)  # [1, N]
    mask = jnp.broadcast_to(mask[None, :, :], (NUM_SAMPLES, 1, lg.shape[-1]))  # [S, 1, N]
    # mask * x broadcasts to [S, B, N]
    xmk = mask * xm
    flat = xmk.reshape(-1, xmk.shape[-1])  # [S*B, N]
    out = flat @ W + b  # [S*B, C]
    out = out.reshape(NUM_SAMPLES, -1, out.shape[-1])  # [S, B, C]
    return out, mask

if __name__ == "__main__":
    import jax
    _d = setup_inputs()
    print(jax.jit(kernel)(*tuple(_d.values())))

</pallas_src>

<mosaic_0001>
#map = affine_map<(d0, d1) -> (0)>
#map1 = affine_map<(d0, d1) -> (0, 0)>
module attributes {stable_mosaic.version = 14 : i64} {
  func.func @_sc_body(%arg0: i32, %arg1: i32, %arg2: memref<4096xf32, #tpu.memory_space<hbm>>, %arg3: memref<1048576xf32, #tpu.memory_space<hbm>>, %arg4: memref<4096x1024xf32, #tpu.memory_space<hbm>>, %arg5: memref<4096xf32, #tpu.memory_space<hbm>>, %arg6: memref<2048xf32, #tpu.memory_space<hbm>>, %arg7: memref<32x1024xf32, #tpu.memory_space<hbm>>, %arg8: memref<256xf32, #tpu.memory_space<vmem>>, %arg9: memref<64xf32, #tpu.memory_space<vmem>>, %arg10: memref<1024xf32, #tpu.memory_space<vmem_shared>>, %arg11: memref<1024xf32, #tpu.memory_space<vmem>>, %arg12: memref<32xi32, #tpu.memory_space<vmem>>, %arg13: memref<128xi32, #tpu.memory_space<vmem>>, %arg14: memref<128xi32, #tpu.memory_space<vmem>>, %arg15: memref<128xf32, #tpu.memory_space<vmem>>, %arg16: memref<128xf32, #tpu.memory_space<vmem>>, %arg17: memref<128xf32, #tpu.memory_space<vmem>>, %arg18: memref<64xf32, #tpu.memory_space<vmem>>, %arg19: memref<8x1024xf32, #tpu.memory_space<vmem>>, %arg20: memref<!tpu.dma_semaphore, #tpu.memory_space<semaphore_mem>>, %arg21: memref<!tpu.dma_semaphore, #tpu.memory_space<semaphore_mem>>, %arg22: memref<!tpu.dma_semaphore, #tpu.memory_space<semaphore_mem>>) attributes {dimension_semantics = [#tpu.dimension_semantics<core_parallel>, #tpu.dimension_semantics<subcore_parallel>], iteration_bounds = array<i64: 2, 16>, scalar_prefetch = 0 : i64, scratch_operands = 15 : i64, tpu.core_type = #tpu.core_type<sc_vector_subcore>, window_params = [{transform_indices = #map}, {transform_indices = #map}, {transform_indices = #map1}, {transform_indices = #map}, {transform_indices = #map}, {transform_indices = #map1}]} {
    %mul3A = arith.constant 2 : i32
    %mul3A_0 = arith.muli %arg1, %mul3A : i32
    %add3A = arith.addi %mul3A_0, %arg0 : i32
    %iota3A = tpu.iota {dimensions = array<i32: 0>} : vector<16xi32>
    %mul3A_1 = arith.constant 256 : i32
    %mul3A_2 = arith.muli %arg1, %mul3A_1 : i32
    "tpu.region"() ({
      %run_scoped3A = tpu.sem_alloc : memref<!tpu.dma_semaphore, #tpu.memory_space<semaphore_mem>>
      %dma_start3A_2702 = tpu.memref_slice %arg2[%mul3A_2] : memref<4096xf32, #tpu.memory_space<hbm>> -> memref<256xf32, #tpu.memory_space<hbm>>
      %dma_start3A_2703 = tpu.memref_slice %arg2[%mul3A_2] : memref<4096xf32, #tpu.memory_space<hbm>> -> memref<256xf32, #tpu.memory_space<hbm>>
      tpu.enqueue_dma source(%dma_start3A_2703 : memref<256xf32, #tpu.memory_space<hbm>>) target(%arg8 : memref<256xf32, #tpu.memory_space<vmem>>) target_semaphore(%run_scoped3A : memref<!tpu.dma_semaphore, #tpu.memory_space<semaphore_mem>>)
      %dma_wait3A_2704 = tpu.memref_slice %arg2[%mul3A_2] : memref<4096xf32, #tpu.memory_space<hbm>> -> memref<256xf32, #tpu.memory_space<hbm>>
      %dma_wait3A_2705 = tpu.memref_slice %arg2[%mul3A_2] : memref<4096xf32, #tpu.memory_space<hbm>> -> memref<256xf32, #tpu.memory_space<hbm>>
      tpu.wait_dma2 semaphore(%run_scoped3A : memref<!tpu.dma_semaphore, #tpu.memory_space<semaphore_mem>>) src(%dma_wait3A_2705 : memref<256xf32, #tpu.memory_space<hbm>>) dst(%arg8 : memref<256xf32, #tpu.memory_space<vmem>>)
      tpu.yield
    }) : () -> ()
    %get3A = arith.constant 0 : index
    %get3A_3 = tpu.vector_load %arg8[%get3A] {strides = array<i32>} : memref<256xf32, #tpu.memory_space<vmem>>, vector<16xf32>,
    %get3A_4 = arith.constant 16 : index
    %get3A_5 = tpu.vector_load %arg8[%get3A_4] {strides = array<i32>} : memref<256xf32, #tpu.memory_space<vmem>>, vector<16xf32>,
    %get3A_6 = arith.constant 32 : index
    %get3A_7 = tpu.vector_load %arg8[%get3A_6] {strides = array<i32>} : memref<256xf32, #tpu.memory_space<vmem>>, vector<16xf32>,
    %get3A_8 = arith.constant 48 : index
    %get3A_9 = tpu.vector_load %arg8[%get3A_8] {strides = array<i32>} : memref<256xf32, #tpu.memory_space<vmem>>, vector<16xf32>,
    %get3A_10 = arith.constant 64 : index
    %get3A_11 = tpu.vector_load %arg8[%get3A_10] {strides = array<i32>} : memref<256xf32, #tpu.memory_space<vmem>>, vector<16xf32>,
    %get3A_12 = arith.constant 80 : index
    %get3A_13 = tpu.vector_load %arg8[%get3A_12] {strides = array<i32>} : memref<256xf32, #tpu.memory_space<vmem>>, vector<16xf32>,
    %get3A_14 = arith.constant 96 : index
    %get3A_15 = tpu.vector_load %arg8[%get3A_14] {strides = array<i32>} : memref<256xf32, #tpu.memory_space<vmem>>, vector<16xf32>,
    %get3A_16 = arith.constant 112 : index
    %get3A_17 = tpu.vector_load %arg8[%get3A_16] {strides = array<i32>} : memref<256xf32, #tpu.memory_space<vmem>>, vector<16xf32>,
    %get3A_18 = arith.constant 128 : index
    %get3A_19 = tpu.vector_load %arg8[%get3A_18] {strides = array<i32>} : memref<256xf32, #tpu.memory_space<vmem>>, vector<16xf32>,
    %get3A_20 = arith.constant 144 : index
    %get3A_21 = tpu.vector_load %arg8[%get3A_20] {strides = array<i32>} : memref<256xf32, #tpu.memory_space<vmem>>, vector<16xf32>,
    %get3A_22 = arith.constant 160 : index
    %get3A_23 = tpu.vector_load %arg8[%get3A_22] {strides = array<i32>} : memref<256xf32, #tpu.memory_space<vmem>>, vector<16xf32>,
    %get3A_24 = arith.constant 176 : index
    %get3A_25 = tpu.vector_load %arg8[%get3A_24] {strides = array<i32>} : memref<256xf32, #tpu.memory_space<vmem>>, vector<16xf32>,
    %get3A_26 = arith.constant 192 : index
    %get3A_27 = tpu.vector_load %arg8[%get3A_26] {strides = array<i32>} : memref<256xf32, #tpu.memory_space<vmem>>, vector<16xf32>,
    %get3A_28 = arith.constant 208 : index
    %get3A_29 = tpu.vector_load %arg8[%get3A_28] {strides = array<i32>} : memref<256xf32, #tpu.memory_space<vmem>>, vector<16xf32>,
    %get3A_30 = arith.constant 224 : index
    %get3A_31 = tpu.vector_load %arg8[%get3A_30] {strides = array<i32>} : memref<256xf32, #tpu.memory_space<vmem>>, vector<16xf32>,
    %get3A_32 = arith.constant 240 : index
    %get3A_33 = tpu.vector_load %arg8[%get3A_32] {strides = array<i32>} : memref<256xf32, #tpu.memory_space<vmem>>, vector<16xf32>,
    %mul3A_34 = arith.constant 256 : i32
    %mul3A_35 = arith.muli %arg1, %mul3A_34 : i32
    %add3A_36 = arith.constant 0 : i32
    %add3A_37 = arith.addi %mul3A_35, %add3A_36 : i32
    %add3A_38 = vector.broadcast %add3A_37 : i32 to vector<16xi32>
    %add3A_39 = arith.addi %iota3A, %add3A_38 : vector<16xi32>
    %mul3A_40 = arith.constant 256 : i32
    %mul3A_41 = arith.muli %arg1, %mul3A_40 : i32
    %add3A_42 = arith.constant 16 : i32
    %add3A_43 = arith.addi %mul3A_41, %add3A_42 : i32
    %add3A_44 = vector.broadcast %add3A_43 : i32 to vector<16xi32>
    %add3A_45 = arith.addi %iota3A, %add3A_44 : vector<16xi32>
    %mul3A_46 = arith.constant 256 : i32
    %mul3A_47 = arith.muli %arg1, %mul3A_46 : i32
    %add3A_48 = arith.constant 32 : i32
    %add3A_49 = arith.addi %mul3A_47, %add3A_48 : i32
    %add3A_50 = vector.broadcast %add3A_49 : i32 to vector<16xi32>
    %add3A_51 = arith.addi %iota3A, %add3A_50 : vector<16xi32>
    %mul3A_52 = arith.constant 256 : i32
    %mul3A_53 = arith.muli %arg1, %mul3A_52 : i32
    %add3A_54 = arith.constant 48 : i32
    %add3A_55 = arith.addi %mul3A_53, %add3A_54 : i32
    %add3A_56 = vector.broadcast %add3A_55 : i32 to vector<16xi32>
    %add3A_57 = arith.addi %iota3A, %add3A_56 : vector<16xi32>
    %mul3A_58 = arith.constant 256 : i32
    %mul3A_59 = arith.muli %arg1, %mul3A_58 : i32
    %add3A_60 = arith.constant 64 : i32
    %add3A_61 = arith.addi %mul3A_59, %add3A_60 : i32
    %add3A_62 = vector.broadcast %add3A_61 : i32 to vector<16xi32>
    %add3A_63 = arith.addi %iota3A, %add3A_62 : vector<16xi32>
    %mul3A_64 = arith.constant 256 : i32
    %mul3A_65 = arith.muli %arg1, %mul3A_64 : i32
    %add3A_66 = arith.constant 80 : i32
    %add3A_67 = arith.addi %mul3A_65, %add3A_66 : i32
    %add3A_68 = vector.broadcast %add3A_67 : i32 to vector<16xi32>
    %add3A_69 = arith.addi %iota3A, %add3A_68 : vector<16xi32>
    %mul3A_70 = arith.constant 256 : i32
    %mul3A_71 = arith.muli %arg1, %mul3A_70 : i32
    %add3A_72 = arith.constant 96 : i32
    %add3A_73 = arith.addi %mul3A_71, %add3A_72 : i32
    %add3A_74 = vector.broadcast %add3A_73 : i32 to vector<16xi32>
    %add3A_75 = arith.addi %iota3A, %add3A_74 : vector<16xi32>
    %mul3A_76 = arith.constant 256 : i32
    %mul3A_77 = arith.muli %arg1, %mul3A_76 : i32
    %add3A_78 = arith.constant 112 : i32
    %add3A_79 = arith.addi %mul3A_77, %add3A_78 : i32
    %add3A_80 = vector.broadcast %add3A_79 : i32 to vector<16xi32>
    %add3A_81 = arith.addi %iota3A, %add3A_80 : vector<16xi32>
    %mul3A_82 = arith.constant 256 : i32
    %mul3A_83 = arith.muli %arg1, %mul3A_82 : i32
    %add3A_84 = arith.constant 128 : i32
    %add3A_85 = arith.addi %mul3A_83, %add3A_84 : i32
    %add3A_86 = vector.broadcast %add3A_85 : i32 to vector<16xi32>
    %add3A_87 = arith.addi %iota3A, %add3A_86 : vector<16xi32>
    %mul3A_88 = arith.constant 256 : i32
    %mul3A_89 = arith.muli %arg1, %mul3A_88 : i32
    %add3A_90 = arith.constant 144 : i32
    %add3A_91 = arith.addi %mul3A_89, %add3A_90 : i32
    %add3A_92 = vector.broadcast %add3A_91 : i32 to vector<16xi32>
    %add3A_93 = arith.addi %iota3A, %add3A_92 : vector<16xi32>
    %mul3A_94 = arith.constant 256 : i32
    %mul3A_95 = arith.muli %arg1, %mul3A_94 : i32
    %add3A_96 = arith.constant 160 : i32
    %add3A_97 = arith.addi %mul3A_95, %add3A_96 : i32
    %add3A_98 = vector.broadcast %add3A_97 : i32 to vector<16xi32>
    %add3A_99 = arith.addi %iota3A, %add3A_98 : vector<16xi32>
    %mul3A_100 = arith.constant 256 : i32
    %mul3A_101 = arith.muli %arg1, %mul3A_100 : i32
    %add3A_102 = arith.constant 176 : i32
    %add3A_103 = arith.addi %mul3A_101, %add3A_102 : i32
    %add3A_104 = vector.broadcast %add3A_103 : i32 to vector<16xi32>
    %add3A_105 = arith.addi %iota3A, %add3A_104 : vector<16xi32>
    %mul3A_106 = arith.constant 256 : i32
    %mul3A_107 = arith.muli %arg1, %mul3A_106 : i32
    %add3A_108 = arith.constant 192 : i32
    %add3A_109 = arith.addi %mul3A_107, %add3A_108 : i32
    %add3A_110 = vector.broadcast %add3A_109 : i32 to vector<16xi32>
    %add3A_111 = arith.addi %iota3A, %add3A_110 : vector<16xi32>
    %mul3A_112 = arith.constant 256 : i32
    %mul3A_113 = arith.muli %arg1, %mul3A_112 : i32
    %add3A_114 = arith.constant 208 : i32
    %add3A_115 = arith.addi %mul3A_113, %add3A_114 : i32
    %add3A_116 = vector.broadcast %add3A_115 : i32 to vector<16xi32>
    %add3A_117 = arith.addi %iota3A, %add3A_116 : vector<16xi32>
    %mul3A_118 = arith.constant 256 : i32
    %mul3A_119 = arith.muli %arg1, %mul3A_118 : i32
    %add3A_120 = arith.constant 224 : i32
    %add3A_121 = arith.addi %mul3A_119, %add3A_120 : i32
    %add3A_122 = vector.broadcast %add3A_121 : i32 to vector<16xi32>
    %add3A_123 = arith.addi %iota3A, %add3A_122 : vector<16xi32>
    %mul3A_124 = arith.constant 256 : i32
    %mul3A_125 = arith.muli %arg1, %mul3A_124 : i32
    %add3A_126 = arith.constant 240 : i32
    %add3A_127 = arith.addi %mul3A_125, %add3A_126 : i32
    %add3A_128 = vector.broadcast %add3A_127 : i32 to vector<16xi32>
    %add3A_129 = arith.addi %iota3A, %add3A_128 : vector<16xi32>
    %neg3A = arith.constant 0.000000e+00 : f32
    %neg3A_130 = vector.broadcast %neg3A : f32 to vector<16xf32>
    %neg3A_131 = arith.subf %neg3A_130, %get3A_3 : vector<16xf32>
    %sort3A = arith.constant dense<true> : vector<16xi1>
    %sort3A_132, %sort3A_133, %sort3A_134 = tpu.sort %neg3A_131, %add3A_39 masked %sort3A : (vector<16xf32>, vector<16xi32>, vector<16xi1>) -> (vector<16xi1>, vector<16xf32>, vector<16xi32>)
    %neg3A_135 = arith.constant 0.000000e+00 : f32
    %neg3A_136 = vector.broadcast %neg3A_135 : f32 to vector<16xf32>
    %neg3A_137 = arith.subf %neg3A_136, %sort3A_133 : vector<16xf32>
    %neg3A_138 = arith.constant 0.000000e+00 : f32
    %neg3A_139 = vector.broadcast %neg3A_138 : f32 to vector<16xf32>
    %neg3A_140 = arith.subf %neg3A_139, %get3A_5 : vector<16xf32>
    %sort3A_141 = arith.constant dense<true> : vector<16xi1>
    %sort3A_142, %sort3A_143, %sort3A_144 = tpu.sort %neg3A_140, %add3A_45 masked %sort3A_141 : (vector<16xf32>, vector<16xi32>, vector<16xi1>) -> (vector<16xi1>, vector<16xf32>, vector<16xi32>)
    %neg3A_145 = arith.constant 0.000000e+00 : f32
    %neg3A_146 = vector.broadcast %neg3A_145 : f32 to vector<16xf32>
    %neg3A_147 = arith.subf %neg3A_146, %sort3A_143 : vector<16xf32>
    %neg3A_148 = arith.constant 0.000000e+00 : f32
    %neg3A_149 = vector.broadcast %neg3A_148 : f32 to vector<16xf32>
    %neg3A_150 = arith.subf %neg3A_149, %get3A_7 : vector<16xf32>
    %sort3A_151 = arith.constant dense<true> : vector<16xi1>
    %sort3A_152, %sort3A_153, %sort3A_154 = tpu.sort %neg3A_150, %add3A_51 masked %sort3A_151 : (vector<16xf32>, vector<16xi32>, vector<16xi1>) -> (vector<16xi1>, vector<16xf32>, vector<16xi32>)
    %neg3A_155 = arith.constant 0.000000e+00 : f32
    %neg3A_156 = vector.broadcast %neg3A_155 : f32 to vector<16xf32>
    %neg3A_157 = arith.subf %neg3A_156, %sort3A_153 : vector<16xf32>
    %neg3A_158 = arith.constant 0.000000e+00 : f32
    %neg3A_159 = vector.broadcast %neg3A_158 : f32 to vector<16xf32>
    %neg3A_160 = arith.subf %neg3A_159, %get3A_9 : vector<16xf32>
    %sort3A_161 = arith.constant dense<true> : vector<16xi1>
    %sort3A_162, %sort3A_163, %sort3A_164 = tpu.sort %neg3A_160, %add3A_57 masked %sort3A_161 : (vector<16xf32>, vector<16xi32>, vector<16xi1>) -> (vector<16xi1>, vector<16xf32>, vector<16xi32>)
    %neg3A_165 = arith.constant 0.000000e+00 : f32
    %neg3A_166 = vector.broadcast %neg3A_165 : f32 to vector<16xf32>
    %neg3A_167 = arith.subf %neg3A_166, %sort3A_163 : vector<16xf32>
    %neg3A_168 = arith.constant 0.000000e+00 : f32
    %neg3A_169 = vector.broadcast %neg3A_168 : f32 to vector<16xf32>
    %neg3A_170 = arith.subf %neg3A_169, %get3A_11 : vector<16xf32>
    %sort3A_171 = arith.constant dense<true> : vector<16xi1>
    %sort3A_172, %sort3A_173, %sort3A_174 = tpu.sort %neg3A_170, %add3A_63 masked %sort3A_171 : (vector<16xf32>, vector<16xi32>, vector<16xi1>) -> (vector<16xi1>, vector<16xf32>, vector<16xi32>)
    %neg3A_175 = arith.constant 0.000000e+00 : f32
    %neg3A_176 = vector.broadcast %neg3A_175 : f32 to vector<16xf32>
    %neg3A_177 = arith.subf %neg3A_176, %sort3A_173 : vector<16xf32>
    %neg3A_178 = arith.constant 0.000000e+00 : f32
    %neg3A_179 = vector.broadcast %neg3A_178 : f32 to vector<16xf32>
    %neg3A_180 = arith.subf %neg3A_179, %get3A_13 : vector<16xf32>
    %sort3A_181 = arith.constant dense<true> : vector<16xi1>
    %sort3A_182, %sort3A_183, %sort3A_184 = tpu.sort %neg3A_180, %add3A_69 masked %sort3A_181 : (vector<16xf32>, vector<16xi32>, vector<16xi1>) -> (vector<16xi1>, vector<16xf32>, vector<16xi32>)
    %neg3A_185 = arith.constant 0.000000e+00 : f32
    %neg3A_186 = vector.broadcast %neg3A_185 : f32 to vector<16xf32>
    %neg3A_187 = arith.subf %neg3A_186, %sort3A_183 : vector<16xf32>
    %neg3A_188 = arith.constant 0.000000e+00 : f32
    %neg3A_189 = vector.broadcast %neg3A_188 : f32 to vector<16xf32>
    %neg3A_190 = arith.subf %neg3A_189, %get3A_15 : vector<16xf32>
    %sort3A_191 = arith.constant dense<true> : vector<16xi1>
    %sort3A_192, %sort3A_193, %sort3A_194 = tpu.sort %neg3A_190, %add3A_75 masked %sort3A_191 : (vector<16xf32>, vector<16xi32>, vector<16xi1>) -> (vector<16xi1>, vector<16xf32>, vector<16xi32>)
    %neg3A_195 = arith.constant 0.000000e+00 : f32
    %neg3A_196 = vector.broadcast %neg3A_195 : f32 to vector<16xf32>
    %neg3A_197 = arith.subf %neg3A_196, %sort3A_193 : vector<16xf32>
    %neg3A_198 = arith.constant 0.000000e+00 : f32
    %neg3A_199 = vector.broadcast %neg3A_198 : f32 to vector<16xf32>
    %neg3A_200 = arith.subf %neg3A_199, %get3A_17 : vector<16xf32>
    %sort3A_201 = arith.constant dense<true> : vector<16xi1>
    %sort3A_202, %sort3A_203, %sort3A_204 = tpu.sort %neg3A_200, %add3A_81 masked %sort3A_201 : (vector<16xf32>, vector<16xi32>, vector<16xi1>) -> (vector<16xi1>, vector<16xf32>, vector<16xi32>)
    %neg3A_205 = arith.constant 0.000000e+00 : f32
    %neg3A_206 = vector.broadcast %neg3A_205 : f32 to vector<16xf32>
    %neg3A_207 = arith.subf %neg3A_206, %sort3A_203 : vector<16xf32>
    %neg3A_208 = arith.constant 0.000000e+00 : f32
    %neg3A_209 = vector.broadcast %neg3A_208 : f32 to vector<16xf32>
    %neg3A_210 = arith.subf %neg3A_209, %get3A_19 : vector<16xf32>
    %sort3A_211 = arith.constant dense<true> : vector<16xi1>
    %sort3A_212, %sort3A_213, %sort3A_214 = tpu.sort %neg3A_210, %add3A_87 masked %sort3A_211 : (vector<16xf32>, vector<16xi32>, vector<16xi1>) -> (vector<16xi1>, vector<16xf32>, vector<16xi32>)
    %neg3A_215 = arith.constant 0.000000e+00 : f32
    %neg3A_216 = vector.broadcast %neg3A_215 : f32 to vector<16xf32>
    %neg3A_217 = arith.subf %neg3A_216, %sort3A_213 : vector<16xf32>
    %neg3A_218 = arith.constant 0.000000e+00 : f32
    %neg3A_219 = vector.broadcast %neg3A_218 : f32 to vector<16xf32>
    %neg3A_220 = arith.subf %neg3A_219, %get3A_21 : vector<16xf32>
    %sort3A_221 = arith.constant dense<true> : vector<16xi1>
    %sort3A_222, %sort3A_223, %sort3A_224 = tpu.sort %neg3A_220, %add3A_93 masked %sort3A_221 : (vector<16xf32>, vector<16xi32>, vector<16xi1>) -> (vector<16xi1>, vector<16xf32>, vector<16xi32>)
    %neg3A_225 = arith.constant 0.000000e+00 : f32
    %neg3A_226 = vector.broadcast %neg3A_225 : f32 to vector<16xf32>
    %neg3A_227 = arith.subf %neg3A_226, %sort3A_223 : vector<16xf32>
    %neg3A_228 = arith.constant 0.000000e+00 : f32
    %neg3A_229 = vector.broadcast %neg3A_228 : f32 to vector<16xf32>
    %neg3A_230 = arith.subf %neg3A_229, %get3A_23 : vector<16xf32>
    %sort3A_231 = arith.constant dense<true> : vector<16xi1>
    %sort3A_232, %sort3A_233, %sort3A_234 = tpu.sort %neg3A_230, %add3A_99 masked %sort3A_231 : (vector<16xf32>, vector<16xi32>, vector<16xi1>) -> (vector<16xi1>, vector<16xf32>, vector<16xi32>)
    %neg3A_235 = arith.constant 0.000000e+00 : f32
    %neg3A_236 = vector.broadcast %neg3A_235 : f32 to vector<16xf32>
    %neg3A_237 = arith.subf %neg3A_236, %sort3A_233 : vector<16xf32>
    %neg3A_238 = arith.constant 0.000000e+00 : f32
    %neg3A_239 = vector.broadcast %neg3A_238 : f32 to vector<16xf32>
    %neg3A_240 = arith.subf %neg3A_239, %get3A_25 : vector<16xf32>
    %sort3A_241 = arith.constant dense<true> : vector<16xi1>
    %sort3A_242, %sort3A_243, %sort3A_244 = tpu.sort %neg3A_240, %add3A_105 masked %sort3A_241 : (vector<16xf32>, vector<16xi32>, vector<16xi1>) -> (vector<16xi1>, vector<16xf32>, vector<16xi32>)
    %neg3A_245 = arith.constant 0.000000e+00 : f32
    %neg3A_246 = vector.broadcast %neg3A_245 : f32 to vector<16xf32>
    %neg3A_247 = arith.subf %neg3A_246, %sort3A_243 : vector<16xf32>
    %neg3A_248 = arith.constant 0.000000e+00 : f32
    %neg3A_249 = vector.broadcast %neg3A_248 : f32 to vector<16xf32>
    %neg3A_250 = arith.subf %neg3A_249, %get3A_27 : vector<16xf32>
    %sort3A_251 = arith.constant dense<true> : vector<16xi1>
    %sort3A_252, %sort3A_253, %sort3A_254 = tpu.sort %neg3A_250, %add3A_111 masked %sort3A_251 : (vector<16xf32>, vector<16xi32>, vector<16xi1>) -> (vector<16xi1>, vector<16xf32>, vector<16xi32>)
    %neg3A_255 = arith.constant 0.000000e+00 : f32
    %neg3A_256 = vector.broadcast %neg3A_255 : f32 to vector<16xf32>
    %neg3A_257 = arith.subf %neg3A_256, %sort3A_253 : vector<16xf32>
    %neg3A_258 = arith.constant 0.000000e+00 : f32
    %neg3A_259 = vector.broadcast %neg3A_258 : f32 to vector<16xf32>
    %neg3A_260 = arith.subf %neg3A_259, %get3A_29 : vector<16xf32>
    %sort3A_261 = arith.constant dense<true> : vector<16xi1>
    %sort3A_262, %sort3A_263, %sort3A_264 = tpu.sort %neg3A_260, %add3A_117 masked %sort3A_261 : (vector<16xf32>, vector<16xi32>, vector<16xi1>) -> (vector<16xi1>, vector<16xf32>, vector<16xi32>)
    %neg3A_265 = arith.constant 0.000000e+00 : f32
    %neg3A_266 = vector.broadcast %neg3A_265 : f32 to vector<16xf32>
    %neg3A_267 = arith.subf %neg3A_266, %sort3A_263 : vector<16xf32>
    %neg3A_268 = arith.constant 0.000000e+00 : f32
    %neg3A_269 = vector.broadcast %neg3A_268 : f32 to vector<16xf32>
    %neg3A_270 = arith.subf %neg3A_269, %get3A_31 : vector<16xf32>
    %sort3A_271 = arith.constant dense<true> : vector<16xi1>
    %sort3A_272, %sort3A_273, %sort3A_274 = tpu.sort %neg3A_270, %add3A_123 masked %sort3A_271 : (vector<16xf32>, vector<16xi32>, vector<16xi1>) -> (vector<16xi1>, vector<16xf32>, vector<16xi32>)
    %neg3A_275 = arith.constant 0.000000e+00 : f32
    %neg3A_276 = vector.broadcast %neg3A_275 : f32 to vector<16xf32>
    %neg3A_277 = arith.subf %neg3A_276, %sort3A_273 : vector<16xf32>
    %neg3A_278 = arith.constant 0.000000e+00 : f32
    %neg3A_279 = vector.broadcast %neg3A_278 : f32 to vector<16xf32>
    %neg3A_280 = arith.subf %neg3A_279, %get3A_33 : vector<16xf32>
    %sort3A_281 = arith.constant dense<true> : vector<16xi1>
    %sort3A_282, %sort3A_283, %sort3A_284 = tpu.sort %neg3A_280, %add3A_129 masked %sort3A_281 : (vector<16xf32>, vector<16xi32>, vector<16xi1>) -> (vector<16xi1>, vector<16xf32>, vector<16xi32>)
    %neg3A_285 = arith.constant 0.000000e+00 : f32
    %neg3A_286 = vector.broadcast %neg3A_285 : f32 to vector<16xf32>
    %neg3A_287 = arith.subf %neg3A_286, %sort3A_283 : vector<16xf32>
    %rev3A = arith.constant 15 : i32
    %rev3A_288 = vector.broadcast %rev3A : i32 to vector<16xi32>
    %rev3A_289 = tpu.iota {dimensions = array<i32: 0>} : vector<16xi32>
    %rev3A_290 = arith.subi %rev3A_288, %rev3A_289 : vector<16xi32>
    %rev3A_291 = tpu.dynamic_gather %neg3A_147[%rev3A_290] in [0] : vector<16xf32>, vector<16xi32> -> vector<16xf32>
    %rev3A_292 = arith.constant 15 : i32
    %rev3A_293 = vector.broadcast %rev3A_292 : i32 to vector<16xi32>
    %rev3A_294 = tpu.iota {dimensions = array<i32: 0>} : vector<16xi32>
    %rev3A_295 = arith.subi %rev3A_293, %rev3A_294 : vector<16xi32>
    %rev3A_296 = tpu.dynamic_gather %sort3A_144[%rev3A_295] in [0] : vector<16xi32>, vector<16xi32> -> vector<16xi32>
    %gt3A = arith.cmpf ogt, %neg3A_137, %rev3A_291 : vector<16xf32>
    %eq3A = arith.cmpf oeq, %neg3A_137, %rev3A_291 : vector<16xf32>
    %lt3A = arith.cmpi slt, %sort3A_134, %rev3A_296 : vector<16xi32>
    %and3A = arith.andi %eq3A, %lt3A : vector<16xi1>
    %or3A = arith.ori %gt3A, %and3A : vector<16xi1>
    %select_n3A = arith.select %or3A, %neg3A_137, %rev3A_291 : vector<16xi1>, vector<16xf32>
    %select_n3A_297 = arith.select %or3A, %sort3A_134, %rev3A_296 : vector<16xi1>, vector<16xi32>
    %select_n3A_298 = arith.select %or3A, %rev3A_291, %neg3A_137 : vector<16xi1>, vector<16xf32>
    %select_n3A_299 = arith.select %or3A, %rev3A_296, %sort3A_134 : vector<16xi1>, vector<16xi32>
    %sort3A_300 = arith.constant dense<true> : vector<16xi1>
    %sort3A_301, %sort3A_302, %sort3A_303 = tpu.sort %select_n3A_297, %select_n3A masked %sort3A_300 : (vector<16xi32>, vector<16xf32>, vector<16xi1>) -> (vector<16xi1>, vector<16xi32>, vector<16xf32>)
    %neg3A_304 = arith.constant 0.000000e+00 : f32
    %neg3A_305 = vector.broadcast %neg3A_304 : f32 to vector<16xf32>
    %neg3A_306 = arith.subf %neg3A_305, %sort3A_303 : vector<16xf32>
    %sort3A_307 = arith.constant dense<true> : vector<16xi1>
    %sort3A_308, %sort3A_309, %sort3A_310 = tpu.sort %neg3A_306, %sort3A_302 masked %sort3A_307 : (vector<16xf32>, vector<16xi32>, vector<16xi1>) -> (vector<16xi1>, vector<16xf32>, vector<16xi32>)
    %neg3A_311 = arith.constant 0.000000e+00 : f32
    %neg3A_312 = vector.broadcast %neg3A_311 : f32 to vector<16xf32>
    %neg3A_313 = arith.subf %neg3A_312, %sort3A_309 : vector<16xf32>
    %sort3A_314 = arith.constant dense<true> : vector<16xi1>
    %sort3A_315, %sort3A_316, %sort3A_317 = tpu.sort %select_n3A_299, %select_n3A_298 masked %sort3A_314 : (vector<16xi32>, vector<16xf32>, vector<16xi1>) -> (vector<16xi1>, vector<16xi32>, vector<16xf32>)
    %neg3A_318 = arith.constant 0.000000e+00 : f32
    %neg3A_319 = vector.broadcast %neg3A_318 : f32 to vector<16xf32>
    %neg3A_320 = arith.subf %neg3A_319, %sort3A_317 : vector<16xf32>
    %sort3A_321 = arith.constant dense<true> : vector<16xi1>
    %sort3A_322, %sort3A_323, %sort3A_324 = tpu.sort %neg3A_320, %sort3A_316 masked %sort3A_321 : (vector<16xf32>, vector<16xi32>, vector<16xi1>) -> (vector<16xi1>, vector<16xf32>, vector<16xi32>)
    %neg3A_325 = arith.constant 0.000000e+00 : f32
    %neg3A_326 = vector.broadcast %neg3A_325 : f32 to vector<16xf32>
    %neg3A_327 = arith.subf %neg3A_326, %sort3A_323 : vector<16xf32>
    %rev3A_328 = arith.constant 15 : i32
    %rev3A_329 = vector.broadcast %rev3A_328 : i32 to vector<16xi32>
    %rev3A_330 = tpu.iota {dimensions = array<i32: 0>} : vector<16xi32>
    %rev3A_331 = arith.subi %rev3A_329, %rev3A_330 : vector<16xi32>
    %rev3A_332 = tpu.dynamic_gather %neg3A_167[%rev3A_331] in [0] : vector<16xf32>, vector<16xi32> -> vector<16xf32>
    %rev3A_333 = arith.constant 15 : i32
    %rev3A_334 = vector.broadcast %rev3A_333 : i32 to vector<16xi32>
    %rev3A_335 = tpu.iota {dimensions = array<i32: 0>} : vector<16xi32>
    %rev3A_336 = arith.subi %rev3A_334, %rev3A_335 : vector<16xi32>
    %rev3A_337 = tpu.dynamic_gather %sort3A_164[%rev3A_336] in [0] : vector<16xi32>, vector<16xi32> -> vector<16xi32>
    %gt3A_338 = arith.cmpf ogt, %neg3A_157, %rev3A_332 : vector<16xf32>
    %eq3A_339 = arith.cmpf oeq, %neg3A_157, %rev3A_332 : vector<16xf32>
    %lt3A_340 = arith.cmpi slt, %sort3A_154, %rev3A_337 : vector<16xi32>
    %and3A_341 = arith.andi %eq3A_339, %lt3A_340 : vector<16xi1>
    %or3A_342 = arith.ori %gt3A_338, %and3A_341 : vector<16xi1>
    %select_n3A_343 = arith.select %or3A_342, %neg3A_157, %rev3A_332 : vector<16xi1>, vector<16xf32>
    %select_n3A_344 = arith.select %or3A_342, %sort3A_154, %rev3A_337 : vector<16xi1>, vector<16xi32>
    %select_n3A_345 = arith.select %or3A_342, %rev3A_332, %neg3A_157 : vector<16xi1>, vector<16xf32>
    %select_n3A_346 = arith.select %or3A_342, %rev3A_337, %sort3A_154 : vector<16xi1>, vector<16xi32>
    %sort3A_347 = arith.constant dense<true> : vector<16xi1>
    %sort3A_348, %sort3A_349, %sort3A_350 = tpu.sort %select_n3A_344, %select_n3A_343 masked %sort3A_347 : (vector<16xi32>, vector<16xf32>, vector<16xi1>) -> (vector<16xi1>, vector<16xi32>, vector<16xf32>)
    %neg3A_351 = arith.constant 0.000000e+00 : f32
    %neg3A_352 = vector.broadcast %neg3A_351 : f32 to vector<16xf32>
    %neg3A_353 = arith.subf %neg3A_352, %sort3A_350 : vector<16xf32>
    %sort3A_354 = arith.constant dense<true> : vector<16xi1>
    %sort3A_355, %sort3A_356, %sort3A_357 = tpu.sort %neg3A_353, %sort3A_349 masked %sort3A_354 : (vector<16xf32>, vector<16xi32>, vector<16xi1>) -> (vector<16xi1>, vector<16xf32>, vector<16xi32>)
    %neg3A_358 = arith.constant 0.000000e+00 : f32
    %neg3A_359 = vector.broadcast %neg3A_358 : f32 to vector<16xf32>
    %neg3A_360 = arith.subf %neg3A_359, %sort3A_356 : vector<16xf32>
    %sort3A_361 = arith.constant dense<true> : vector<16xi1>
    %sort3A_362, %sort3A_363, %sort3A_364 = tpu.sort %select_n3A_346, %select_n3A_345 masked %sort3A_361 : (vector<16xi32>, vector<16xf32>, vector<16xi1>) -> (vector<16xi1>, vector<16xi32>, vector<16xf32>)
    %neg3A_365 = arith.constant 0.000000e+00 : f32
    %neg3A_366 = vector.broadcast %neg3A_365 : f32 to vector<16xf32>
    %neg3A_367 = arith.subf %neg3A_366, %sort3A_364 : vector<16xf32>
    %sort3A_368 = arith.constant dense<true> : vector<16xi1>
    %sort3A_369, %sort3A_370, %sort3A_371 = tpu.sort %neg3A_367, %sort3A_363 masked %sort3A_368 : (vector<16xf32>, vector<16xi32>, vector<16xi1>) -> (vector<16xi1>, vector<16xf32>, vector<16xi32>)
    %neg3A_372 = arith.constant 0.000000e+00 : f32
    %neg3A_373 = vector.broadcast %neg3A_372 : f32 to vector<16xf32>
    %neg3A_374 = arith.subf %neg3A_373, %sort3A_370 : vector<16xf32>
    %rev3A_375 = arith.constant 15 : i32
    %rev3A_376 = vector.broadcast %rev3A_375 : i32 to vector<16xi32>
    %rev3A_377 = tpu.iota {dimensions = array<i32: 0>} : vector<16xi32>
    %rev3A_378 = arith.subi %rev3A_376, %rev3A_377 : vector<16xi32>
    %rev3A_379 = tpu.dynamic_gather %neg3A_187[%rev3A_378] in [0] : vector<16xf32>, vector<16xi32> -> vector<16xf32>
    %rev3A_380 = arith.constant 15 : i32
    %rev3A_381 = vector.broadcast %rev3A_380 : i32 to vector<16xi32>
    %rev3A_382 = tpu.iota {dimensions = array<i32: 0>} : vector<16xi32>
    %rev3A_383 = arith.subi %rev3A_381, %rev3A_382 : vector<16xi32>
    %rev3A_384 = tpu.dynamic_gather %sort3A_184[%rev3A_383] in [0] : vector<16xi32>, vector<16xi32> -> vector<16xi32>
    %gt3A_385 = arith.cmpf ogt, %neg3A_177, %rev3A_379 : vector<16xf32>
    %eq3A_386 = arith.cmpf oeq, %neg3A_177, %rev3A_379 : vector<16xf32>
    %lt3A_387 = arith.cmpi slt, %sort3A_174, %rev3A_384 : vector<16xi32>
    %and3A_388 = arith.andi %eq3A_386, %lt3A_387 : vector<16xi1>
    %or3A_389 = arith.ori %gt3A_385, %and3A_388 : vector<16xi1>
    %select_n3A_390 = arith.select %or3A_389, %neg3A_177, %rev3A_379 : vector<16xi1>, vector<16xf32>
    %select_n3A_391 = arith.select %or3A_389, %sort3A_174, %rev3A_384 : vector<16xi1>, vector<16xi32>
    %select_n3A_392 = arith.select %or3A_389, %rev3A_379, %neg3A_177 : vector<16xi1>, vector<16xf32>
    %select_n3A_393 = arith.select %or3A_389, %rev3A_384, %sort3A_174 : vector<16xi1>, vector<16xi32>
    %sort3A_394 = arith.constant dense<true> : vector<16xi1>
    %sort3A_395, %sort3A_396, %sort3A_397 = tpu.sort %select_n3A_391, %select_n3A_390 masked %sort3A_394 : (vector<16xi32>, vector<16xf32>, vector<16xi1>) -> (vector<16xi1>, vector<16xi32>, vector<16xf32>)
    %neg3A_398 = arith.constant 0.000000e+00 : f32
    %neg3A_399 = vector.broadcast %neg3A_398 : f32 to vector<16xf32>
    %neg3A_400 = arith.subf %neg3A_399, %sort3A_397 : vector<16xf32>
    %sort3A_401 = arith.constant dense<true> : vector<16xi1>
    %sort3A_402, %sort3A_403, %sort3A_404 = tpu.sort %neg3A_400, %sort3A_396 masked %sort3A_401 : (vector<16xf32>, vector<16xi32>, vector<16xi1>) -> (vector<16xi1>, vector<16xf32>, vector<16xi32>)
    %neg3A_405 = arith.constant 0.000000e+00 : f32
    %neg3A_406 = vector.broadcast %neg3A_405 : f32 to vector<16xf32>
    %neg3A_407 = arith.subf %neg3A_406, %sort3A_403 : vector<16xf32>
    %sort3A_408 = arith.constant dense<true> : vector<16xi1>
    %sort3A_409, %sort3A_410, %sort3A_411 = tpu.sort %select_n3A_393, %select_n3A_392 masked %sort3A_408 : (vector<16xi32>, vector<16xf32>, vector<16xi1>) -> (vector<16xi1>, vector<16xi32>, vector<16xf32>)
    %neg3A_412 = arith.constant 0.000000e+00 : f32
    %neg3A_413 = vector.broadcast %neg3A_412 : f32 to vector<16xf32>
    %neg3A_414 = arith.subf %neg3A_413, %sort3A_411 : vector<16xf32>
    %sort3A_415 = arith.constant dense<true> : vector<16xi1>
    %sort3A_416, %sort3A_417, %sort3A_418 = tpu.sort %neg3A_414, %sort3A_410 masked %sort3A_415 : (vector<16xf32>, vector<16xi32>, vector<16xi1>) -> (vector<16xi1>, vector<16xf32>, vector<16xi32>)
    %neg3A_419 = arith.constant 0.000000e+00 : f32
    %neg3A_420 = vector.broadcast %neg3A_419 : f32 to vector<16xf32>
    %neg3A_421 = arith.subf %neg3A_420, %sort3A_417 : vector<16xf32>
    %rev3A_422 = arith.constant 15 : i32
    %rev3A_423 = vector.broadcast %rev3A_422 : i32 to vector<16xi32>
    %rev3A_424 = tpu.iota {dimensions = array<i32: 0>} : vector<16xi32>
    %rev3A_425 = arith.subi %rev3A_423, %rev3A_424 : vector<16xi32>
    %rev3A_426 = tpu.dynamic_gather %neg3A_207[%rev3A_425] in [0] : vector<16xf32>, vector<16xi32> -> vector<16xf32>
    %rev3A_427 = arith.constant 15 : i32
    %rev3A_428 = vector.broadcast %rev3A_427 : i32 to vector<16xi32>
    %rev3A_429 = tpu.iota {dimensions = array<i32: 0>} : vector<16xi32>
    %rev3A_430 = arith.subi %rev3A_428, %rev3A_429 : vector<16xi32>
    %rev3A_431 = tpu.dynamic_gather %sort3A_204[%rev3A_430] in [0] : vector<16xi32>, vector<16xi32> -> vector<16xi32>
    %gt3A_432 = arith.cmpf ogt, %neg3A_197, %rev3A_426 : vector<16xf32>
    %eq3A_433 = arith.cmpf oeq, %neg3A_197, %rev3A_426 : vector<16xf32>
    %lt3A_434 = arith.cmpi slt, %sort3A_194, %rev3A_431 : vector<16xi32>
    %and3A_435 = arith.andi %eq3A_433, %lt3A_434 : vector<16xi1>
    %or3A_436 = arith.ori %gt3A_432, %and3A_435 : vector<16xi1>
    %select_n3A_437 = arith.select %or3A_436, %neg3A_197, %rev3A_426 : vector<16xi1>, vector<16xf32>
    %select_n3A_438 = arith.select %or3A_436, %sort3A_194, %rev3A_431 : vector<16xi1>, vector<16xi32>
    %select_n3A_439 = arith.select %or3A_436, %rev3A_426, %neg3A_197 : vector<16xi1>, vector<16xf32>
    %select_n3A_440 = arith.select %or3A_436, %rev3A_431, %sort3A_194 : vector<16xi1>, vector<16xi32>
    %sort3A_441 = arith.constant dense<true> : vector<16xi1>
    %sort3A_442, %sort3A_443, %sort3A_444 = tpu.sort %select_n3A_438, %select_n3A_437 masked %sort3A_441 : (vector<16xi32>, vector<16xf32>, vector<16xi1>) -> (vector<16xi1>, vector<16xi32>, vector<16xf32>)
    %neg3A_445 = arith.constant 0.000000e+00 : f32
    %neg3A_446 = vector.broadcast %neg3A_445 : f32 to vector<16xf32>
    %neg3A_447 = arith.subf %neg3A_446, %sort3A_444 : vector<16xf32>
    %sort3A_448 = arith.constant dense<true> : vector<16xi1>
    %sort3A_449, %sort3A_450, %sort3A_451 = tpu.sort %neg3A_447, %sort3A_443 masked %sort3A_448 : (vector<16xf32>, vector<16xi32>, vector<16xi1>) -> (vector<16xi1>, vector<16xf32>, vector<16xi32>)
    %neg3A_452 = arith.constant 0.000000e+00 : f32
    %neg3A_453 = vector.broadcast %neg3A_452 : f32 to vector<16xf32>
    %neg3A_454 = arith.subf %neg3A_453, %sort3A_450 : vector<16xf32>
    %sort3A_455 = arith.constant dense<true> : vector<16xi1>
    %sort3A_456, %sort3A_457, %sort3A_458 = tpu.sort %select_n3A_440, %select_n3A_439 masked %sort3A_455 : (vector<16xi32>, vector<16xf32>, vector<16xi1>) -> (vector<16xi1>, vector<16xi32>, vector<16xf32>)
    %neg3A_459 = arith.constant 0.000000e+00 : f32
    %neg3A_460 = vector.broadcast %neg3A_459 : f32 to vector<16xf32>
    %neg3A_461 = arith.subf %neg3A_460, %sort3A_458 : vector<16xf32>
    %sort3A_462 = arith.constant dense<true> : vector<16xi1>
    %sort3A_463, %sort3A_464, %sort3A_465 = tpu.sort %neg3A_461, %sort3A_457 masked %sort3A_462 : (vector<16xf32>, vector<16xi32>, vector<16xi1>) -> (vector<16xi1>, vector<16xf32>, vector<16xi32>)
    %neg3A_466 = arith.constant 0.000000e+00 : f32
    %neg3A_467 = vector.broadcast %neg3A_466 : f32 to vector<16xf32>
    %neg3A_468 = arith.subf %neg3A_467, %sort3A_464 : vector<16xf32>
    %rev3A_469 = arith.constant 15 : i32
    %rev3A_470 = vector.broadcast %rev3A_469 : i32 to vector<16xi32>
    %rev3A_471 = tpu.iota {dimensions = array<i32: 0>} : vector<16xi32>
    %rev3A_472 = arith.subi %rev3A_470, %rev3A_471 : vector<16xi32>
    %rev3A_473 = tpu.dynamic_gather %neg3A_227[%rev3A_472] in [0] : vector<16xf32>, vector<16xi32> -> vector<16xf32>
    %rev3A_474 = arith.constant 15 : i32
    %rev3A_475 = vector.broadcast %rev3A_474 : i32 to vector<16xi32>
    %rev3A_476 = tpu.iota {dimensions = array<i32: 0>} : vector<16xi32>
    %rev3A_477 = arith.subi %rev3A_475, %rev3A_476 : vector<16xi32>
    %rev3A_478 = tpu.dynamic_gather %sort3A_224[%rev3A_477] in [0] : vector<16xi32>, vector<16xi32> -> vector<16xi32>
    %gt3A_479 = arith.cmpf ogt, %neg3A_217, %rev3A_473 : vector<16xf32>
    %eq3A_480 = arith.cmpf oeq, %neg3A_217, %rev3A_473 : vector<16xf32>
    %lt3A_481 = arith.cmpi slt, %sort3A_214, %rev3A_478 : vector<16xi32>
    %and3A_482 = arith.andi %eq3A_480, %lt3A_481 : vector<16xi1>
    %or3A_483 = arith.ori %gt3A_479, %and3A_482 : vector<16xi1>
    %select_n3A_484 = arith.select %or3A_483, %neg3A_217, %rev3A_473 : vector<16xi1>, vector<16xf32>
    %select_n3A_485 = arith.select %or3A_483, %sort3A_214, %rev3A_478 : vector<16xi1>, vector<16xi32>
    %select_n3A_486 = arith.select %or3A_483, %rev3A_473, %neg3A_217 : vector<16xi1>, vector<16xf32>
    %select_n3A_487 = arith.select %or3A_483, %rev3A_478, %sort3A_214 : vector<16xi1>, vector<16xi32>
    %sort3A_488 = arith.constant dense<true> : vector<16xi1>
    %sort3A_489, %sort3A_490, %sort3A_491 = tpu.sort %select_n3A_485, %select_n3A_484 masked %sort3A_488 : (vector<16xi32>, vector<16xf32>, vector<16xi1>) -> (vector<16xi1>, vector<16xi32>, vector<16xf32>)
    %neg3A_492 = arith.constant 0.000000e+00 : f32
    %neg3A_493 = vector.broadcast %neg3A_492 : f32 to vector<16xf32>
    %neg3A_494 = arith.subf %neg3A_493, %sort3A_491 : vector<16xf32>
    %sort3A_495 = arith.constant dense<true> : vector<16xi1>
    %sort3A_496, %sort3A_497, %sort3A_498 = tpu.sort %neg3A_494, %sort3A_490 masked %sort3A_495 : (vector<16xf32>, vector<16xi32>, vector<16xi1>) -> (vector<16xi1>, vector<16xf32>, vector<16xi32>)
    %neg3A_499 = arith.constant 0.000000e+00 : f32
    %neg3A_500 = vector.broadcast %neg3A_499 : f32 to vector<16xf32>
    %neg3A_501 = arith.subf %neg3A_500, %sort3A_497 : vector<16xf32>
    %sort3A_502 = arith.constant dense<true> : vector<16xi1>
    %sort3A_503, %sort3A_504, %sort3A_505 = tpu.sort %select_n3A_487, %select_n3A_486 masked %sort3A_502 : (vector<16xi32>, vector<16xf32>, vector<16xi1>) -> (vector<16xi1>, vector<16xi32>, vector<16xf32>)
    %neg3A_506 = arith.constant 0.000000e+00 : f32
    %neg3A_507 = vector.broadcast %neg3A_506 : f32 to vector<16xf32>
    %neg3A_508 = arith.subf %neg3A_507, %sort3A_505 : vector<16xf32>
    %sort3A_509 = arith.constant dense<true> : vector<16xi1>
    %sort3A_510, %sort3A_511, %sort3A_512 = tpu.sort %neg3A_508, %sort3A_504 masked %sort3A_509 : (vector<16xf32>, vector<16xi32>, vector<16xi1>) -> (vector<16xi1>, vector<16xf32>, vector<16xi32>)
    %neg3A_513 = arith.constant 0.000000e+00 : f32
    %neg3A_514 = vector.broadcast %neg3A_513 : f32 to vector<16xf32>
    %neg3A_515 = arith.subf %neg3A_514, %sort3A_511 : vector<16xf32>
    %rev3A_516 = arith.constant 15 : i32
    %rev3A_517 = vector.broadcast %rev3A_516 : i32 to vector<16xi32>
    %rev3A_518 = tpu.iota {dimensions = array<i32: 0>} : vector<16xi32>
    %rev3A_519 = arith.subi %rev3A_517, %rev3A_518 : vector<16xi32>
    %rev3A_520 = tpu.dynamic_gather %neg3A_247[%rev3A_519] in [0] : vector<16xf32>, vector<16xi32> -> vector<16xf32>
    %rev3A_521 = arith.constant 15 : i32
    %rev3A_522 = vector.broadcast %rev3A_521 : i32 to vector<16xi32>
    %rev3A_523 = tpu.iota {dimensions = array<i32: 0>} : vector<16xi32>
    %rev3A_524 = arith.subi %rev3A_522, %rev3A_523 : vector<16xi32>
    %rev3A_525 = tpu.dynamic_gather %sort3A_244[%rev3A_524] in [0] : vector<16xi32>, vector<16xi32> -> vector<16xi32>
    %gt3A_526 = arith.cmpf ogt, %neg3A_237, %rev3A_520 : vector<16xf32>
    %eq3A_527 = arith.cmpf oeq, %neg3A_237, %rev3A_520 : vector<16xf32>
    %lt3A_528 = arith.cmpi slt, %sort3A_234, %rev3A_525 : vector<16xi32>
    %and3A_529 = arith.andi %eq3A_527, %lt3A_528 : vector<16xi1>
    %or3A_530 = arith.ori %gt3A_526, %and3A_529 : vector<16xi1>
    %select_n3A_531 = arith.select %or3A_530, %neg3A_237, %rev3A_520 : vector<16xi1>, vector<16xf32>
    %select_n3A_532 = arith.select %or3A_530, %sort3A_234, %rev3A_525 : vector<16xi1>, vector<16xi32>
    %select_n3A_533 = arith.select %or3A_530, %rev3A_520, %neg3A_237 : vector<16xi1>, vector<16xf32>
    %select_n3A_534 = arith.select %or3A_530, %rev3A_525, %sort3A_234 : vector<16xi1>, vector<16xi32>
    %sort3A_535 = arith.constant dense<true> : vector<16xi1>
    %sort3A_536, %sort3A_537, %sort3A_538 = tpu.sort %select_n3A_532, %select_n3A_531 masked %sort3A_535 : (vector<16xi32>, vector<16xf32>, vector<16xi1>) -> (vector<16xi1>, vector<16xi32>, vector<16xf32>)
    %neg3A_539 = arith.constant 0.000000e+00 : f32
    %neg3A_540 = vector.broadcast %neg3A_539 : f32 to vector<16xf32>
    %neg3A_541 = arith.subf %neg3A_540, %sort3A_538 : vector<16xf32>
    %sort3A_542 = arith.constant dense<true> : vector<16xi1>
    %sort3A_543, %sort3A_544, %sort3A_545 = tpu.sort %neg3A_541, %sort3A_537 masked %sort3A_542 : (vector<16xf32>, vector<16xi32>, vector<16xi1>) -> (vector<16xi1>, vector<16xf32>, vector<16xi32>)
    %neg3A_546 = arith.constant 0.000000e+00 : f32
    %neg3A_547 = vector.broadcast %neg3A_546 : f32 to vector<16xf32>
    %neg3A_548 = arith.subf %neg3A_547, %sort3A_544 : vector<16xf32>
    %sort3A_549 = arith.constant dense<true> : vector<16xi1>
    %sort3A_550, %sort3A_551, %sort3A_552 = tpu.sort %select_n3A_534, %select_n3A_533 masked %sort3A_549 : (vector<16xi32>, vector<16xf32>, vector<16xi1>) -> (vector<16xi1>, vector<16xi32>, vector<16xf32>)
    %neg3A_553 = arith.constant 0.000000e+00 : f32
    %neg3A_554 = vector.broadcast %neg3A_553 : f32 to vector<16xf32>
    %neg3A_555 = arith.subf %neg3A_554, %sort3A_552 : vector<16xf32>
    %sort3A_556 = arith.constant dense<true> : vector<16xi1>
    %sort3A_557, %sort3A_558, %sort3A_559 = tpu.sort %neg3A_555, %sort3A_551 masked %sort3A_556 : (vector<16xf32>, vector<16xi32>, vector<16xi1>) -> (vector<16xi1>, vector<16xf32>, vector<16xi32>)
    %neg3A_560 = arith.constant 0.000000e+00 : f32
    %neg3A_561 = vector.broadcast %neg3A_560 : f32 to vector<16xf32>
    %neg3A_562 = arith.subf %neg3A_561, %sort3A_558 : vector<16xf32>
    %rev3A_563 = arith.constant 15 : i32
    %rev3A_564 = vector.broadcast %rev3A_563 : i32 to vector<16xi32>
    %rev3A_565 = tpu.iota {dimensions = array<i32: 0>} : vector<16xi32>
    %rev3A_566 = arith.subi %rev3A_564, %rev3A_565 : vector<16xi32>
    %rev3A_567 = tpu.dynamic_gather %neg3A_267[%rev3A_566] in [0] : vector<16xf32>, vector<16xi32> -> vector<16xf32>
    %rev3A_568 = arith.constant 15 : i32
    %rev3A_569 = vector.broadcast %rev3A_568 : i32 to vector<16xi32>
    %rev3A_570 = tpu.iota {dimensions = array<i32: 0>} : vector<16xi32>
    %rev3A_571 = arith.subi %rev3A_569, %rev3A_570 : vector<16xi32>
    %rev3A_572 = tpu.dynamic_gather %sort3A_264[%rev3A_571] in [0] : vector<16xi32>, vector<16xi32> -> vector<16xi32>
    %gt3A_573 = arith.cmpf ogt, %neg3A_257, %rev3A_567 : vector<16xf32>
    %eq3A_574 = arith.cmpf oeq, %neg3A_257, %rev3A_567 : vector<16xf32>
    %lt3A_575 = arith.cmpi slt, %sort3A_254, %rev3A_572 : vector<16xi32>
    %and3A_576 = arith.andi %eq3A_574, %lt3A_575 : vector<16xi1>
    %or3A_577 = arith.ori %gt3A_573, %and3A_576 : vector<16xi1>
    %select_n3A_578 = arith.select %or3A_577, %neg3A_257, %rev3A_567 : vector<16xi1>, vector<16xf32>
    %select_n3A_579 = arith.select %or3A_577, %sort3A_254, %rev3A_572 : vector<16xi1>, vector<16xi32>
    %select_n3A_580 = arith.select %or3A_577, %rev3A_567, %neg3A_257 : vector<16xi1>, vector<16xf32>
    %select_n3A_581 = arith.select %or3A_577, %rev3A_572, %sort3A_254 : vector<16xi1>, vector<16xi32>
    %sort3A_582 = arith.constant dense<true> : vector<16xi1>
    %sort3A_583, %sort3A_584, %sort3A_585 = tpu.sort %select_n3A_579, %select_n3A_578 masked %sort3A_582 : (vector<16xi32>, vector<16xf32>, vector<16xi1>) -> (vector<16xi1>, vector<16xi32>, vector<16xf32>)
    %neg3A_586 = arith.constant 0.000000e+00 : f32
    %neg3A_587 = vector.broadcast %neg3A_586 : f32 to vector<16xf32>
    %neg3A_588 = arith.subf %neg3A_587, %sort3A_585 : vector<16xf32>
    %sort3A_589 = arith.constant dense<true> : vector<16xi1>
    %sort3A_590, %sort3A_591, %sort3A_592 = tpu.sort %neg3A_588, %sort3A_584 masked %sort3A_589 : (vector<16xf32>, vector<16xi32>, vector<16xi1>) -> (vector<16xi1>, vector<16xf32>, vector<16xi32>)
    %neg3A_593 = arith.constant 0.000000e+00 : f32
    %neg3A_594 = vector.broadcast %neg3A_593 : f32 to vector<16xf32>
    %neg3A_595 = arith.subf %neg3A_594, %sort3A_591 : vector<16xf32>
    %sort3A_596 = arith.constant dense<true> : vector<16xi1>
    %sort3A_597, %sort3A_598, %sort3A_599 = tpu.sort %select_n3A_581, %select_n3A_580 masked %sort3A_596 : (vector<16xi32>, vector<16xf32>, vector<16xi1>) -> (vector<16xi1>, vector<16xi32>, vector<16xf32>)
    %neg3A_600 = arith.constant 0.000000e+00 : f32
    %neg3A_601 = vector.broadcast %neg3A_600 : f32 to vector<16xf32>
    %neg3A_602 = arith.subf %neg3A_601, %sort3A_599 : vector<16xf32>
    %sort3A_603 = arith.constant dense<true> : vector<16xi1>
    %sort3A_604, %sort3A_605, %sort3A_606 = tpu.sort %neg3A_602, %sort3A_598 masked %sort3A_603 : (vector<16xf32>, vector<16xi32>, vector<16xi1>) -> (vector<16xi1>, vector<16xf32>, vector<16xi32>)
    %neg3A_607 = arith.constant 0.000000e+00 : f32
    %neg3A_608 = vector.broadcast %neg3A_607 : f32 to vector<16xf32>
    %neg3A_609 = arith.subf %neg3A_608, %sort3A_605 : vector<16xf32>
    %rev3A_610 = arith.constant 15 : i32
    %rev3A_611 = vector.broadcast %rev3A_610 : i32 to vector<16xi32>
    %rev3A_612 = tpu.iota {dimensions = array<i32: 0>} : vector<16xi32>
    %rev3A_613 = arith.subi %rev3A_611, %rev3A_612 : vector<16xi32>
    %rev3A_614 = tpu.dynamic_gather %neg3A_287[%rev3A_613] in [0] : vector<16xf32>, vector<16xi32> -> vector<16xf32>
    %rev3A_615 = arith.constant 15 : i32
    %rev3A_616 = vector.broadcast %rev3A_615 : i32 to vector<16xi32>
    %rev3A_617 = tpu.iota {dimensions = array<i32: 0>} : vector<16xi32>
    %rev3A_618 = arith.subi %rev3A_616, %rev3A_617 : vector<16xi32>
    %rev3A_619 = tpu.dynamic_gather %sort3A_284[%rev3A_618] in [0] : vector<16xi32>, vector<16xi32> -> vector<16xi32>
    %gt3A_620 = arith.cmpf ogt, %neg3A_277, %rev3A_614 : vector<16xf32>
    %eq3A_621 = arith.cmpf oeq, %neg3A_277, %rev3A_614 : vector<16xf32>
    %lt3A_622 = arith.cmpi slt, %sort3A_274, %rev3A_619 : vector<16xi32>
    %and3A_623 = arith.andi %eq3A_621, %lt3A_622 : vector<16xi1>
    %or3A_624 = arith.ori %gt3A_620, %and3A_623 : vector<16xi1>
    %select_n3A_625 = arith.select %or3A_624, %neg3A_277, %rev3A_614 : vector<16xi1>, vector<16xf32>
    %select_n3A_626 = arith.select %or3A_624, %sort3A_274, %rev3A_619 : vector<16xi1>, vector<16xi32>
    %select_n3A_627 = arith.select %or3A_624, %rev3A_614, %neg3A_277 : vector<16xi1>, vector<16xf32>
    %select_n3A_628 = arith.select %or3A_624, %rev3A_619, %sort3A_274 : vector<16xi1>, vector<16xi32>
    %sort3A_629 = arith.constant dense<true> : vector<16xi1>
    %sort3A_630, %sort3A_631, %sort3A_632 = tpu.sort %select_n3A_626, %select_n3A_625 masked %sort3A_629 : (vector<16xi32>, vector<16xf32>, vector<16xi1>) -> (vector<16xi1>, vector<16xi32>, vector<16xf32>)
    %neg3A_633 = arith.constant 0.000000e+00 : f32
    %neg3A_634 = vector.broadcast %neg3A_633 : f32 to vector<16xf32>
    %neg3A_635 = arith.subf %neg3A_634, %sort3A_632 : vector<16xf32>
    %sort3A_636 = arith.constant dense<true> : vector<16xi1>
    %sort3A_637, %sort3A_638, %sort3A_639 = tpu.sort %neg3A_635, %sort3A_631 masked %sort3A_636 : (vector<16xf32>, vector<16xi32>, vector<16xi1>) -> (vector<16xi1>, vector<16xf32>, vector<16xi32>)
    %neg3A_640 = arith.constant 0.000000e+00 : f32
    %neg3A_641 = vector.broadcast %neg3A_640 : f32 to vector<16xf32>
    %neg3A_642 = arith.subf %neg3A_641, %sort3A_638 : vector<16xf32>
    %sort3A_643 = arith.constant dense<true> : vector<16xi1>
    %sort3A_644, %sort3A_645, %sort3A_646 = tpu.sort %select_n3A_628, %select_n3A_627 masked %sort3A_643 : (vector<16xi32>, vector<16xf32>, vector<16xi1>) -> (vector<16xi1>, vector<16xi32>, vector<16xf32>)
    %neg3A_647 = arith.constant 0.000000e+00 : f32
    %neg3A_648 = vector.broadcast %neg3A_647 : f32 to vector<16xf32>
    %neg3A_649 = arith.subf %neg3A_648, %sort3A_646 : vector<16xf32>
    %sort3A_650 = arith.constant dense<true> : vector<16xi1>
    %sort3A_651, %sort3A_652, %sort3A_653 = tpu.sort %neg3A_649, %sort3A_645 masked %sort3A_650 : (vector<16xf32>, vector<16xi32>, vector<16xi1>) -> (vector<16xi1>, vector<16xf32>, vector<16xi32>)
    %neg3A_654 = arith.constant 0.000000e+00 : f32
    %neg3A_655 = vector.broadcast %neg3A_654 : f32 to vector<16xf32>
    %neg3A_656 = arith.subf %neg3A_655, %sort3A_652 : vector<16xf32>
    %rev3A_657 = arith.constant 15 : i32
    %rev3A_658 = vector.broadcast %rev3A_657 : i32 to vector<16xi32>
    %rev3A_659 = tpu.iota {dimensions = array<i32: 0>} : vector<16xi32>
    %rev3A_660 = arith.subi %rev3A_658, %rev3A_659 : vector<16xi32>
    %rev3A_661 = tpu.dynamic_gather %neg3A_374[%rev3A_660] in [0] : vector<16xf32>, vector<16xi32> -> vector<16xf32>
    %rev3A_662 = arith.constant 15 : i32
    %rev3A_663 = vector.broadcast %rev3A_662 : i32 to vector<16xi32>
    %rev3A_664 = tpu.iota {dimensions = array<i32: 0>} : vector<16xi32>
    %rev3A_665 = arith.subi %rev3A_663, %rev3A_664 : vector<16xi32>
    %rev3A_666 = tpu.dynamic_gather %sort3A_371[%rev3A_665] in [0] : vector<16xi32>, vector<16xi32> -> vector<16xi32>
    %rev3A_667 = arith.constant 15 : i32
    %rev3A_668 = vector.broadcast %rev3A_667 : i32 to vector<16xi32>
    %rev3A_669 = tpu.iota {dimensions = array<i32: 0>} : vector<16xi32>
    %rev3A_670 = arith.subi %rev3A_668, %rev3A_669 : vector<16xi32>
    %rev3A_671 = tpu.dynamic_gather %neg3A_360[%rev3A_670] in [0] : vector<16xf32>, vector<16xi32> -> vector<16xf32>
    %rev3A_672 = arith.constant 15 : i32
    %rev3A_673 = vector.broadcast %rev3A_672 : i32 to vector<16xi32>
    %rev3A_674 = tpu.iota {dimensions = array<i32: 0>} : vector<16xi32>
    %rev3A_675 = arith.subi %rev3A_673, %rev3A_674 : vector<16xi32>
    %rev3A_676 = tpu.dynamic_gather %sort3A_357[%rev3A_675] in [0] : vector<16xi32>, vector<16xi32> -> vector<16xi32>
    %gt3A_677 = arith.cmpf ogt, %neg3A_313, %rev3A_661 : vector<16xf32>
    %eq3A_678 = arith.cmpf oeq, %neg3A_313, %rev3A_661 : vector<16xf32>
    %lt3A_679 = arith.cmpi slt, %sort3A_310, %rev3A_666 : vector<16xi32>
    %and3A_680 = arith.andi %eq3A_678, %lt3A_679 : vector<16xi1>
    %or3A_681 = arith.ori %gt3A_677, %and3A_680 : vector<16xi1>
    %select_n3A_682 = arith.select %or3A_681, %neg3A_313, %rev3A_661 : vector<16xi1>, vector<16xf32>
    %select_n3A_683 = arith.select %or3A_681, %sort3A_310, %rev3A_666 : vector<16xi1>, vector<16xi32>
    %select_n3A_684 = arith.select %or3A_681, %rev3A_661, %neg3A_313 : vector<16xi1>, vector<16xf32>
    %select_n3A_685 = arith.select %or3A_681, %rev3A_666, %sort3A_310 : vector<16xi1>, vector<16xi32>
    %gt3A_686 = arith.cmpf ogt, %neg3A_327, %rev3A_671 : vector<16xf32>
    %eq3A_687 = arith.cmpf oeq, %neg3A_327, %rev3A_671 : vector<16xf32>
    %lt3A_688 = arith.cmpi slt, %sort3A_324, %rev3A_676 : vector<16xi32>
    %and3A_689 = arith.andi %eq3A_687, %lt3A_688 : vector<16xi1>
    %or3A_690 = arith.ori %gt3A_686, %and3A_689 : vector<16xi1>
    %select_n3A_691 = arith.select %or3A_690, %neg3A_327, %rev3A_671 : vector<16xi1>, vector<16xf32>
    %select_n3A_692 = arith.select %or3A_690, %sort3A_324, %rev3A_676 : vector<16xi1>, vector<16xi32>
    %select_n3A_693 = arith.select %or3A_690, %rev3A_671, %neg3A_327 : vector<16xi1>, vector<16xf32>
    %select_n3A_694 = arith.select %or3A_690, %rev3A_676, %sort3A_324 : vector<16xi1>, vector<16xi32>
    %gt3A_695 = arith.cmpf ogt, %select_n3A_682, %select_n3A_691 : vector<16xf32>
    %eq3A_696 = arith.cmpf oeq, %select_n3A_682, %select_n3A_691 : vector<16xf32>
    %lt3A_697 = arith.cmpi slt, %select_n3A_683, %select_n3A_692 : vector<16xi32>
    %and3A_698 = arith.andi %eq3A_696, %lt3A_697 : vector<16xi1>
    %or3A_699 = arith.ori %gt3A_695, %and3A_698 : vector<16xi1>
    %select_n3A_700 = arith.select %or3A_699, %select_n3A_682, %select_n3A_691 : vector<16xi1>, vector<16xf32>
    %select_n3A_701 = arith.select %or3A_699, %select_n3A_683, %select_n3A_692 : vector<16xi1>, vector<16xi32>
    %select_n3A_702 = arith.select %or3A_699, %select_n3A_691, %select_n3A_682 : vector<16xi1>, vector<16xf32>
    %select_n3A_703 = arith.select %or3A_699, %select_n3A_692, %select_n3A_683 : vector<16xi1>, vector<16xi32>
    %sort3A_704 = arith.constant dense<true> : vector<16xi1>
    %sort3A_705, %sort3A_706, %sort3A_707 = tpu.sort %select_n3A_701, %select_n3A_700 masked %sort3A_704 : (vector<16xi32>, vector<16xf32>, vector<16xi1>) -> (vector<16xi1>, vector<16xi32>, vector<16xf32>)
    %neg3A_708 = arith.constant 0.000000e+00 : f32
    %neg3A_709 = vector.broadcast %neg3A_708 : f32 to vector<16xf32>
    %neg3A_710 = arith.subf %neg3A_709, %sort3A_707 : vector<16xf32>
    %sort3A_711 = arith.constant dense<true> : vector<16xi1>
    %sort3A_712, %sort3A_713, %sort3A_714 = tpu.sort %neg3A_710, %sort3A_706 masked %sort3A_711 : (vector<16xf32>, vector<16xi32>, vector<16xi1>) -> (vector<16xi1>, vector<16xf32>, vector<16xi32>)
    %neg3A_715 = arith.constant 0.000000e+00 : f32
    %neg3A_716 = vector.broadcast %neg3A_715 : f32 to vector<16xf32>
    %neg3A_717 = arith.subf %neg3A_716, %sort3A_713 : vector<16xf32>
    %sort3A_718 = arith.constant dense<true> : vector<16xi1>
    %sort3A_719, %sort3A_720, %sort3A_721 = tpu.sort %select_n3A_703, %select_n3A_702 masked %sort3A_718 : (vector<16xi32>, vector<16xf32>, vector<16xi1>) -> (vector<16xi1>, vector<16xi32>, vector<16xf32>)
    %neg3A_722 = arith.constant 0.000000e+00 : f32
    %neg3A_723 = vector.broadcast %neg3A_722 : f32 to vector<16xf32>
    %neg3A_724 = arith.subf %neg3A_723, %sort3A_721 : vector<16xf32>
    %sort3A_725 = arith.constant dense<true> : vector<16xi1>
    %sort3A_726, %sort3A_727, %sort3A_728 = tpu.sort %neg3A_724, %sort3A_720 masked %sort3A_725 : (vector<16xf32>, vector<16xi32>, vector<16xi1>) -> (vector<16xi1>, vector<16xf32>, vector<16xi32>)
    %neg3A_729 = arith.constant 0.000000e+00 : f32
    %neg3A_730 = vector.broadcast %neg3A_729 : f32 to vector<16xf32>
    %neg3A_731 = arith.subf %neg3A_730, %sort3A_727 : vector<16xf32>
    %rev3A_732 = arith.constant 15 : i32
    %rev3A_733 = vector.broadcast %rev3A_732 : i32 to vector<16xi32>
    %rev3A_734 = tpu.iota {dimensions = array<i32: 0>} : vector<16xi32>
    %rev3A_735 = arith.subi %rev3A_733, %rev3A_734 : vector<16xi32>
    %rev3A_736 = tpu.dynamic_gather %neg3A_468[%rev3A_735] in [0] : vector<16xf32>, vector<16xi32> -> vector<16xf32>
    %rev3A_737 = arith.constant 15 : i32
    %rev3A_738 = vector.broadcast %rev3A_737 : i32 to vector<16xi32>
    %rev3A_739 = tpu.iota {dimensions = array<i32: 0>} : vector<16xi32>
    %rev3A_740 = arith.subi %rev3A_738, %rev3A_739 : vector<16xi32>
    %rev3A_741 = tpu.dynamic_gather %sort3A_465[%rev3A_740] in [0] : vector<16xi32>, vector<16xi32> -> vector<16xi32>
    %rev3A_742 = arith.constant 15 : i32
    %rev3A_743 = vector.broadcast %rev3A_742 : i32 to vector<16xi32>
    %rev3A_744 = tpu.iota {dimensions = array<i32: 0>} : vector<16xi32>
    %rev3A_745 = arith.subi %rev3A_743, %rev3A_744 : vector<16xi32>
    %rev3A_746 = tpu.dynamic_gather %neg3A_454[%rev3A_745] in [0] : vector<16xf32>, vector<16xi32> -> vector<16xf32>
    %rev3A_747 = arith.constant 15 : i32
    %rev3A_748 = vector.broadcast %rev3A_747 : i32 to vector<16xi32>
    %rev3A_749 = tpu.iota {dimensions = array<i32: 0>} : vector<16xi32>
    %rev3A_750 = arith.subi %rev3A_748, %rev3A_749 : vector<16xi32>
    %rev3A_751 = tpu.dynamic_gather %sort3A_451[%rev3A_750] in [0] : vector<16xi32>, vector<16xi32> -> vector<16xi32>
    %gt3A_752 = arith.cmpf ogt, %neg3A_407, %rev3A_736 : vector<16xf32>
    %eq3A_753 = arith.cmpf oeq, %neg3A_407, %rev3A_736 : vector<16xf32>
    %lt3A_754 = arith.cmpi slt, %sort3A_404, %rev3A_741 : vector<16xi32>
    %and3A_755 = arith.andi %eq3A_753, %lt3A_754 : vector<16xi1>
    %or3A_756 = arith.ori %gt3A_752, %and3A_755 : vector<16xi1>
    %select_n3A_757 = arith.select %or3A_756, %neg3A_407, %rev3A_736 : vector<16xi1>, vector<16xf32>
    %select_n3A_758 = arith.select %or3A_756, %sort3A_404, %rev3A_741 : vector<16xi1>, vector<16xi32>
    %select_n3A_759 = arith.select %or3A_756, %rev3A_736, %neg3A_407 : vector<16xi1>, vector<16xf32>
    %select_n3A_760 = arith.select %or3A_756, %rev3A_741, %sort3A_404 : vector<16xi1>, vector<16xi32>
    %gt3A_761 = arith.cmpf ogt, %neg3A_421, %rev3A_746 : vector<16xf32>
    %eq3A_762 = arith.cmpf oeq, %neg3A_421, %rev3A_746 : vector<16xf32>
    %lt3A_763 = arith.cmpi slt, %sort3A_418, %rev3A_751 : vector<16xi32>
    %and3A_764 = arith.andi %eq3A_762, %lt3A_763 : vector<16xi1>
    %or3A_765 = arith.ori %gt3A_761, %and3A_764 : vector<16xi1>
    %select_n3A_766 = arith.select %or3A_765, %neg3A_421, %rev3A_746 : vector<16xi1>, vector<16xf32>
    %select_n3A_767 = arith.select %or3A_765, %sort3A_418, %rev3A_751 : vector<16xi1>, vector<16xi32>
    %select_n3A_768 = arith.select %or3A_765, %rev3A_746, %neg3A_421 : vector<16xi1>, vector<16xf32>
    %select_n3A_769 = arith.select %or3A_765, %rev3A_751, %sort3A_418 : vector<16xi1>, vector<16xi32>
    %gt3A_770 = arith.cmpf ogt, %select_n3A_757, %select_n3A_766 : vector<16xf32>
    %eq3A_771 = arith.cmpf oeq, %select_n3A_757, %select_n3A_766 : vector<16xf32>
    %lt3A_772 = arith.cmpi slt, %select_n3A_758, %select_n3A_767 : vector<16xi32>
    %and3A_773 = arith.andi %eq3A_771, %lt3A_772 : vector<16xi1>
    %or3A_774 = arith.ori %gt3A_770, %and3A_773 : vector<16xi1>
    %select_n3A_775 = arith.select %or3A_774, %select_n3A_757, %select_n3A_766 : vector<16xi1>, vector<16xf32>
    %select_n3A_776 = arith.select %or3A_774, %select_n3A_758, %select_n3A_767 : vector<16xi1>, vector<16xi32>
    %select_n3A_777 = arith.select %or3A_774, %select_n3A_766, %select_n3A_757 : vector<16xi1>, vector<16xf32>
    %select_n3A_778 = arith.select %or3A_774, %select_n3A_767, %select_n3A_758 : vector<16xi1>, vector<16xi32>
    %sort3A_779 = arith.constant dense<true> : vector<16xi1>
    %sort3A_780, %sort3A_781, %sort3A_782 = tpu.sort %select_n3A_776, %select_n3A_775 masked %sort3A_779 : (vector<16xi32>, vector<16xf32>, vector<16xi1>) -> (vector<16xi1>, vector<16xi32>, vector<16xf32>)
    %neg3A_783 = arith.constant 0.000000e+00 : f32
    %neg3A_784 = vector.broadcast %neg3A_783 : f32 to vector<16xf32>
    %neg3A_785 = arith.subf %neg3A_784, %sort3A_782 : vector<16xf32>
    %sort3A_786 = arith.constant dense<true> : vector<16xi1>
    %sort3A_787, %sort3A_788, %sort3A_789 = tpu.sort %neg3A_785, %sort3A_781 masked %sort3A_786 : (vector<16xf32>, vector<16xi32>, vector<16xi1>) -> (vector<16xi1>, vector<16xf32>, vector<16xi32>)
    %neg3A_790 = arith.constant 0.000000e+00 : f32
    %neg3A_791 = vector.broadcast %neg3A_790 : f32 to vector<16xf32>
    %neg3A_792 = arith.subf %neg3A_791, %sort3A_788 : vector<16xf32>
    %sort3A_793 = arith.constant dense<true> : vector<16xi1>
    %sort3A_794, %sort3A_795, %sort3A_796 = tpu.sort %select_n3A_778, %select_n3A_777 masked %sort3A_793 : (vector<16xi32>, vector<16xf32>, vector<16xi1>) -> (vector<16xi1>, vector<16xi32>, vector<16xf32>)
    %neg3A_797 = arith.constant 0.000000e+00 : f32
    %neg3A_798 = vector.broadcast %neg3A_797 : f32 to vector<16xf32>
    %neg3A_799 = arith.subf %neg3A_798, %sort3A_796 : vector<16xf32>
    %sort3A_800 = arith.constant dense<true> : vector<16xi1>
    %sort3A_801, %sort3A_802, %sort3A_803 = tpu.sort %neg3A_799, %sort3A_795 masked %sort3A_800 : (vector<16xf32>, vector<16xi32>, vector<16xi1>) -> (vector<16xi1>, vector<16xf32>, vector<16xi32>)
    %neg3A_804 = arith.constant 0.000000e+00 : f32
    %neg3A_805 = vector.broadcast %neg3A_804 : f32 to vector<16xf32>
    %neg3A_806 = arith.subf %neg3A_805, %sort3A_802 : vector<16xf32>
    %rev3A_807 = arith.constant 15 : i32
    %rev3A_808 = vector.broadcast %rev3A_807 : i32 to vector<16xi32>
    %rev3A_809 = tpu.iota {dimensions = array<i32: 0>} : vector<16xi32>
    %rev3A_810 = arith.subi %rev3A_808, %rev3A_809 : vector<16xi32>
    %rev3A_811 = tpu.dynamic_gather %neg3A_562[%rev3A_810] in [0] : vector<16xf32>, vector<16xi32> -> vector<16xf32>
    %rev3A_812 = arith.constant 15 : i32
    %rev3A_813 = vector.broadcast %rev3A_812 : i32 to vector<16xi32>
    %rev3A_814 = tpu.iota {dimensions = array<i32: 0>} : vector<16xi32>
    %rev3A_815 = arith.subi %rev3A_813, %rev3A_814 : vector<16xi32>
    %rev3A_816 = tpu.dynamic_gather %sort3A_559[%rev3A_815] in [0] : vector<16xi32>, vector<16xi32> -> vector<16xi32>
    %rev3A_817 = arith.constant 15 : i32
    %rev3A_818 = vector.broadcast %rev3A_817 : i32 to vector<16xi32>
    %rev3A_819 = tpu.iota {dimensions = array<i32: 0>} : vector<16xi32>
    %rev3A_820 = arith.subi %rev3A_818, %rev3A_819 : vector<16xi32>
    %rev3A_821 = tpu.dynamic_gather %neg3A_548[%rev3A_820] in [0] : vector<16xf32>, vector<16xi32> -> vector<16xf32>
    %rev3A_822 = arith.constant 15 : i32
    %rev3A_823 = vector.broadcast %rev3A_822 : i32 to vector<16xi32>
    %rev3A_824 = tpu.iota {dimensions = array<i32: 0>} : vector<16xi32>
    %rev3A_825 = arith.subi %rev3A_823, %rev3A_824 : vector<16xi32>
    %rev3A_826 = tpu.dynamic_gather %sort3A_545[%rev3A_825] in [0] : vector<16xi32>, vector<16xi32> -> vector<16xi32>
    %gt3A_827 = arith.cmpf ogt, %neg3A_501, %rev3A_811 : vector<16xf32>
    %eq3A_828 = arith.cmpf oeq, %neg3A_501, %rev3A_811 : vector<16xf32>
    %lt3A_829 = arith.cmpi slt, %sort3A_498, %rev3A_816 : vector<16xi32>
    %and3A_830 = arith.andi %eq3A_828, %lt3A_829 : vector<16xi1>
    %or3A_831 = arith.ori %gt3A_827, %and3A_830 : vector<16xi1>
    %select_n3A_832 = arith.select %or3A_831, %neg3A_501, %rev3A_811 : vector<16xi1>, vector<16xf32>
    %select_n3A_833 = arith.select %or3A_831, %sort3A_498, %rev3A_816 : vector<16xi1>, vector<16xi32>
    %select_n3A_834 = arith.select %or3A_831, %rev3A_811, %neg3A_501 : vector<16xi1>, vector<16xf32>
    %select_n3A_835 = arith.select %or3A_831, %rev3A_816, %sort3A_498 : vector<16xi1>, vector<16xi32>
    %gt3A_836 = arith.cmpf ogt, %neg3A_515, %rev3A_821 : vector<16xf32>
    %eq3A_837 = arith.cmpf oeq, %neg3A_515, %rev3A_821 : vector<16xf32>
    %lt3A_838 = arith.cmpi slt, %sort3A_512, %rev3A_826 : vector<16xi32>
    %and3A_839 = arith.andi %eq3A_837, %lt3A_838 : vector<16xi1>
    %or3A_840 = arith.ori %gt3A_836, %and3A_839 : vector<16xi1>
    %select_n3A_841 = arith.select %or3A_840, %neg3A_515, %rev3A_821 : vector<16xi1>, vector<16xf32>
    %select_n3A_842 = arith.select %or3A_840, %sort3A_512, %rev3A_826 : vector<16xi1>, vector<16xi32>
    %select_n3A_843 = arith.select %or3A_840, %rev3A_821, %neg3A_515 : vector<16xi1>, vector<16xf32>
    %select_n3A_844 = arith.select %or3A_840, %rev3A_826, %sort3A_512 : vector<16xi1>, vector<16xi32>
    %gt3A_845 = arith.cmpf ogt, %select_n3A_832, %select_n3A_841 : vector<16xf32>
    %eq3A_846 = arith.cmpf oeq, %select_n3A_832, %select_n3A_841 : vector<16xf32>
    %lt3A_847 = arith.cmpi slt, %select_n3A_833, %select_n3A_842 : vector<16xi32>
    %and3A_848 = arith.andi %eq3A_846, %lt3A_847 : vector<16xi1>
    %or3A_849 = arith.ori %gt3A_845, %and3A_848 : vector<16xi1>
    %select_n3A_850 = arith.select %or3A_849, %select_n3A_832, %select_n3A_841 : vector<16xi1>, vector<16xf32>
    %select_n3A_851 = arith.select %or3A_849, %select_n3A_833, %select_n3A_842 : vector<16xi1>, vector<16xi32>
    %select_n3A_852 = arith.select %or3A_849, %select_n3A_841, %select_n3A_832 : vector<16xi1>, vector<16xf32>
    %select_n3A_853 = arith.select %or3A_849, %select_n3A_842, %select_n3A_833 : vector<16xi1>, vector<16xi32>
    %sort3A_854 = arith.constant dense<true> : vector<16xi1>
    %sort3A_855, %sort3A_856, %sort3A_857 = tpu.sort %select_n3A_851, %select_n3A_850 masked %sort3A_854 : (vector<16xi32>, vector<16xf32>, vector<16xi1>) -> (vector<16xi1>, vector<16xi32>, vector<16xf32>)
    %neg3A_858 = arith.constant 0.000000e+00 : f32
    %neg3A_859 = vector.broadcast %neg3A_858 : f32 to vector<16xf32>
    %neg3A_860 = arith.subf %neg3A_859, %sort3A_857 : vector<16xf32>
    %sort3A_861 = arith.constant dense<true> : vector<16xi1>
    %sort3A_862, %sort3A_863, %sort3A_864 = tpu.sort %neg3A_860, %sort3A_856 masked %sort3A_861 : (vector<16xf32>, vector<16xi32>, vector<16xi1>) -> (vector<16xi1>, vector<16xf32>, vector<16xi32>)
    %neg3A_865 = arith.constant 0.000000e+00 : f32
    %neg3A_866 = vector.broadcast %neg3A_865 : f32 to vector<16xf32>
    %neg3A_867 = arith.subf %neg3A_866, %sort3A_863 : vector<16xf32>
    %sort3A_868 = arith.constant dense<true> : vector<16xi1>
    %sort3A_869, %sort3A_870, %sort3A_871 = tpu.sort %select_n3A_853, %select_n3A_852 masked %sort3A_868 : (vector<16xi32>, vector<16xf32>, vector<16xi1>) -> (vector<16xi1>, vector<16xi32>, vector<16xf32>)
    %neg3A_872 = arith.constant 0.000000e+00 : f32
    %neg3A_873 = vector.broadcast %neg3A_872 : f32 to vector<16xf32>
    %neg3A_874 = arith.subf %neg3A_873, %sort3A_871 : vector<16xf32>
    %sort3A_875 = arith.constant dense<true> : vector<16xi1>
    %sort3A_876, %sort3A_877, %sort3A_878 = tpu.sort %neg3A_874, %sort3A_870 masked %sort3A_875 : (vector<16xf32>, vector<16xi32>, vector<16xi1>) -> (vector<16xi1>, vector<16xf32>, vector<16xi32>)
    %neg3A_879 = arith.constant 0.000000e+00 : f32
    %neg3A_880 = vector.broadcast %neg3A_879 : f32 to vector<16xf32>
    %neg3A_881 = arith.subf %neg3A_880, %sort3A_877 : vector<16xf32>
    %rev3A_882 = arith.constant 15 : i32
    %rev3A_883 = vector.broadcast %rev3A_882 : i32 to vector<16xi32>
    %rev3A_884 = tpu.iota {dimensions = array<i32: 0>} : vector<16xi32>
    %rev3A_885 = arith.subi %rev3A_883, %rev3A_884 : vector<16xi32>
    %rev3A_886 = tpu.dynamic_gather %neg3A_656[%rev3A_885] in [0] : vector<16xf32>, vector<16xi32> -> vector<16xf32>
    %rev3A_887 = arith.constant 15 : i32
    %rev3A_888 = vector.broadcast %rev3A_887 : i32 to vector<16xi32>
    %rev3A_889 = tpu.iota {dimensions = array<i32: 0>} : vector<16xi32>
    %rev3A_890 = arith.subi %rev3A_888, %rev3A_889 : vector<16xi32>
    %rev3A_891 = tpu.dynamic_gather %sort3A_653[%rev3A_890] in [0] : vector<16xi32>, vector<16xi32> -> vector<16xi32>
    %rev3A_892 = arith.constant 15 : i32
    %rev3A_893 = vector.broadcast %rev3A_892 : i32 to vector<16xi32>
    %rev3A_894 = tpu.iota {dimensions = array<i32: 0>} : vector<16xi32>
    %rev3A_895 = arith.subi %rev3A_893, %rev3A_894 : vector<16xi32>
    %rev3A_896 = tpu.dynamic_gather %neg3A_642[%rev3A_895] in [0] : vector<16xf32>, vector<16xi32> -> vector<16xf32>
    %rev3A_897 = arith.constant 15 : i32
    %rev3A_898 = vector.broadcast %rev3A_897 : i32 to vector<16xi32>
    %rev3A_899 = tpu.iota {dimensions = array<i32: 0>} : vector<16xi32>
    %rev3A_900 = arith.subi %rev3A_898, %rev3A_899 : vector<16xi32>
    %rev3A_901 = tpu.dynamic_gather %sort3A_639[%rev3A_900] in [0] : vector<16xi32>, vector<16xi32> -> vector<16xi32>
    %gt3A_902 = arith.cmpf ogt, %neg3A_595, %rev3A_886 : vector<16xf32>
    %eq3A_903 = arith.cmpf oeq, %neg3A_595, %rev3A_886 : vector<16xf32>
    %lt3A_904 = arith.cmpi slt, %sort3A_592, %rev3A_891 : vector<16xi32>
    %and3A_905 = arith.andi %eq3A_903, %lt3A_904 : vector<16xi1>
    %or3A_906 = arith.ori %gt3A_902, %and3A_905 : vector<16xi1>
    %select_n3A_907 = arith.select %or3A_906, %neg3A_595, %rev3A_886 : vector<16xi1>, vector<16xf32>
    %select_n3A_908 = arith.select %or3A_906, %sort3A_592, %rev3A_891 : vector<16xi1>, vector<16xi32>
    %select_n3A_909 = arith.select %or3A_906, %rev3A_886, %neg3A_595 : vector<16xi1>, vector<16xf32>
    %select_n3A_910 = arith.select %or3A_906, %rev3A_891, %sort3A_592 : vector<16xi1>, vector<16xi32>
    %gt3A_911 = arith.cmpf ogt, %neg3A_609, %rev3A_896 : vector<16xf32>
    %eq3A_912 = arith.cmpf oeq, %neg3A_609, %rev3A_896 : vector<16xf32>
    %lt3A_913 = arith.cmpi slt, %sort3A_606, %rev3A_901 : vector<16xi32>
    %and3A_914 = arith.andi %eq3A_912, %lt3A_913 : vector<16xi1>
    %or3A_915 = arith.ori %gt3A_911, %and3A_914 : vector<16xi1>
    %select_n3A_916 = arith.select %or3A_915, %neg3A_609, %rev3A_896 : vector<16xi1>, vector<16xf32>
    %select_n3A_917 = arith.select %or3A_915, %sort3A_606, %rev3A_901 : vector<16xi1>, vector<16xi32>
    %select_n3A_918 = arith.select %or3A_915, %rev3A_896, %neg3A_609 : vector<16xi1>, vector<16xf32>
    %select_n3A_919 = arith.select %or3A_915, %rev3A_901, %sort3A_606 : vector<16xi1>, vector<16xi32>
    %gt3A_920 = arith.cmpf ogt, %select_n3A_907, %select_n3A_916 : vector<16xf32>
    %eq3A_921 = arith.cmpf oeq, %select_n3A_907, %select_n3A_916 : vector<16xf32>
    %lt3A_922 = arith.cmpi slt, %select_n3A_908, %select_n3A_917 : vector<16xi32>
    %and3A_923 = arith.andi %eq3A_921, %lt3A_922 : vector<16xi1>
    %or3A_924 = arith.ori %gt3A_920, %and3A_923 : vector<16xi1>
    %select_n3A_925 = arith.select %or3A_924, %select_n3A_907, %select_n3A_916 : vector<16xi1>, vector<16xf32>
    %select_n3A_926 = arith.select %or3A_924, %select_n3A_908, %select_n3A_917 : vector<16xi1>, vector<16xi32>
    %select_n3A_927 = arith.select %or3A_924, %select_n3A_916, %select_n3A_907 : vector<16xi1>, vector<16xf32>
    %select_n3A_928 = arith.select %or3A_924, %select_n3A_917, %select_n3A_908 : vector<16xi1>, vector<16xi32>
    %sort3A_929 = arith.constant dense<true> : vector<16xi1>
    %sort3A_930, %sort3A_931, %sort3A_932 = tpu.sort %select_n3A_926, %select_n3A_925 masked %sort3A_929 : (vector<16xi32>, vector<16xf32>, vector<16xi1>) -> (vector<16xi1>, vector<16xi32>, vector<16xf32>)
    %neg3A_933 = arith.constant 0.000000e+00 : f32
    %neg3A_934 = vector.broadcast %neg3A_933 : f32 to vector<16xf32>
    %neg3A_935 = arith.subf %neg3A_934, %sort3A_932 : vector<16xf32>
    %sort3A_936 = arith.constant dense<true> : vector<16xi1>
    %sort3A_937, %sort3A_938, %sort3A_939 = tpu.sort %neg3A_935, %sort3A_931 masked %sort3A_936 : (vector<16xf32>, vector<16xi32>, vector<16xi1>) -> (vector<16xi1>, vector<16xf32>, vector<16xi32>)
    %neg3A_940 = arith.constant 0.000000e+00 : f32
    %neg3A_941 = vector.broadcast %neg3A_940 : f32 to vector<16xf32>
    %neg3A_942 = arith.subf %neg3A_941, %sort3A_938 : vector<16xf32>
    %sort3A_943 = arith.constant dense<true> : vector<16xi1>
    %sort3A_944, %sort3A_945, %sort3A_946 = tpu.sort %select_n3A_928, %select_n3A_927 masked %sort3A_943 : (vector<16xi32>, vector<16xf32>, vector<16xi1>) -> (vector<16xi1>, vector<16xi32>, vector<16xf32>)
    %neg3A_947 = arith.constant 0.000000e+00 : f32
    %neg3A_948 = vector.broadcast %neg3A_947 : f32 to vector<16xf32>
    %neg3A_949 = arith.subf %neg3A_948, %sort3A_946 : vector<16xf32>
    %sort3A_950 = arith.constant dense<true> : vector<16xi1>
    %sort3A_951, %sort3A_952, %sort3A_953 = tpu.sort %neg3A_949, %sort3A_945 masked %sort3A_950 : (vector<16xf32>, vector<16xi32>, vector<16xi1>) -> (vector<16xi1>, vector<16xf32>, vector<16xi32>)
    %neg3A_954 = arith.constant 0.000000e+00 : f32
    %neg3A_955 = vector.broadcast %neg3A_954 : f32 to vector<16xf32>
    %neg3A_956 = arith.subf %neg3A_955, %sort3A_952 : vector<16xf32>
    %rev3A_957 = arith.constant 15 : i32
    %rev3A_958 = vector.broadcast %rev3A_957 : i32 to vector<16xi32>
    %rev3A_959 = tpu.iota {dimensions = array<i32: 0>} : vector<16xi32>
    %rev3A_960 = arith.subi %rev3A_958, %rev3A_959 : vector<16xi32>
    %rev3A_961 = tpu.dynamic_gather %neg3A_806[%rev3A_960] in [0] : vector<16xf32>, vector<16xi32> -> vector<16xf32>
    %rev3A_962 = arith.constant 15 : i32
    %rev3A_963 = vector.broadcast %rev3A_962 : i32 to vector<16xi32>
    %rev3A_964 = tpu.iota {dimensions = array<i32: 0>} : vector<16xi32>
    %rev3A_965 = arith.subi %rev3A_963, %rev3A_964 : vector<16xi32>
    %rev3A_966 = tpu.dynamic_gather %sort3A_803[%rev3A_965] in [0] : vector<16xi32>, vector<16xi32> -> vector<16xi32>
    %rev3A_967 = arith.constant 15 : i32
    %rev3A_968 = vector.broadcast %rev3A_967 : i32 to vector<16xi32>
    %rev3A_969 = tpu.iota {dimensions = array<i32: 0>} : vector<16xi32>
    %rev3A_970 = arith.subi %rev3A_968, %rev3A_969 : vector<16xi32>
    %rev3A_971 = tpu.dynamic_gather %neg3A_792[%rev3A_970] in [0] : vector<16xf32>, vector<16xi32> -> vector<16xf32>
    %rev3A_972 = arith.constant 15 : i32
    %rev3A_973 = vector.broadcast %rev3A_972 : i32 to vector<16xi32>
    %rev3A_974 = tpu.iota {dimensions = array<i32: 0>} : vector<16xi32>
    %rev3A_975 = arith.subi %rev3A_973, %rev3A_974 : vector<16xi32>
    %rev3A_976 = tpu.dynamic_gather %sort3A_789[%rev3A_975] in [0] : vector<16xi32>, vector<16xi32> -> vector<16xi32>
    %gt3A_977 = arith.cmpf ogt, %neg3A_717, %rev3A_961 : vector<16xf32>
    %eq3A_978 = arith.cmpf oeq, %neg3A_717, %rev3A_961 : vector<16xf32>
    %lt3A_979 = arith.cmpi slt, %sort3A_714, %rev3A_966 : vector<16xi32>
    %and3A_980 = arith.andi %eq3A_978, %lt3A_979 : vector<16xi1>
    %or3A_981 = arith.ori %gt3A_977, %and3A_980 : vector<16xi1>
    %select_n3A_982 = arith.select %or3A_981, %neg3A_717, %rev3A_961 : vector<16xi1>, vector<16xf32>
    %select_n3A_983 = arith.select %or3A_981, %sort3A_714, %rev3A_966 : vector<16xi1>, vector<16xi32>
    %select_n3A_984 = arith.select %or3A_981, %rev3A_961, %neg3A_717 : vector<16xi1>, vector<16xf32>
    %select_n3A_985 = arith.select %or3A_981, %rev3A_966, %sort3A_714 : vector<16xi1>, vector<16xi32>
    %gt3A_986 = arith.cmpf ogt, %neg3A_731, %rev3A_971 : vector<16xf32>
    %eq3A_987 = arith.cmpf oeq, %neg3A_731, %rev3A_971 : vector<16xf32>
    %lt3A_988 = arith.cmpi slt, %sort3A_728, %rev3A_976 : vector<16xi32>
    %and3A_989 = arith.andi %eq3A_987, %lt3A_988 : vector<16xi1>
    %or3A_990 = arith.ori %gt3A_986, %and3A_989 : vector<16xi1>
    %select_n3A_991 = arith.select %or3A_990, %neg3A_731, %rev3A_971 : vector<16xi1>, vector<16xf32>
    %select_n3A_992 = arith.select %or3A_990, %sort3A_728, %rev3A_976 : vector<16xi1>, vector<16xi32>
    %select_n3A_993 = arith.select %or3A_990, %rev3A_971, %neg3A_731 : vector<16xi1>, vector<16xf32>
    %select_n3A_994 = arith.select %or3A_990, %rev3A_976, %sort3A_728 : vector<16xi1>, vector<16xi32>
    %gt3A_995 = arith.cmpf ogt, %select_n3A_982, %select_n3A_991 : vector<16xf32>
    %eq3A_996 = arith.cmpf oeq, %select_n3A_982, %select_n3A_991 : vector<16xf32>
    %lt3A_997 = arith.cmpi slt, %select_n3A_983, %select_n3A_992 : vector<16xi32>
    %and3A_998 = arith.andi %eq3A_996, %lt3A_997 : vector<16xi1>
    %or3A_999 = arith.ori %gt3A_995, %and3A_998 : vector<16xi1>
    %select_n3A_1000 = arith.select %or3A_999, %select_n3A_982, %select_n3A_991 : vector<16xi1>, vector<16xf32>
    %select_n3A_1001 = arith.select %or3A_999, %select_n3A_983, %select_n3A_992 : vector<16xi1>, vector<16xi32>
    %select_n3A_1002 = arith.select %or3A_999, %select_n3A_991, %select_n3A_982 : vector<16xi1>, vector<16xf32>
    %select_n3A_1003 = arith.select %or3A_999, %select_n3A_992, %select_n3A_983 : vector<16xi1>, vector<16xi32>
    %sort3A_1004 = arith.constant dense<true> : vector<16xi1>
    %sort3A_1005, %sort3A_1006, %sort3A_1007 = tpu.sort %select_n3A_1001, %select_n3A_1000 masked %sort3A_1004 : (vector<16xi32>, vector<16xf32>, vector<16xi1>) -> (vector<16xi1>, vector<16xi32>, vector<16xf32>)
    %neg3A_1008 = arith.constant 0.000000e+00 : f32
    %neg3A_1009 = vector.broadcast %neg3A_1008 : f32 to vector<16xf32>
    %neg3A_1010 = arith.subf %neg3A_1009, %sort3A_1007 : vector<16xf32>
    %sort3A_1011 = arith.constant dense<true> : vector<16xi1>
    %sort3A_1012, %sort3A_1013, %sort3A_1014 = tpu.sort %neg3A_1010, %sort3A_1006 masked %sort3A_1011 : (vector<16xf32>, vector<16xi32>, vector<16xi1>) -> (vector<16xi1>, vector<16xf32>, vector<16xi32>)
    %neg3A_1015 = arith.constant 0.000000e+00 : f32
    %neg3A_1016 = vector.broadcast %neg3A_1015 : f32 to vector<16xf32>
    %neg3A_1017 = arith.subf %neg3A_1016, %sort3A_1013 : vector<16xf32>
    %sort3A_1018 = arith.constant dense<true> : vector<16xi1>
    %sort3A_1019, %sort3A_1020, %sort3A_1021 = tpu.sort %select_n3A_1003, %select_n3A_1002 masked %sort3A_1018 : (vector<16xi32>, vector<16xf32>, vector<16xi1>) -> (vector<16xi1>, vector<16xi32>, vector<16xf32>)
    %neg3A_1022 = arith.constant 0.000000e+00 : f32
    %neg3A_1023 = vector.broadcast %neg3A_1022 : f32 to vector<16xf32>
    %neg3A_1024 = arith.subf %neg3A_1023, %sort3A_1021 : vector<16xf32>
    %sort3A_1025 = arith.constant dense<true> : vector<16xi1>
    %sort3A_1026, %sort3A_1027, %sort3A_1028 = tpu.sort %neg3A_1024, %sort3A_1020 masked %sort3A_1025 : (vector<16xf32>, vector<16xi32>, vector<16xi1>) -> (vector<16xi1>, vector<16xf32>, vector<16xi32>)
    %neg3A_1029 = arith.constant 0.000000e+00 : f32
    %neg3A_1030 = vector.broadcast %neg3A_1029 : f32 to vector<16xf32>
    %neg3A_1031 = arith.subf %neg3A_1030, %sort3A_1027 : vector<16xf32>
    %rev3A_1032 = arith.constant 15 : i32
    %rev3A_1033 = vector.broadcast %rev3A_1032 : i32 to vector<16xi32>
    %rev3A_1034 = tpu.iota {dimensions = array<i32: 0>} : vector<16xi32>
    %rev3A_1035 = arith.subi %rev3A_1033, %rev3A_1034 : vector<16xi32>
    %rev3A_1036 = tpu.dynamic_gather %neg3A_956[%rev3A_1035] in [0] : vector<16xf32>, vector<16xi32> -> vector<16xf32>
    %rev3A_1037 = arith.constant 15 : i32
    %rev3A_1038 = vector.broadcast %rev3A_1037 : i32 to vector<16xi32>
    %rev3A_1039 = tpu.iota {dimensions = array<i32: 0>} : vector<16xi32>
    %rev3A_1040 = arith.subi %rev3A_1038, %rev3A_1039 : vector<16xi32>
    %rev3A_1041 = tpu.dynamic_gather %sort3A_953[%rev3A_1040] in [0] : vector<16xi32>, vector<16xi32> -> vector<16xi32>
    %rev3A_1042 = arith.constant 15 : i32
    %rev3A_1043 = vector.broadcast %rev3A_1042 : i32 to vector<16xi32>
    %rev3A_1044 = tpu.iota {dimensions = array<i32: 0>} : vector<16xi32>
    %rev3A_1045 = arith.subi %rev3A_1043, %rev3A_1044 : vector<16xi32>
    %rev3A_1046 = tpu.dynamic_gather %neg3A_942[%rev3A_1045] in [0] : vector<16xf32>, vector<16xi32> -> vector<16xf32>
    %rev3A_1047 = arith.constant 15 : i32
    %rev3A_1048 = vector.broadcast %rev3A_1047 : i32 to vector<16xi32>
    %rev3A_1049 = tpu.iota {dimensions = array<i32: 0>} : vector<16xi32>
    %rev3A_1050 = arith.subi %rev3A_1048, %rev3A_1049 : vector<16xi32>
    %rev3A_1051 = tpu.dynamic_gather %sort3A_939[%rev3A_1050] in [0] : vector<16xi32>, vector<16xi32> -> vector<16xi32>
    %gt3A_1052 = arith.cmpf ogt, %neg3A_867, %rev3A_1036 : vector<16xf32>
    %eq3A_1053 = arith.cmpf oeq, %neg3A_867, %rev3A_1036 : vector<16xf32>
    %lt3A_1054 = arith.cmpi slt, %sort3A_864, %rev3A_1041 : vector<16xi32>
    %and3A_1055 = arith.andi %eq3A_1053, %lt3A_1054 : vector<16xi1>
    %or3A_1056 = arith.ori %gt3A_1052, %and3A_1055 : vector<16xi1>
    %select_n3A_1057 = arith.select %or3A_1056, %neg3A_867, %rev3A_1036 : vector<16xi1>, vector<16xf32>
    %select_n3A_1058 = arith.select %or3A_1056, %sort3A_864, %rev3A_1041 : vector<16xi1>, vector<16xi32>
    %select_n3A_1059 = arith.select %or3A_1056, %rev3A_1036, %neg3A_867 : vector<16xi1>, vector<16xf32>
    %select_n3A_1060 = arith.select %or3A_1056, %rev3A_1041, %sort3A_864 : vector<16xi1>, vector<16xi32>
    %gt3A_1061 = arith.cmpf ogt, %neg3A_881, %rev3A_1046 : vector<16xf32>
    %eq3A_1062 = arith.cmpf oeq, %neg3A_881, %rev3A_1046 : vector<16xf32>
    %lt3A_1063 = arith.cmpi slt, %sort3A_878, %rev3A_1051 : vector<16xi32>
    %and3A_1064 = arith.andi %eq3A_1062, %lt3A_1063 : vector<16xi1>
    %or3A_1065 = arith.ori %gt3A_1061, %and3A_1064 : vector<16xi1>
    %select_n3A_1066 = arith.select %or3A_1065, %neg3A_881, %rev3A_1046 : vector<16xi1>, vector<16xf32>
    %select_n3A_1067 = arith.select %or3A_1065, %sort3A_878, %rev3A_1051 : vector<16xi1>, vector<16xi32>
    %select_n3A_1068 = arith.select %or3A_1065, %rev3A_1046, %neg3A_881 : vector<16xi1>, vector<16xf32>
    %select_n3A_1069 = arith.select %or3A_1065, %rev3A_1051, %sort3A_878 : vector<16xi1>, vector<16xi32>
    %gt3A_1070 = arith.cmpf ogt, %select_n3A_1057, %select_n3A_1066 : vector<16xf32>
    %eq3A_1071 = arith.cmpf oeq, %select_n3A_1057, %select_n3A_1066 : vector<16xf32>
    %lt3A_1072 = arith.cmpi slt, %select_n3A_1058, %select_n3A_1067 : vector<16xi32>
    %and3A_1073 = arith.andi %eq3A_1071, %lt3A_1072 : vector<16xi1>
    %or3A_1074 = arith.ori %gt3A_1070, %and3A_1073 : vector<16xi1>
    %select_n3A_1075 = arith.select %or3A_1074, %select_n3A_1057, %select_n3A_1066 : vector<16xi1>, vector<16xf32>
    %select_n3A_1076 = arith.select %or3A_1074, %select_n3A_1058, %select_n3A_1067 : vector<16xi1>, vector<16xi32>
    %select_n3A_1077 = arith.select %or3A_1074, %select_n3A_1066, %select_n3A_1057 : vector<16xi1>, vector<16xf32>
    %select_n3A_1078 = arith.select %or3A_1074, %select_n3A_1067, %select_n3A_1058 : vector<16xi1>, vector<16xi32>
    %sort3A_1079 = arith.constant dense<true> : vector<16xi1>
    %sort3A_1080, %sort3A_1081, %sort3A_1082 = tpu.sort %select_n3A_1076, %select_n3A_1075 masked %sort3A_1079 : (vector<16xi32>, vector<16xf32>, vector<16xi1>) -> (vector<16xi1>, vector<16xi32>, vector<16xf32>)
    %neg3A_1083 = arith.constant 0.000000e+00 : f32
    %neg3A_1084 = vector.broadcast %neg3A_1083 : f32 to vector<16xf32>
    %neg3A_1085 = arith.subf %neg3A_1084, %sort3A_1082 : vector<16xf32>
    %sort3A_1086 = arith.constant dense<true> : vector<16xi1>
    %sort3A_1087, %sort3A_1088, %sort3A_1089 = tpu.sort %neg3A_1085, %sort3A_1081 masked %sort3A_1086 : (vector<16xf32>, vector<16xi32>, vector<16xi1>) -> (vector<16xi1>, vector<16xf32>, vector<16xi32>)
    %neg3A_1090 = arith.constant 0.000000e+00 : f32
    %neg3A_1091 = vector.broadcast %neg3A_1090 : f32 to vector<16xf32>
    %neg3A_1092 = arith.subf %neg3A_1091, %sort3A_1088 : vector<16xf32>
    %sort3A_1093 = arith.constant dense<true> : vector<16xi1>
    %sort3A_1094, %sort3A_1095, %sort3A_1096 = tpu.sort %select_n3A_1078, %select_n3A_1077 masked %sort3A_1093 : (vector<16xi32>, vector<16xf32>, vector<16xi1>) -> (vector<16xi1>, vector<16xi32>, vector<16xf32>)
    %neg3A_1097 = arith.constant 0.000000e+00 : f32
    %neg3A_1098 = vector.broadcast %neg3A_1097 : f32 to vector<16xf32>
    %neg3A_1099 = arith.subf %neg3A_1098, %sort3A_1096 : vector<16xf32>
    %sort3A_1100 = arith.constant dense<true> : vector<16xi1>
    %sort3A_1101, %sort3A_1102, %sort3A_1103 = tpu.sort %neg3A_1099, %sort3A_1095 masked %sort3A_1100 : (vector<16xf32>, vector<16xi32>, vector<16xi1>) -> (vector<16xi1>, vector<16xf32>, vector<16xi32>)
    %neg3A_1104 = arith.constant 0.000000e+00 : f32
    %neg3A_1105 = vector.broadcast %neg3A_1104 : f32 to vector<16xf32>
    %neg3A_1106 = arith.subf %neg3A_1105, %sort3A_1102 : vector<16xf32>
    %rev3A_1107 = arith.constant 15 : i32
    %rev3A_1108 = vector.broadcast %rev3A_1107 : i32 to vector<16xi32>
    %rev3A_1109 = tpu.iota {dimensions = array<i32: 0>} : vector<16xi32>
    %rev3A_1110 = arith.subi %rev3A_1108, %rev3A_1109 : vector<16xi32>
    %rev3A_1111 = tpu.dynamic_gather %neg3A_1106[%rev3A_1110] in [0] : vector<16xf32>, vector<16xi32> -> vector<16xf32>
    %rev3A_1112 = arith.constant 15 : i32
    %rev3A_1113 = vector.broadcast %rev3A_1112 : i32 to vector<16xi32>
    %rev3A_1114 = tpu.iota {dimensions = array<i32: 0>} : vector<16xi32>
    %rev3A_1115 = arith.subi %rev3A_1113, %rev3A_1114 : vector<16xi32>
    %rev3A_1116 = tpu.dynamic_gather %sort3A_1103[%rev3A_1115] in [0] : vector<16xi32>, vector<16xi32> -> vector<16xi32>
    %rev3A_1117 = arith.constant 15 : i32
    %rev3A_1118 = vector.broadcast %rev3A_1117 : i32 to vector<16xi32>
    %rev3A_1119 = tpu.iota {dimensions = array<i32: 0>} : vector<16xi32>
    %rev3A_1120 = arith.subi %rev3A_1118, %rev3A_1119 : vector<16xi32>
    %rev3A_1121 = tpu.dynamic_gather %neg3A_1092[%rev3A_1120] in [0] : vector<16xf32>, vector<16xi32> -> vector<16xf32>
    %rev3A_1122 = arith.constant 15 : i32
    %rev3A_1123 = vector.broadcast %rev3A_1122 : i32 to vector<16xi32>
    %rev3A_1124 = tpu.iota {dimensions = array<i32: 0>} : vector<16xi32>
    %rev3A_1125 = arith.subi %rev3A_1123, %rev3A_1124 : vector<16xi32>
    %rev3A_1126 = tpu.dynamic_gather %sort3A_1089[%rev3A_1125] in [0] : vector<16xi32>, vector<16xi32> -> vector<16xi32>
    %gt3A_1127 = arith.cmpf ogt, %neg3A_1017, %rev3A_1111 : vector<16xf32>
    %eq3A_1128 = arith.cmpf oeq, %neg3A_1017, %rev3A_1111 : vector<16xf32>
    %lt3A_1129 = arith.cmpi slt, %sort3A_1014, %rev3A_1116 : vector<16xi32>
    %and3A_1130 = arith.andi %eq3A_1128, %lt3A_1129 : vector<16xi1>
    %or3A_1131 = arith.ori %gt3A_1127, %and3A_1130 : vector<16xi1>
    %select_n3A_1132 = arith.select %or3A_1131, %neg3A_1017, %rev3A_1111 : vector<16xi1>, vector<16xf32>
    %select_n3A_1133 = arith.select %or3A_1131, %sort3A_1014, %rev3A_1116 : vector<16xi1>, vector<16xi32>
    %select_n3A_1134 = arith.select %or3A_1131, %rev3A_1111, %neg3A_1017 : vector<16xi1>, vector<16xf32>
    %select_n3A_1135 = arith.select %or3A_1131, %rev3A_1116, %sort3A_1014 : vector<16xi1>, vector<16xi32>
    %gt3A_1136 = arith.cmpf ogt, %neg3A_1031, %rev3A_1121 : vector<16xf32>
    %eq3A_1137 = arith.cmpf oeq, %neg3A_1031, %rev3A_1121 : vector<16xf32>
    %lt3A_1138 = arith.cmpi slt, %sort3A_1028, %rev3A_1126 : vector<16xi32>
    %and3A_1139 = arith.andi %eq3A_1137, %lt3A_1138 : vector<16xi1>
    %or3A_1140 = arith.ori %gt3A_1136, %and3A_1139 : vector<16xi1>
    %select_n3A_1141 = arith.select %or3A_1140, %neg3A_1031, %rev3A_1121 : vector<16xi1>, vector<16xf32>
    %select_n3A_1142 = arith.select %or3A_1140, %sort3A_1028, %rev3A_1126 : vector<16xi1>, vector<16xi32>
    %select_n3A_1143 = arith.select %or3A_1140, %rev3A_1121, %neg3A_1031 : vector<16xi1>, vector<16xf32>
    %select_n3A_1144 = arith.select %or3A_1140, %rev3A_1126, %sort3A_1028 : vector<16xi1>, vector<16xi32>
    %gt3A_1145 = arith.cmpf ogt, %select_n3A_1132, %select_n3A_1141 : vector<16xf32>
    %eq3A_1146 = arith.cmpf oeq, %select_n3A_1132, %select_n3A_1141 : vector<16xf32>
    %lt3A_1147 = arith.cmpi slt, %select_n3A_1133, %select_n3A_1142 : vector<16xi32>
    %and3A_1148 = arith.andi %eq3A_1146, %lt3A_1147 : vector<16xi1>
    %or3A_1149 = arith.ori %gt3A_1145, %and3A_1148 : vector<16xi1>
    %select_n3A_1150 = arith.select %or3A_1149, %select_n3A_1132, %select_n3A_1141 : vector<16xi1>, vector<16xf32>
    %select_n3A_1151 = arith.select %or3A_1149, %select_n3A_1133, %select_n3A_1142 : vector<16xi1>, vector<16xi32>
    %select_n3A_1152 = arith.select %or3A_1149, %select_n3A_1141, %select_n3A_1132 : vector<16xi1>, vector<16xf32>
    %select_n3A_1153 = arith.select %or3A_1149, %select_n3A_1142, %select_n3A_1133 : vector<16xi1>, vector<16xi32>
    %sort3A_1154 = arith.constant dense<true> : vector<16xi1>
    %sort3A_1155, %sort3A_1156, %sort3A_1157 = tpu.sort %select_n3A_1151, %select_n3A_1150 masked %sort3A_1154 : (vector<16xi32>, vector<16xf32>, vector<16xi1>) -> (vector<16xi1>, vector<16xi32>, vector<16xf32>)
    %neg3A_1158 = arith.constant 0.000000e+00 : f32
    %neg3A_1159 = vector.broadcast %neg3A_1158 : f32 to vector<16xf32>
    %neg3A_1160 = arith.subf %neg3A_1159, %sort3A_1157 : vector<16xf32>
    %sort3A_1161 = arith.constant dense<true> : vector<16xi1>
    %sort3A_1162, %sort3A_1163, %sort3A_1164 = tpu.sort %neg3A_1160, %sort3A_1156 masked %sort3A_1161 : (vector<16xf32>, vector<16xi32>, vector<16xi1>) -> (vector<16xi1>, vector<16xf32>, vector<16xi32>)
    %neg3A_1165 = arith.constant 0.000000e+00 : f32
    %neg3A_1166 = vector.broadcast %neg3A_1165 : f32 to vector<16xf32>
    %neg3A_1167 = arith.subf %neg3A_1166, %sort3A_1163 : vector<16xf32>
    %sort3A_1168 = arith.constant dense<true> : vector<16xi1>
    %sort3A_1169, %sort3A_1170, %sort3A_1171 = tpu.sort %select_n3A_1153, %select_n3A_1152 masked %sort3A_1168 : (vector<16xi32>, vector<16xf32>, vector<16xi1>) -> (vector<16xi1>, vector<16xi32>, vector<16xf32>)
    %neg3A_1172 = arith.constant 0.000000e+00 : f32
    %neg3A_1173 = vector.broadcast %neg3A_1172 : f32 to vector<16xf32>
    %neg3A_1174 = arith.subf %neg3A_1173, %sort3A_1171 : vector<16xf32>
    %sort3A_1175 = arith.constant dense<true> : vector<16xi1>
    %sort3A_1176, %sort3A_1177, %sort3A_1178 = tpu.sort %neg3A_1174, %sort3A_1170 masked %sort3A_1175 : (vector<16xf32>, vector<16xi32>, vector<16xi1>) -> (vector<16xi1>, vector<16xf32>, vector<16xi32>)
    %neg3A_1179 = arith.constant 0.000000e+00 : f32
    %neg3A_1180 = vector.broadcast %neg3A_1179 : f32 to vector<16xf32>
    %neg3A_1181 = arith.subf %neg3A_1180, %sort3A_1177 : vector<16xf32>
    %swap3A = arith.constant 0 : index
    %swap3A_1182 = tpu.vector_load %arg9[%swap3A] {strides = array<i32>} : memref<64xf32, #tpu.memory_space<vmem>>, vector<16xf32>,
    tpu.vector_store %arg9[%swap3A], %neg3A_1167 {strides = array<i32>} : memref<64xf32, #tpu.memory_space<vmem>>, vector<16xf32>,
    %swap3A_1183 = arith.constant 16 : index
    %swap3A_1184 = tpu.vector_load %arg9[%swap3A_1183] {strides = array<i32>} : memref<64xf32, #tpu.memory_space<vmem>>, vector<16xf32>,
    tpu.vector_store %arg9[%swap3A_1183], %neg3A_1181 {strides = array<i32>} : memref<64xf32, #tpu.memory_space<vmem>>, vector<16xf32>,
    %bitcast3A = vector.bitcast %sort3A_1164 : vector<16xi32> to vector<16xf32>
    %swap3A_1185 = arith.constant 32 : index
    %swap3A_1186 = tpu.vector_load %arg9[%swap3A_1185] {strides = array<i32>} : memref<64xf32, #tpu.memory_space<vmem>>, vector<16xf32>,
    tpu.vector_store %arg9[%swap3A_1185], %bitcast3A {strides = array<i32>} : memref<64xf32, #tpu.memory_space<vmem>>, vector<16xf32>,
    %bitcast3A_1187 = vector.bitcast %sort3A_1178 : vector<16xi32> to vector<16xf32>
    %swap3A_1188 = arith.constant 48 : index
    %swap3A_1189 = tpu.vector_load %arg9[%swap3A_1188] {strides = array<i32>} : memref<64xf32, #tpu.memory_space<vmem>>, vector<16xf32>,
    tpu.vector_store %arg9[%swap3A_1188], %bitcast3A_1187 {strides = array<i32>} : memref<64xf32, #tpu.memory_space<vmem>>, vector<16xf32>,
    %broadcast_in_dim3A = arith.constant 0.000000e+00 : f32
    %broadcast_in_dim3A_1190 = vector.broadcast %broadcast_in_dim3A : f32 to vector<16xf32>
    %swap3A_1191 = arith.constant 0 : index
    %swap3A_1192 = tpu.vector_load %arg17[%swap3A_1191] {strides = array<i32>} : memref<128xf32, #tpu.memory_space<vmem>>, vector<16xf32>,
    tpu.vector_store %arg17[%swap3A_1191], %broadcast_in_dim3A_1190 {strides = array<i32>} : memref<128xf32, #tpu.memory_space<vmem>>, vector<16xf32>,
    %broadcast_in_dim3A_1193 = arith.constant 0.000000e+00 : f32
    %broadcast_in_dim3A_1194 = vector.broadcast %broadcast_in_dim3A_1193 : f32 to vector<16xf32>
    %swap3A_1195 = arith.constant 16 : index
    %swap3A_1196 = tpu.vector_load %arg17[%swap3A_1195] {strides = array<i32>} : memref<128xf32, #tpu.memory_space<vmem>>, vector<16xf32>,
    tpu.vector_store %arg17[%swap3A_1195], %broadcast_in_dim3A_1194 {strides = array<i32>} : memref<128xf32, #tpu.memory_space<vmem>>, vector<16xf32>,
    %broadcast_in_dim3A_1197 = arith.constant 0.000000e+00 : f32
    %broadcast_in_dim3A_1198 = vector.broadcast %broadcast_in_dim3A_1197 : f32 to vector<16xf32>
    %swap3A_1199 = arith.constant 32 : index
    %swap3A_1200 = tpu.vector_load %arg17[%swap3A_1199] {strides = array<i32>} : memref<128xf32, #tpu.memory_space<vmem>>, vector<16xf32>,
    tpu.vector_store %arg17[%swap3A_1199], %broadcast_in_dim3A_1198 {strides = array<i32>} : memref<128xf32, #tpu.memory_space<vmem>>, vector<16xf32>,
    %broadcast_in_dim3A_1201 = arith.constant 0.000000e+00 : f32
    %broadcast_in_dim3A_1202 = vector.broadcast %broadcast_in_dim3A_1201 : f32 to vector<16xf32>
    %swap3A_1203 = arith.constant 48 : index
    %swap3A_1204 = tpu.vector_load %arg17[%swap3A_1203] {strides = array<i32>} : memref<128xf32, #tpu.memory_space<vmem>>, vector<16xf32>,
    tpu.vector_store %arg17[%swap3A_1203], %broadcast_in_dim3A_1202 {strides = array<i32>} : memref<128xf32, #tpu.memory_space<vmem>>, vector<16xf32>,
    %broadcast_in_dim3A_1205 = arith.constant 0.000000e+00 : f32
    %broadcast_in_dim3A_1206 = vector.broadcast %broadcast_in_dim3A_1205 : f32 to vector<16xf32>
    %swap3A_1207 = arith.constant 64 : index
    %swap3A_1208 = tpu.vector_load %arg17[%swap3A_1207] {strides = array<i32>} : memref<128xf32, #tpu.memory_space<vmem>>, vector<16xf32>,
    tpu.vector_store %arg17[%swap3A_1207], %broadcast_in_dim3A_1206 {strides = array<i32>} : memref<128xf32, #tpu.memory_space<vmem>>, vector<16xf32>,
    %broadcast_in_dim3A_1209 = arith.constant 0.000000e+00 : f32
    %broadcast_in_dim3A_1210 = vector.broadcast %broadcast_in_dim3A_1209 : f32 to vector<16xf32>
    %swap3A_1211 = arith.constant 80 : index
    %swap3A_1212 = tpu.vector_load %arg17[%swap3A_1211] {strides = array<i32>} : memref<128xf32, #tpu.memory_space<vmem>>, vector<16xf32>,
    tpu.vector_store %arg17[%swap3A_1211], %broadcast_in_dim3A_1210 {strides = array<i32>} : memref<128xf32, #tpu.memory_space<vmem>>, vector<16xf32>,
    %broadcast_in_dim3A_1213 = arith.constant 0.000000e+00 : f32
    %broadcast_in_dim3A_1214 = vector.broadcast %broadcast_in_dim3A_1213 : f32 to vector<16xf32>
    %swap3A_1215 = arith.constant 96 : index
    %swap3A_1216 = tpu.vector_load %arg17[%swap3A_1215] {strides = array<i32>} : memref<128xf32, #tpu.memory_space<vmem>>, vector<16xf32>,
    tpu.vector_store %arg17[%swap3A_1215], %broadcast_in_dim3A_1214 {strides = array<i32>} : memref<128xf32, #tpu.memory_space<vmem>>, vector<16xf32>,
    %broadcast_in_dim3A_1217 = arith.constant 0.000000e+00 : f32
    %broadcast_in_dim3A_1218 = vector.broadcast %broadcast_in_dim3A_1217 : f32 to vector<16xf32>
    %swap3A_1219 = arith.constant 112 : index
    %swap3A_1220 = tpu.vector_load %arg17[%swap3A_1219] {strides = array<i32>} : memref<128xf32, #tpu.memory_space<vmem>>, vector<16xf32>,
    tpu.vector_store %arg17[%swap3A_1219], %broadcast_in_dim3A_1218 {strides = array<i32>} : memref<128xf32, #tpu.memory_space<vmem>>, vector<16xf32>,
    %mul3A_1221 = arith.constant 64 : i32
    %mul3A_1222 = arith.muli %arg1, %mul3A_1221 : i32
    "tpu.region"() ({
      %run_scoped3A = tpu.sem_alloc : memref<!tpu.dma_semaphore, #tpu.memory_space<semaphore_mem>>
      %dma_start3A_2702 = tpu.memref_slice %arg10[%mul3A_1222] : memref<1024xf32, #tpu.memory_space<vmem_shared>> -> memref<64xf32, #tpu.memory_space<vmem_shared>>
      %dma_start3A_2703 = tpu.memref_slice %arg10[%mul3A_1222] : memref<1024xf32, #tpu.memory_space<vmem_shared>> -> memref<64xf32, #tpu.memory_space<vmem_shared>>
      tpu.enqueue_dma source(%arg9 : memref<64xf32, #tpu.memory_space<vmem>>) target(%dma_start3A_2703 : memref<64xf32, #tpu.memory_space<vmem_shared>>) target_semaphore(%run_scoped3A : memref<!tpu.dma_semaphore, #tpu.memory_space<semaphore_mem>>)
      %dma_wait3A_2704 = tpu.memref_slice %arg10[%mul3A_1222] : memref<1024xf32, #tpu.memory_space<vmem_shared>> -> memref<64xf32, #tpu.memory_space<vmem_shared>>
      %dma_wait3A_2705 = tpu.memref_slice %arg10[%mul3A_1222] : memref<1024xf32, #tpu.memory_space<vmem_shared>> -> memref<64xf32, #tpu.memory_space<vmem_shared>>
      tpu.wait_dma2 semaphore(%run_scoped3A : memref<!tpu.dma_semaphore, #tpu.memory_space<semaphore_mem>>) src(%arg9 : memref<64xf32, #tpu.memory_space<vmem>>) dst(%dma_wait3A_2705 : memref<64xf32, #tpu.memory_space<vmem_shared>>)
      tpu.yield
    }) : () -> ()
    %barrier3A = arith.constant 0 : index
    tpu.barrier barrier_id(%barrier3A)
    "tpu.region"() ({
      %run_scoped3A = tpu.sem_alloc : memref<!tpu.dma_semaphore, #tpu.memory_space<semaphore_mem>>
      tpu.enqueue_dma source(%arg10 : memref<1024xf32, #tpu.memory_space<vmem_shared>>) target(%arg11 : memref<1024xf32, #tpu.memory_space<vmem>>) target_semaphore(%run_scoped3A : memref<!tpu.dma_semaphore, #tpu.memory_space<semaphore_mem>>)
      tpu.wait_dma2 semaphore(%run_scoped3A : memref<!tpu.dma_semaphore, #tpu.memory_space<semaphore_mem>>) src(%arg10 : memref<1024xf32, #tpu.memory_space<vmem_shared>>) dst(%arg11 : memref<1024xf32, #tpu.memory_space<vmem>>)
      tpu.yield
    }) : () -> ()
    %get3A_1223 = arith.constant 0 : index
    %get3A_1224 = tpu.vector_load %arg11[%get3A_1223] {strides = array<i32>} : memref<1024xf32, #tpu.memory_space<vmem>>, vector<16xf32>,
    %get3A_1225 = arith.constant 32 : index
    %get3A_1226 = tpu.vector_load %arg11[%get3A_1225] {strides = array<i32>} : memref<1024xf32, #tpu.memory_space<vmem>>, vector<16xf32>,
    %bitcast3A_1227 = vector.bitcast %get3A_1226 : vector<16xf32> to vector<16xi32>
    %get3A_1228 = arith.constant 16 : index
    %get3A_1229 = tpu.vector_load %arg11[%get3A_1228] {strides = array<i32>} : memref<1024xf32, #tpu.memory_space<vmem>>, vector<16xf32>,
    %get3A_1230 = arith.constant 48 : index
    %get3A_1231 = tpu.vector_load %arg11[%get3A_1230] {strides = array<i32>} : memref<1024xf32, #tpu.memory_space<vmem>>, vector<16xf32>,
    %bitcast3A_1232 = vector.bitcast %get3A_1231 : vector<16xf32> to vector<16xi32>
    %get3A_1233 = arith.constant 64 : index
    %get3A_1234 = tpu.vector_load %arg11[%get3A_1233] {strides = array<i32>} : memref<1024xf32, #tpu.memory_space<vmem>>, vector<16xf32>,
    %get3A_1235 = arith.constant 96 : index
    %get3A_1236 = tpu.vector_load %arg11[%get3A_1235] {strides = array<i32>} : memref<1024xf32, #tpu.memory_space<vmem>>, vector<16xf32>,
    %bitcast3A_1237 = vector.bitcast %get3A_1236 : vector<16xf32> to vector<16xi32>
    %get3A_1238 = arith.constant 80 : index
    %get3A_1239 = tpu.vector_load %arg11[%get3A_1238] {strides = array<i32>} : memref<1024xf32, #tpu.memory_space<vmem>>, vector<16xf32>,
    %get3A_1240 = arith.constant 112 : index
    %get3A_1241 = tpu.vector_load %arg11[%get3A_1240] {strides = array<i32>} : memref<1024xf32, #tpu.memory_space<vmem>>, vector<16xf32>,
    %bitcast3A_1242 = vector.bitcast %get3A_1241 : vector<16xf32> to vector<16xi32>
    %get3A_1243 = arith.constant 128 : index
    %get3A_1244 = tpu.vector_load %arg11[%get3A_1243] {strides = array<i32>} : memref<1024xf32, #tpu.memory_space<vmem>>, vector<16xf32>,
    %get3A_1245 = arith.constant 160 : index
    %get3A_1246 = tpu.vector_load %arg11[%get3A_1245] {strides = array<i32>} : memref<1024xf32, #tpu.memory_space<vmem>>, vector<16xf32>,
    %bitcast3A_1247 = vector.bitcast %get3A_1246 : vector<16xf32> to vector<16xi32>
    %get3A_1248 = arith.constant 144 : index
    %get3A_1249 = tpu.vector_load %arg11[%get3A_1248] {strides = array<i32>} : memref<1024xf32, #tpu.memory_space<vmem>>, vector<16xf32>,
    %get3A_1250 = arith.constant 176 : index
    %get3A_1251 = tpu.vector_load %arg11[%get3A_1250] {strides = array<i32>} : memref<1024xf32, #tpu.memory_space<vmem>>, vector<16xf32>,
    %bitcast3A_1252 = vector.bitcast %get3A_1251 : vector<16xf32> to vector<16xi32>
    %get3A_1253 = arith.constant 192 : index
    %get3A_1254 = tpu.vector_load %arg11[%get3A_1253] {strides = array<i32>} : memref<1024xf32, #tpu.memory_space<vmem>>, vector<16xf32>,
    %get3A_1255 = arith.constant 224 : index
    %get3A_1256 = tpu.vector_load %arg11[%get3A_1255] {strides = array<i32>} : memref<1024xf32, #tpu.memory_space<vmem>>, vector<16xf32>,
    %bitcast3A_1257 = vector.bitcast %get3A_1256 : vector<16xf32> to vector<16xi32>
    %get3A_1258 = arith.constant 208 : index
    %get3A_1259 = tpu.vector_load %arg11[%get3A_1258] {strides = array<i32>} : memref<1024xf32, #tpu.memory_space<vmem>>, vector<16xf32>,
    %get3A_1260 = arith.constant 240 : index
    %get3A_1261 = tpu.vector_load %arg11[%get3A_1260] {strides = array<i32>} : memref<1024xf32, #tpu.memory_space<vmem>>, vector<16xf32>,
    %bitcast3A_1262 = vector.bitcast %get3A_1261 : vector<16xf32> to vector<16xi32>
    %get3A_1263 = arith.constant 256 : index
    %get3A_1264 = tpu.vector_load %arg11[%get3A_1263] {strides = array<i32>} : memref<1024xf32, #tpu.memory_space<vmem>>, vector<16xf32>,
    %get3A_1265 = arith.constant 288 : index
    %get3A_1266 = tpu.vector_load %arg11[%get3A_1265] {strides = array<i32>} : memref<1024xf32, #tpu.memory_space<vmem>>, vector<16xf32>,
    %bitcast3A_1267 = vector.bitcast %get3A_1266 : vector<16xf32> to vector<16xi32>
    %get3A_1268 = arith.constant 272 : index
    %get3A_1269 = tpu.vector_load %arg11[%get3A_1268] {strides = array<i32>} : memref<1024xf32, #tpu.memory_space<vmem>>, vector<16xf32>,
    %get3A_1270 = arith.constant 304 : index
    %get3A_1271 = tpu.vector_load %arg11[%get3A_1270] {strides = array<i32>} : memref<1024xf32, #tpu.memory_space<vmem>>, vector<16xf32>,
    %bitcast3A_1272 = vector.bitcast %get3A_1271 : vector<16xf32> to vector<16xi32>
    %get3A_1273 = arith.constant 320 : index
    %get3A_1274 = tpu.vector_load %arg11[%get3A_1273] {strides = array<i32>} : memref<1024xf32, #tpu.memory_space<vmem>>, vector<16xf32>,
    %get3A_1275 = arith.constant 352 : index
    %get3A_1276 = tpu.vector_load %arg11[%get3A_1275] {strides = array<i32>} : memref<1024xf32, #tpu.memory_space<vmem>>, vector<16xf32>,
    %bitcast3A_1277 = vector.bitcast %get3A_1276 : vector<16xf32> to vector<16xi32>
    %get3A_1278 = arith.constant 336 : index
    %get3A_1279 = tpu.vector_load %arg11[%get3A_1278] {strides = array<i32>} : memref<1024xf32, #tpu.memory_space<vmem>>, vector<16xf32>,
    %get3A_1280 = arith.constant 368 : index
    %get3A_1281 = tpu.vector_load %arg11[%get3A_1280] {strides = array<i32>} : memref<1024xf32, #tpu.memory_space<vmem>>, vector<16xf32>,
    %bitcast3A_1282 = vector.bitcast %get3A_1281 : vector<16xf32> to vector<16xi32>
    %get3A_1283 = arith.constant 384 : index
    %get3A_1284 = tpu.vector_load %arg11[%get3A_1283] {strides = array<i32>} : memref<1024xf32, #tpu.memory_space<vmem>>, vector<16xf32>,
    %get3A_1285 = arith.constant 416 : index
    %get3A_1286 = tpu.vector_load %arg11[%get3A_1285] {strides = array<i32>} : memref<1024xf32, #tpu.memory_space<vmem>>, vector<16xf32>,
    %bitcast3A_1287 = vector.bitcast %get3A_1286 : vector<16xf32> to vector<16xi32>
    %get3A_1288 = arith.constant 400 : index
    %get3A_1289 = tpu.vector_load %arg11[%get3A_1288] {strides = array<i32>} : memref<1024xf32, #tpu.memory_space<vmem>>, vector<16xf32>,
    %get3A_1290 = arith.constant 432 : index
    %get3A_1291 = tpu.vector_load %arg11[%get3A_1290] {strides = array<i32>} : memref<1024xf32, #tpu.memory_space<vmem>>, vector<16xf32>,
    %bitcast3A_1292 = vector.bitcast %get3A_1291 : vector<16xf32> to vector<16xi32>
    %get3A_1293 = arith.constant 448 : index
    %get3A_1294 = tpu.vector_load %arg11[%get3A_1293] {strides = array<i32>} : memref<1024xf32, #tpu.memory_space<vmem>>, vector<16xf32>,
    %get3A_1295 = arith.constant 480 : index
    %get3A_1296 = tpu.vector_load %arg11[%get3A_1295] {strides = array<i32>} : memref<1024xf32, #tpu.memory_space<vmem>>, vector<16xf32>,
    %bitcast3A_1297 = vector.bitcast %get3A_1296 : vector<16xf32> to vector<16xi32>
    %get3A_1298 = arith.constant 464 : index
    %get3A_1299 = tpu.vector_load %arg11[%get3A_1298] {strides = array<i32>} : memref<1024xf32, #tpu.memory_space<vmem>>, vector<16xf32>,
    %get3A_1300 = arith.constant 496 : index
    %get3A_1301 = tpu.vector_load %arg11[%get3A_1300] {strides = array<i32>} : memref<1024xf32, #tpu.memory_space<vmem>>, vector<16xf32>,
    %bitcast3A_1302 = vector.bitcast %get3A_1301 : vector<16xf32> to vector<16xi32>
    %get3A_1303 = arith.constant 512 : index
    %get3A_1304 = tpu.vector_load %arg11[%get3A_1303] {strides = array<i32>} : memref<1024xf32, #tpu.memory_space<vmem>>, vector<16xf32>,
    %get3A_1305 = arith.constant 544 : index
    %get3A_1306 = tpu.vector_load %arg11[%get3A_1305] {strides = array<i32>} : memref<1024xf32, #tpu.memory_space<vmem>>, vector<16xf32>,
    %bitcast3A_1307 = vector.bitcast %get3A_1306 : vector<16xf32> to vector<16xi32>
    %get3A_1308 = arith.constant 528 : index
    %get3A_1309 = tpu.vector_load %arg11[%get3A_1308] {strides = array<i32>} : memref<1024xf32, #tpu.memory_space<vmem>>, vector<16xf32>,
    %get3A_1310 = arith.constant 560 : index
    %get3A_1311 = tpu.vector_load %arg11[%get3A_1310] {strides = array<i32>} : memref<1024xf32, #tpu.memory_space<vmem>>, vector<16xf32>,
    %bitcast3A_1312 = vector.bitcast %get3A_1311 : vector<16xf32> to vector<16xi32>
    %get3A_1313 = arith.constant 576 : index
    %get3A_1314 = tpu.vector_load %arg11[%get3A_1313] {strides = array<i32>} : memref<1024xf32, #tpu.memory_space<vmem>>, vector<16xf32>,
    %get3A_1315 = arith.constant 608 : index
    %get3A_1316 = tpu.vector_load %arg11[%get3A_1315] {strides = array<i32>} : memref<1024xf32, #tpu.memory_space<vmem>>, vector<16xf32>,
    %bitcast3A_1317 = vector.bitcast %get3A_1316 : vector<16xf32> to vector<16xi32>
    %get3A_1318 = arith.constant 592 : index
    %get3A_1319 = tpu.vector_load %arg11[%get3A_1318] {strides = array<i32>} : memref<1024xf32, #tpu.memory_space<vmem>>, vector<16xf32>,
    %get3A_1320 = arith.constant 624 : index
    %get3A_1321 = tpu.vector_load %arg11[%get3A_1320] {strides = array<i32>} : memref<1024xf32, #tpu.memory_space<vmem>>, vector<16xf32>,
    %bitcast3A_1322 = vector.bitcast %get3A_1321 : vector<16xf32> to vector<16xi32>
    %get3A_1323 = arith.constant 640 : index
    %get3A_1324 = tpu.vector_load %arg11[%get3A_1323] {strides = array<i32>} : memref<1024xf32, #tpu.memory_space<vmem>>, vector<16xf32>,
    %get3A_1325 = arith.constant 672 : index
    %get3A_1326 = tpu.vector_load %arg11[%get3A_1325] {strides = array<i32>} : memref<1024xf32, #tpu.memory_space<vmem>>, vector<16xf32>,
    %bitcast3A_1327 = vector.bitcast %get3A_1326 : vector<16xf32> to vector<16xi32>
    %get3A_1328 = arith.constant 656 : index
    %get3A_1329 = tpu.vector_load %arg11[%get3A_1328] {strides = array<i32>} : memref<1024xf32, #tpu.memory_space<vmem>>, vector<16xf32>,
    %get3A_1330 = arith.constant 688 : index
    %get3A_1331 = tpu.vector_load %arg11[%get3A_1330] {strides = array<i32>} : memref<1024xf32, #tpu.memory_space<vmem>>, vector<16xf32>,
    %bitcast3A_1332 = vector.bitcast %get3A_1331 : vector<16xf32> to vector<16xi32>
    %get3A_1333 = arith.constant 704 : index
    %get3A_1334 = tpu.vector_load %arg11[%get3A_1333] {strides = array<i32>} : memref<1024xf32, #tpu.memory_space<vmem>>, vector<16xf32>,
    %get3A_1335 = arith.constant 736 : index
    %get3A_1336 = tpu.vector_load %arg11[%get3A_1335] {strides = array<i32>} : memref<1024xf32, #tpu.memory_space<vmem>>, vector<16xf32>,
    %bitcast3A_1337 = vector.bitcast %get3A_1336 : vector<16xf32> to vector<16xi32>
    %get3A_1338 = arith.constant 720 : index
    %get3A_1339 = tpu.vector_load %arg11[%get3A_1338] {strides = array<i32>} : memref<1024xf32, #tpu.memory_space<vmem>>, vector<16xf32>,
    %get3A_1340 = arith.constant 752 : index
    %get3A_1341 = tpu.vector_load %arg11[%get3A_1340] {strides = array<i32>} : memref<1024xf32, #tpu.memory_space<vmem>>, vector<16xf32>,
    %bitcast3A_1342 = vector.bitcast %get3A_1341 : vector<16xf32> to vector<16xi32>
    %get3A_1343 = arith.constant 768 : index
    %get3A_1344 = tpu.vector_load %arg11[%get3A_1343] {strides = array<i32>} : memref<1024xf32, #tpu.memory_space<vmem>>, vector<16xf32>,
    %get3A_1345 = arith.constant 800 : index
    %get3A_1346 = tpu.vector_load %arg11[%get3A_1345] {strides = array<i32>} : memref<1024xf32, #tpu.memory_space<vmem>>, vector<16xf32>,
    %bitcast3A_1347 = vector.bitcast %get3A_1346 : vector<16xf32> to vector<16xi32>
    %get3A_1348 = arith.constant 784 : index
    %get3A_1349 = tpu.vector_load %arg11[%get3A_1348] {strides = array<i32>} : memref<1024xf32, #tpu.memory_space<vmem>>, vector<16xf32>,
    %get3A_1350 = arith.constant 816 : index
    %get3A_1351 = tpu.vector_load %arg11[%get3A_1350] {strides = array<i32>} : memref<1024xf32, #tpu.memory_space<vmem>>, vector<16xf32>,
    %bitcast3A_1352 = vector.bitcast %get3A_1351 : vector<16xf32> to vector<16xi32>
    %get3A_1353 = arith.constant 832 : index
    %get3A_1354 = tpu.vector_load %arg11[%get3A_1353] {strides = array<i32>} : memref<1024xf32, #tpu.memory_space<vmem>>, vector<16xf32>,
    %get3A_1355 = arith.constant 864 : index
    %get3A_1356 = tpu.vector_load %arg11[%get3A_1355] {strides = array<i32>} : memref<1024xf32, #tpu.memory_space<vmem>>, vector<16xf32>,
    %bitcast3A_1357 = vector.bitcast %get3A_1356 : vector<16xf32> to vector<16xi32>
    %get3A_1358 = arith.constant 848 : index
    %get3A_1359 = tpu.vector_load %arg11[%get3A_1358] {strides = array<i32>} : memref<1024xf32, #tpu.memory_space<vmem>>, vector<16xf32>,
    %get3A_1360 = arith.constant 880 : index
    %get3A_1361 = tpu.vector_load %arg11[%get3A_1360] {strides = array<i32>} : memref<1024xf32, #tpu.memory_space<vmem>>, vector<16xf32>,
    %bitcast3A_1362 = vector.bitcast %get3A_1361 : vector<16xf32> to vector<16xi32>
    %get3A_1363 = arith.constant 896 : index
    %get3A_1364 = tpu.vector_load %arg11[%get3A_1363] {strides = array<i32>} : memref<1024xf32, #tpu.memory_space<vmem>>, vector<16xf32>,
    %get3A_1365 = arith.constant 928 : index
    %get3A_1366 = tpu.vector_load %arg11[%get3A_1365] {strides = array<i32>} : memref<1024xf32, #tpu.memory_space<vmem>>, vector<16xf32>,
    %bitcast3A_1367 = vector.bitcast %get3A_1366 : vector<16xf32> to vector<16xi32>
    %get3A_1368 = arith.constant 912 : index
    %get3A_1369 = tpu.vector_load %arg11[%get3A_1368] {strides = array<i32>} : memref<1024xf32, #tpu.memory_space<vmem>>, vector<16xf32>,
    %get3A_1370 = arith.constant 944 : index
    %get3A_1371 = tpu.vector_load %arg11[%get3A_1370] {strides = array<i32>} : memref<1024xf32, #tpu.memory_space<vmem>>, vector<16xf32>,
    %bitcast3A_1372 = vector.bitcast %get3A_1371 : vector<16xf32> to vector<16xi32>
    %get3A_1373 = arith.constant 960 : index
    %get3A_1374 = tpu.vector_load %arg11[%get3A_1373] {strides = array<i32>} : memref<1024xf32, #tpu.memory_space<vmem>>, vector<16xf32>,
    %get3A_1375 = arith.constant 992 : index
    %get3A_1376 = tpu.vector_load %arg11[%get3A_1375] {strides = array<i32>} : memref<1024xf32, #tpu.memory_space<vmem>>, vector<16xf32>,
    %bitcast3A_1377 = vector.bitcast %get3A_1376 : vector<16xf32> to vector<16xi32>
    %get3A_1378 = arith.constant 976 : index
    %get3A_1379 = tpu.vector_load %arg11[%get3A_1378] {strides = array<i32>} : memref<1024xf32, #tpu.memory_space<vmem>>, vector<16xf32>,
    %get3A_1380 = arith.constant 1008 : index
    %get3A_1381 = tpu.vector_load %arg11[%get3A_1380] {strides = array<i32>} : memref<1024xf32, #tpu.memory_space<vmem>>, vector<16xf32>,
    %bitcast3A_1382 = vector.bitcast %get3A_1381 : vector<16xf32> to vector<16xi32>
    %rev3A_1383 = arith.constant 15 : i32
    %rev3A_1384 = vector.broadcast %rev3A_1383 : i32 to vector<16xi32>
    %rev3A_1385 = tpu.iota {dimensions = array<i32: 0>} : vector<16xi32>
    %rev3A_1386 = arith.subi %rev3A_1384, %rev3A_1385 : vector<16xi32>
    %rev3A_1387 = tpu.dynamic_gather %get3A_1239[%rev3A_1386] in [0] : vector<16xf32>, vector<16xi32> -> vector<16xf32>
    %rev3A_1388 = arith.constant 15 : i32
    %rev3A_1389 = vector.broadcast %rev3A_1388 : i32 to vector<16xi32>
    %rev3A_1390 = tpu.iota {dimensions = array<i32: 0>} : vector<16xi32>
    %rev3A_1391 = arith.subi %rev3A_1389, %rev3A_1390 : vector<16xi32>
    %rev3A_1392 = tpu.dynamic_gather %bitcast3A_1242[%rev3A_1391] in [0] : vector<16xi32>, vector<16xi32> -> vector<16xi32>
    %rev3A_1393 = arith.constant 15 : i32
    %rev3A_1394 = vector.broadcast %rev3A_1393 : i32 to vector<16xi32>
    %rev3A_1395 = tpu.iota {dimensions = array<i32: 0>} : vector<16xi32>
    %rev3A_1396 = arith.subi %rev3A_1394, %rev3A_1395 : vector<16xi32>
    %rev3A_1397 = tpu.dynamic_gather %get3A_1234[%rev3A_1396] in [0] : vector<16xf32>, vector<16xi32> -> vector<16xf32>
    %rev3A_1398 = arith.constant 15 : i32
    %rev3A_1399 = vector.broadcast %rev3A_1398 : i32 to vector<16xi32>
    %rev3A_1400 = tpu.iota {dimensions = array<i32: 0>} : vector<16xi32>
    %rev3A_1401 = arith.subi %rev3A_1399, %rev3A_1400 : vector<16xi32>
    %rev3A_1402 = tpu.dynamic_gather %bitcast3A_1237[%rev3A_1401] in [0] : vector<16xi32>, vector<16xi32> -> vector<16xi32>
    %gt3A_1403 = arith.cmpf ogt, %get3A_1224, %rev3A_1387 : vector<16xf32>
    %eq3A_1404 = arith.cmpf oeq, %get3A_1224, %rev3A_1387 : vector<16xf32>
    %lt3A_1405 = arith.cmpi slt, %bitcast3A_1227, %rev3A_1392 : vector<16xi32>
    %and3A_1406 = arith.andi %eq3A_1404, %lt3A_1405 : vector<16xi1>
    %or3A_1407 = arith.ori %gt3A_1403, %and3A_1406 : vector<16xi1>
    %select_n3A_1408 = arith.select %or3A_1407, %get3A_1224, %rev3A_1387 : vector<16xi1>, vector<16xf32>
    %select_n3A_1409 = arith.select %or3A_1407, %bitcast3A_1227, %rev3A_1392 : vector<16xi1>, vector<16xi32>
    %select_n3A_1410 = arith.select %or3A_1407, %rev3A_1387, %get3A_1224 : vector<16xi1>, vector<16xf32>
    %select_n3A_1411 = arith.select %or3A_1407, %rev3A_1392, %bitcast3A_1227 : vector<16xi1>, vector<16xi32>
    %gt3A_1412 = arith.cmpf ogt, %get3A_1229, %rev3A_1397 : vector<16xf32>
    %eq3A_1413 = arith.cmpf oeq, %get3A_1229, %rev3A_1397 : vector<16xf32>
    %lt3A_1414 = arith.cmpi slt, %bitcast3A_1232, %rev3A_1402 : vector<16xi32>
    %and3A_1415 = arith.andi %eq3A_1413, %lt3A_1414 : vector<16xi1>
    %or3A_1416 = arith.ori %gt3A_1412, %and3A_1415 : vector<16xi1>
    %select_n3A_1417 = arith.select %or3A_1416, %get3A_1229, %rev3A_1397 : vector<16xi1>, vector<16xf32>
    %select_n3A_1418 = arith.select %or3A_1416, %bitcast3A_1232, %rev3A_1402 : vector<16xi1>, vector<16xi32>
    %select_n3A_1419 = arith.select %or3A_1416, %rev3A_1397, %get3A_1229 : vector<16xi1>, vector<16xf32>
    %select_n3A_1420 = arith.select %or3A_1416, %rev3A_1402, %bitcast3A_1232 : vector<16xi1>, vector<16xi32>
    %gt3A_1421 = arith.cmpf ogt, %select_n3A_1408, %select_n3A_1417 : vector<16xf32>
    %eq3A_1422 = arith.cmpf oeq, %select_n3A_1408, %select_n3A_1417 : vector<16xf32>
    %lt3A_1423 = arith.cmpi slt, %select_n3A_1409, %select_n3A_1418 : vector<16xi32>
    %and3A_1424 = arith.andi %eq3A_1422, %lt3A_1423 : vector<16xi1>
    %or3A_1425 = arith.ori %gt3A_1421, %and3A_1424 : vector<16xi1>
    %select_n3A_1426 = arith.select %or3A_1425, %select_n3A_1408, %select_n3A_1417 : vector<16xi1>, vector<16xf32>
    %select_n3A_1427 = arith.select %or3A_1425, %select_n3A_1409, %select_n3A_1418 : vector<16xi1>, vector<16xi32>
    %select_n3A_1428 = arith.select %or3A_1425, %select_n3A_1417, %select_n3A_1408 : vector<16xi1>, vector<16xf32>
    %select_n3A_1429 = arith.select %or3A_1425, %select_n3A_1418, %select_n3A_1409 : vector<16xi1>, vector<16xi32>
    %sort3A_1430 = arith.constant dense<true> : vector<16xi1>
    %sort3A_1431, %sort3A_1432, %sort3A_1433 = tpu.sort %select_n3A_1427, %select_n3A_1426 masked %sort3A_1430 : (vector<16xi32>, vector<16xf32>, vector<16xi1>) -> (vector<16xi1>, vector<16xi32>, vector<16xf32>)
    %neg3A_1434 = arith.constant 0.000000e+00 : f32
    %neg3A_1435 = vector.broadcast %neg3A_1434 : f32 to vector<16xf32>
    %neg3A_1436 = arith.subf %neg3A_1435, %sort3A_1433 : vector<16xf32>
    %sort3A_1437 = arith.constant dense<true> : vector<16xi1>
    %sort3A_1438, %sort3A_1439, %sort3A_1440 = tpu.sort %neg3A_1436, %sort3A_1432 masked %sort3A_1437 : (vector<16xf32>, vector<16xi32>, vector<16xi1>) -> (vector<16xi1>, vector<16xf32>, vector<16xi32>)
    %neg3A_1441 = arith.constant 0.000000e+00 : f32
    %neg3A_1442 = vector.broadcast %neg3A_1441 : f32 to vector<16xf32>
    %neg3A_1443 = arith.subf %neg3A_1442, %sort3A_1439 : vector<16xf32>
    %sort3A_1444 = arith.constant dense<true> : vector<16xi1>
    %sort3A_1445, %sort3A_1446, %sort3A_1447 = tpu.sort %select_n3A_1429, %select_n3A_1428 masked %sort3A_1444 : (vector<16xi32>, vector<16xf32>, vector<16xi1>) -> (vector<16xi1>, vector<16xi32>, vector<16xf32>)
    %neg3A_1448 = arith.constant 0.000000e+00 : f32
    %neg3A_1449 = vector.broadcast %neg3A_1448 : f32 to vector<16xf32>
    %neg3A_1450 = arith.subf %neg3A_1449, %sort3A_1447 : vector<16xf32>
    %sort3A_1451 = arith.constant dense<true> : vector<16xi1>
    %sort3A_1452, %sort3A_1453, %sort3A_1454 = tpu.sort %neg3A_1450, %sort3A_1446 masked %sort3A_1451 : (vector<16xf32>, vector<16xi32>, vector<16xi1>) -> (vector<16xi1>, vector<16xf32>, vector<16xi32>)
    %neg3A_1455 = arith.constant 0.000000e+00 : f32
    %neg3A_1456 = vector.broadcast %neg3A_1455 : f32 to vector<16xf32>
    %neg3A_1457 = arith.subf %neg3A_1456, %sort3A_1453 : vector<16xf32>
    %rev3A_1458 = arith.constant 15 : i32
    %rev3A_1459 = vector.broadcast %rev3A_1458 : i32 to vector<16xi32>
    %rev3A_1460 = tpu.iota {dimensions = array<i32: 0>} : vector<16xi32>
    %rev3A_1461 = arith.subi %rev3A_1459, %rev3A_1460 : vector<16xi32>
    %rev3A_1462 = tpu.dynamic_gather %get3A_1259[%rev3A_1461] in [0] : vector<16xf32>, vector<16xi32> -> vector<16xf32>
    %rev3A_1463 = arith.constant 15 : i32
    %rev3A_1464 = vector.broadcast %rev3A_1463 : i32 to vector<16xi32>
    %rev3A_1465 = tpu.iota {dimensions = array<i32: 0>} : vector<16xi32>
    %rev3A_1466 = arith.subi %rev3A_1464, %rev3A_1465 : vector<16xi32>
    %rev3A_1467 = tpu.dynamic_gather %bitcast3A_1262[%rev3A_1466] in [0] : vector<16xi32>, vector<16xi32> -> vector<16xi32>
    %rev3A_1468 = arith.constant 15 : i32
    %rev3A_1469 = vector.broadcast %rev3A_1468 : i32 to vector<16xi32>
    %rev3A_1470 = tpu.iota {dimensions = array<i32: 0>} : vector<16xi32>
    %rev3A_1471 = arith.subi %rev3A_1469, %rev3A_1470 : vector<16xi32>
    %rev3A_1472 = tpu.dynamic_gather %get3A_1254[%rev3A_1471] in [0] : vector<16xf32>, vector<16xi32> -> vector<16xf32>
    %rev3A_1473 = arith.constant 15 : i32
    %rev3A_1474 = vector.broadcast %rev3A_1473 : i32 to vector<16xi32>
    %rev3A_1475 = tpu.iota {dimensions = array<i32: 0>} : vector<16xi32>
    %rev3A_1476 = arith.subi %rev3A_1474, %rev3A_1475 : vector<16xi32>
    %rev3A_1477 = tpu.dynamic_gather %bitcast3A_1257[%rev3A_1476] in [0] : vector<16xi32>, vector<16xi32> -> vector<16xi32>
    %gt3A_1478 = arith.cmpf ogt, %get3A_1244, %rev3A_1462 : vector<16xf32>
    %eq3A_1479 = arith.cmpf oeq, %get3A_1244, %rev3A_1462 : vector<16xf32>
    %lt3A_1480 = arith.cmpi slt, %bitcast3A_1247, %rev3A_1467 : vector<16xi32>
    %and3A_1481 = arith.andi %eq3A_1479, %lt3A_1480 : vector<16xi1>
    %or3A_1482 = arith.ori %gt3A_1478, %and3A_1481 : vector<16xi1>
    %select_n3A_1483 = arith.select %or3A_1482, %get3A_1244, %rev3A_1462 : vector<16xi1>, vector<16xf32>
    %select_n3A_1484 = arith.select %or3A_1482, %bitcast3A_1247, %rev3A_1467 : vector<16xi1>, vector<16xi32>
    %select_n3A_1485 = arith.select %or3A_1482, %rev3A_1462, %get3A_1244 : vector<16xi1>, vector<16xf32>
    %select_n3A_1486 = arith.select %or3A_1482, %rev3A_1467, %bitcast3A_1247 : vector<16xi1>, vector<16xi32>
    %gt3A_1487 = arith.cmpf ogt, %get3A_1249, %rev3A_1472 : vector<16xf32>
    %eq3A_1488 = arith.cmpf oeq, %get3A_1249, %rev3A_1472 : vector<16xf32>
    %lt3A_1489 = arith.cmpi slt, %bitcast3A_1252, %rev3A_1477 : vector<16xi32>
    %and3A_1490 = arith.andi %eq3A_1488, %lt3A_1489 : vector<16xi1>
    %or3A_1491 = arith.ori %gt3A_1487, %and3A_1490 : vector<16xi1>
    %select_n3A_1492 = arith.select %or3A_1491, %get3A_1249, %rev3A_1472 : vector<16xi1>, vector<16xf32>
    %select_n3A_1493 = arith.select %or3A_1491, %bitcast3A_1252, %rev3A_1477 : vector<16xi1>, vector<16xi32>
    %select_n3A_1494 = arith.select %or3A_1491, %rev3A_1472, %get3A_1249 : vector<16xi1>, vector<16xf32>
    %select_n3A_1495 = arith.select %or3A_1491, %rev3A_1477, %bitcast3A_1252 : vector<16xi1>, vector<16xi32>
    %gt3A_1496 = arith.cmpf ogt, %select_n3A_1483, %select_n3A_1492 : vector<16xf32>
    %eq3A_1497 = arith.cmpf oeq, %select_n3A_1483, %select_n3A_1492 : vector<16xf32>
    %lt3A_1498 = arith.cmpi slt, %select_n3A_1484, %select_n3A_1493 : vector<16xi32>
    %and3A_1499 = arith.andi %eq3A_1497, %lt3A_1498 : vector<16xi1>
    %or3A_1500 = arith.ori %gt3A_1496, %and3A_1499 : vector<16xi1>
    %select_n3A_1501 = arith.select %or3A_1500, %select_n3A_1483, %select_n3A_1492 : vector<16xi1>, vector<16xf32>
    %select_n3A_1502 = arith.select %or3A_1500, %select_n3A_1484, %select_n3A_1493 : vector<16xi1>, vector<16xi32>
    %select_n3A_1503 = arith.select %or3A_1500, %select_n3A_1492, %select_n3A_1483 : vector<16xi1>, vector<16xf32>
    %select_n3A_1504 = arith.select %or3A_1500, %select_n3A_1493, %select_n3A_1484 : vector<16xi1>, vector<16xi32>
    %sort3A_1505 = arith.constant dense<true> : vector<16xi1>
    %sort3A_1506, %sort3A_1507, %sort3A_1508 = tpu.sort %select_n3A_1502, %select_n3A_1501 masked %sort3A_1505 : (vector<16xi32>, vector<16xf32>, vector<16xi1>) -> (vector<16xi1>, vector<16xi32>, vector<16xf32>)
    %neg3A_1509 = arith.constant 0.000000e+00 : f32
    %neg3A_1510 = vector.broadcast %neg3A_1509 : f32 to vector<16xf32>
    %neg3A_1511 = arith.subf %neg3A_1510, %sort3A_1508 : vector<16xf32>
    %sort3A_1512 = arith.constant dense<true> : vector<16xi1>
    %sort3A_1513, %sort3A_1514, %sort3A_1515 = tpu.sort %neg3A_1511, %sort3A_1507 masked %sort3A_1512 : (vector<16xf32>, vector<16xi32>, vector<16xi1>) -> (vector<16xi1>, vector<16xf32>, vector<16xi32>)
    %neg3A_1516 = arith.constant 0.000000e+00 : f32
    %neg3A_1517 = vector.broadcast %neg3A_1516 : f32 to vector<16xf32>
    %neg3A_1518 = arith.subf %neg3A_1517, %sort3A_1514 : vector<16xf32>
    %sort3A_1519 = arith.constant dense<true> : vector<16xi1>
    %sort3A_1520, %sort3A_1521, %sort3A_1522 = tpu.sort %select_n3A_1504, %select_n3A_1503 masked %sort3A_1519 : (vector<16xi32>, vector<16xf32>, vector<16xi1>) -> (vector<16xi1>, vector<16xi32>, vector<16xf32>)
    %neg3A_1523 = arith.constant 0.000000e+00 : f32
    %neg3A_1524 = vector.broadcast %neg3A_1523 : f32 to vector<16xf32>
    %neg3A_1525 = arith.subf %neg3A_1524, %sort3A_1522 : vector<16xf32>
    %sort3A_1526 = arith.constant dense<true> : vector<16xi1>
    %sort3A_1527, %sort3A_1528, %sort3A_1529 = tpu.sort %neg3A_1525, %sort3A_1521 masked %sort3A_1526 : (vector<16xf32>, vector<16xi32>, vector<16xi1>) -> (vector<16xi1>, vector<16xf32>, vector<16xi32>)
    %neg3A_1530 = arith.constant 0.000000e+00 : f32
    %neg3A_1531 = vector.broadcast %neg3A_1530 : f32 to vector<16xf32>
    %neg3A_1532 = arith.subf %neg3A_1531, %sort3A_1528 : vector<16xf32>
    %rev3A_1533 = arith.constant 15 : i32
    %rev3A_1534 = vector.broadcast %rev3A_1533 : i32 to vector<16xi32>
    %rev3A_1535 = tpu.iota {dimensions = array<i32: 0>} : vector<16xi32>
    %rev3A_1536 = arith.subi %rev3A_1534, %rev3A_1535 : vector<16xi32>
    %rev3A_1537 = tpu.dynamic_gather %get3A_1279[%rev3A_1536] in [0] : vector<16xf32>, vector<16xi32> -> vector<16xf32>
    %rev3A_1538 = arith.constant 15 : i32
    %rev3A_1539 = vector.broadcast %rev3A_1538 : i32 to vector<16xi32>
    %rev3A_1540 = tpu.iota {dimensions = array<i32: 0>} : vector<16xi32>
    %rev3A_1541 = arith.subi %rev3A_1539, %rev3A_1540 : vector<16xi32>
    %rev3A_1542 = tpu.dynamic_gather %bitcast3A_1282[%rev3A_1541] in [0] : vector<16xi32>, vector<16xi32> -> vector<16xi32>
    %rev3A_1543 = arith.constant 15 : i32
    %rev3A_1544 = vector.broadcast %rev3A_1543 : i32 to vector<16xi32>
    %rev3A_1545 = tpu.iota {dimensions = array<i32: 0>} : vector<16xi32>
    %rev3A_1546 = arith.subi %rev3A_1544, %rev3A_1545 : vector<16xi32>
    %rev3A_1547 = tpu.dynamic_gather %get3A_1274[%rev3A_1546] in [0] : vector<16xf32>, vector<16xi32> -> vector<16xf32>
    %rev3A_1548 = arith.constant 15 : i32
    %rev3A_1549 = vector.broadcast %rev3A_1548 : i32 to vector<16xi32>
    %rev3A_1550 = tpu.iota {dimensions = array<i32: 0>} : vector<16xi32>
    %rev3A_1551 = arith.subi %rev3A_1549, %rev3A_1550 : vector<16xi32>
    %rev3A_1552 = tpu.dynamic_gather %bitcast3A_1277[%rev3A_1551] in [0] : vector<16xi32>, vector<16xi32> -> vector<16xi32>
    %gt3A_1553 = arith.cmpf ogt, %get3A_1264, %rev3A_1537 : vector<16xf32>
    %eq3A_1554 = arith.cmpf oeq, %get3A_1264, %rev3A_1537 : vector<16xf32>
    %lt3A_1555 = arith.cmpi slt, %bitcast3A_1267, %rev3A_1542 : vector<16xi32>
    %and3A_1556 = arith.andi %eq3A_1554, %lt3A_1555 : vector<16xi1>
    %or3A_1557 = arith.ori %gt3A_1553, %and3A_1556 : vector<16xi1>
    %select_n3A_1558 = arith.select %or3A_1557, %get3A_1264, %rev3A_1537 : vector<16xi1>, vector<16xf32>
    %select_n3A_1559 = arith.select %or3A_1557, %bitcast3A_1267, %rev3A_1542 : vector<16xi1>, vector<16xi32>
    %select_n3A_1560 = arith.select %or3A_1557, %rev3A_1537, %get3A_1264 : vector<16xi1>, vector<16xf32>
    %select_n3A_1561 = arith.select %or3A_1557, %rev3A_1542, %bitcast3A_1267 : vector<16xi1>, vector<16xi32>
    %gt3A_1562 = arith.cmpf ogt, %get3A_1269, %rev3A_1547 : vector<16xf32>
    %eq3A_1563 = arith.cmpf oeq, %get3A_1269, %rev3A_1547 : vector<16xf32>
    %lt3A_1564 = arith.cmpi slt, %bitcast3A_1272, %rev3A_1552 : vector<16xi32>
    %and3A_1565 = arith.andi %eq3A_1563, %lt3A_1564 : vector<16xi1>
    %or3A_1566 = arith.ori %gt3A_1562, %and3A_1565 : vector<16xi1>
    %select_n3A_1567 = arith.select %or3A_1566, %get3A_1269, %rev3A_1547 : vector<16xi1>, vector<16xf32>
    %select_n3A_1568 = arith.select %or3A_1566, %bitcast3A_1272, %rev3A_1552 : vector<16xi1>, vector<16xi32>
    %select_n3A_1569 = arith.select %or3A_1566, %rev3A_1547, %get3A_1269 : vector<16xi1>, vector<16xf32>
    %select_n3A_1570 = arith.select %or3A_1566, %rev3A_1552, %bitcast3A_1272 : vector<16xi1>, vector<16xi32>
    %gt3A_1571 = arith.cmpf ogt, %select_n3A_1558, %select_n3A_1567 : vector<16xf32>
    %eq3A_1572 = arith.cmpf oeq, %select_n3A_1558, %select_n3A_1567 : vector<16xf32>
    %lt3A_1573 = arith.cmpi slt, %select_n3A_1559, %select_n3A_1568 : vector<16xi32>
    %and3A_1574 = arith.andi %eq3A_1572, %lt3A_1573 : vector<16xi1>
    %or3A_1575 = arith.ori %gt3A_1571, %and3A_1574 : vector<16xi1>
    %select_n3A_1576 = arith.select %or3A_1575, %select_n3A_1558, %select_n3A_1567 : vector<16xi1>, vector<16xf32>
    %select_n3A_1577 = arith.select %or3A_1575, %select_n3A_1559, %select_n3A_1568 : vector<16xi1>, vector<16xi32>
    %select_n3A_1578 = arith.select %or3A_1575, %select_n3A_1567, %select_n3A_1558 : vector<16xi1>, vector<16xf32>
    %select_n3A_1579 = arith.select %or3A_1575, %select_n3A_1568, %select_n3A_1559 : vector<16xi1>, vector<16xi32>
    %sort3A_1580 = arith.constant dense<true> : vector<16xi1>
    %sort3A_1581, %sort3A_1582, %sort3A_1583 = tpu.sort %select_n3A_1577, %select_n3A_1576 masked %sort3A_1580 : (vector<16xi32>, vector<16xf32>, vector<16xi1>) -> (vector<16xi1>, vector<16xi32>, vector<16xf32>)
    %neg3A_1584 = arith.constant 0.000000e+00 : f32
    %neg3A_1585 = vector.broadcast %neg3A_1584 : f32 to vector<16xf32>
    %neg3A_1586 = arith.subf %neg3A_1585, %sort3A_1583 : vector<16xf32>
    %sort3A_1587 = arith.constant dense<true> : vector<16xi1>
    %sort3A_1588, %sort3A_1589, %sort3A_1590 = tpu.sort %neg3A_1586, %sort3A_1582 masked %sort3A_1587 : (vector<16xf32>, vector<16xi32>, vector<16xi1>) -> (vector<16xi1>, vector<16xf32>, vector<16xi32>)
    %neg3A_1591 = arith.constant 0.000000e+00 : f32
    %neg3A_1592 = vector.broadcast %neg3A_1591 : f32 to vector<16xf32>
    %neg3A_1593 = arith.subf %neg3A_1592, %sort3A_1589 : vector<16xf32>
    %sort3A_1594 = arith.constant dense<true> : vector<16xi1>
    %sort3A_1595, %sort3A_1596, %sort3A_1597 = tpu.sort %select_n3A_1579, %select_n3A_1578 masked %sort3A_1594 : (vector<16xi32>, vector<16xf32>, vector<16xi1>) -> (vector<16xi1>, vector<16xi32>, vector<16xf32>)
    %neg3A_1598 = arith.constant 0.000000e+00 : f32
    %neg3A_1599 = vector.broadcast %neg3A_1598 : f32 to vector<16xf32>
    %neg3A_1600 = arith.subf %neg3A_1599, %sort3A_1597 : vector<16xf32>
    %sort3A_1601 = arith.constant dense<true> : vector<16xi1>
    %sort3A_1602, %sort3A_1603, %sort3A_1604 = tpu.sort %neg3A_1600, %sort3A_1596 masked %sort3A_1601 : (vector<16xf32>, vector<16xi32>, vector<16xi1>) -> (vector<16xi1>, vector<16xf32>, vector<16xi32>)
    %neg3A_1605 = arith.constant 0.000000e+00 : f32
    %neg3A_1606 = vector.broadcast %neg3A_1605 : f32 to vector<16xf32>
    %neg3A_1607 = arith.subf %neg3A_1606, %sort3A_1603 : vector<16xf32>
    %rev3A_1608 = arith.constant 15 : i32
    %rev3A_1609 = vector.broadcast %rev3A_1608 : i32 to vector<16xi32>
    %rev3A_1610 = tpu.iota {dimensions = array<i32: 0>} : vector<16xi32>
    %rev3A_1611 = arith.subi %rev3A_1609, %rev3A_1610 : vector<16xi32>
    %rev3A_1612 = tpu.dynamic_gather %get3A_1299[%rev3A_1611] in [0] : vector<16xf32>, vector<16xi32> -> vector<16xf32>
    %rev3A_1613 = arith.constant 15 : i32
    %rev3A_1614 = vector.broadcast %rev3A_1613 : i32 to vector<16xi32>
    %rev3A_1615 = tpu.iota {dimensions = array<i32: 0>} : vector<16xi32>
    %rev3A_1616 = arith.subi %rev3A_1614, %rev3A_1615 : vector<16xi32>
    %rev3A_1617 = tpu.dynamic_gather %bitcast3A_1302[%rev3A_1616] in [0] : vector<16xi32>, vector<16xi32> -> vector<16xi32>
    %rev3A_1618 = arith.constant 15 : i32
    %rev3A_1619 = vector.broadcast %rev3A_1618 : i32 to vector<16xi32>
    %rev3A_1620 = tpu.iota {dimensions = array<i32: 0>} : vector<16xi32>
    %rev3A_1621 = arith.subi %rev3A_1619, %rev3A_1620 : vector<16xi32>
    %rev3A_1622 = tpu.dynamic_gather %get3A_1294[%rev3A_1621] in [0] : vector<16xf32>, vector<16xi32> -> vector<16xf32>
    %rev3A_1623 = arith.constant 15 : i32
    %rev3A_1624 = vector.broadcast %rev3A_1623 : i32 to vector<16xi32>
    %rev3A_1625 = tpu.iota {dimensions = array<i32: 0>} : vector<16xi32>
    %rev3A_1626 = arith.subi %rev3A_1624, %rev3A_1625 : vector<16xi32>
    %rev3A_1627 = tpu.dynamic_gather %bitcast3A_1297[%rev3A_1626] in [0] : vector<16xi32>, vector<16xi32> -> vector<16xi32>
    %gt3A_1628 = arith.cmpf ogt, %get3A_1284, %rev3A_1612 : vector<16xf32>
    %eq3A_1629 = arith.cmpf oeq, %get3A_1284, %rev3A_1612 : vector<16xf32>
    %lt3A_1630 = arith.cmpi slt, %bitcast3A_1287, %rev3A_1617 : vector<16xi32>
    %and3A_1631 = arith.andi %eq3A_1629, %lt3A_1630 : vector<16xi1>
    %or3A_1632 = arith.ori %gt3A_1628, %and3A_1631 : vector<16xi1>
    %select_n3A_1633 = arith.select %or3A_1632, %get3A_1284, %rev3A_1612 : vector<16xi1>, vector<16xf32>
    %select_n3A_1634 = arith.select %or3A_1632, %bitcast3A_1287, %rev3A_1617 : vector<16xi1>, vector<16xi32>
    %select_n3A_1635 = arith.select %or3A_1632, %rev3A_1612, %get3A_1284 : vector<16xi1>, vector<16xf32>
    %select_n3A_1636 = arith.select %or3A_1632, %rev3A_1617, %bitcast3A_1287 : vector<16xi1>, vector<16xi32>
    %gt3A_1637 = arith.cmpf ogt, %get3A_1289, %rev3A_1622 : vector<16xf32>
    %eq3A_1638 = arith.cmpf oeq, %get3A_1289, %rev3A_1622 : vector<16xf32>
    %lt3A_1639 = arith.cmpi slt, %bitcast3A_1292, %rev3A_1627 : vector<16xi32>
    %and3A_1640 = arith.andi %eq3A_1638, %lt3A_1639 : vector<16xi1>
    %or3A_1641 = arith.ori %gt3A_1637, %and3A_1640 : vector<16xi1>
    %select_n3A_1642 = arith.select %or3A_1641, %get3A_1289, %rev3A_1622 : vector<16xi1>, vector<16xf32>
    %select_n3A_1643 = arith.select %or3A_1641, %bitcast3A_1292, %rev3A_1627 : vector<16xi1>, vector<16xi32>
    %select_n3A_1644 = arith.select %or3A_1641, %rev3A_1622, %get3A_1289 : vector<16xi1>, vector<16xf32>
    %select_n3A_1645 = arith.select %or3A_1641, %rev3A_1627, %bitcast3A_1292 : vector<16xi1>, vector<16xi32>
    %gt3A_1646 = arith.cmpf ogt, %select_n3A_1633, %select_n3A_1642 : vector<16xf32>
    %eq3A_1647 = arith.cmpf oeq, %select_n3A_1633, %select_n3A_1642 : vector<16xf32>
    %lt3A_1648 = arith.cmpi slt, %select_n3A_1634, %select_n3A_1643 : vector<16xi32>
    %and3A_1649 = arith.andi %eq3A_1647, %lt3A_1648 : vector<16xi1>
    %or3A_1650 = arith.ori %gt3A_1646, %and3A_1649 : vector<16xi1>
    %select_n3A_1651 = arith.select %or3A_1650, %select_n3A_1633, %select_n3A_1642 : vector<16xi1>, vector<16xf32>
    %select_n3A_1652 = arith.select %or3A_1650, %select_n3A_1634, %select_n3A_1643 : vector<16xi1>, vector<16xi32>
    %select_n3A_1653 = arith.select %or3A_1650, %select_n3A_1642, %select_n3A_1633 : vector<16xi1>, vector<16xf32>
    %select_n3A_1654 = arith.select %or3A_1650, %select_n3A_1643, %select_n3A_1634 : vector<16xi1>, vector<16xi32>
    %sort3A_1655 = arith.constant dense<true> : vector<16xi1>
    %sort3A_1656, %sort3A_1657, %sort3A_1658 = tpu.sort %select_n3A_1652, %select_n3A_1651 masked %sort3A_1655 : (vector<16xi32>, vector<16xf32>, vector<16xi1>) -> (vector<16xi1>, vector<16xi32>, vector<16xf32>)
    %neg3A_1659 = arith.constant 0.000000e+00 : f32
    %neg3A_1660 = vector.broadcast %neg3A_1659 : f32 to vector<16xf32>
    %neg3A_1661 = arith.subf %neg3A_1660, %sort3A_1658 : vector<16xf32>
    %sort3A_1662 = arith.constant dense<true> : vector<16xi1>
    %sort3A_1663, %sort3A_1664, %sort3A_1665 = tpu.sort %neg3A_1661, %sort3A_1657 masked %sort3A_1662 : (vector<16xf32>, vector<16xi32>, vector<16xi1>) -> (vector<16xi1>, vector<16xf32>, vector<16xi32>)
    %neg3A_1666 = arith.constant 0.000000e+00 : f32
    %neg3A_1667 = vector.broadcast %neg3A_1666 : f32 to vector<16xf32>
    %neg3A_1668 = arith.subf %neg3A_1667, %sort3A_1664 : vector<16xf32>
    %sort3A_1669 = arith.constant dense<true> : vector<16xi1>
    %sort3A_1670, %sort3A_1671, %sort3A_1672 = tpu.sort %select_n3A_1654, %select_n3A_1653 masked %sort3A_1669 : (vector<16xi32>, vector<16xf32>, vector<16xi1>) -> (vector<16xi1>, vector<16xi32>, vector<16xf32>)
    %neg3A_1673 = arith.constant 0.000000e+00 : f32
    %neg3A_1674 = vector.broadcast %neg3A_1673 : f32 to vector<16xf32>
    %neg3A_1675 = arith.subf %neg3A_1674, %sort3A_1672 : vector<16xf32>
    %sort3A_1676 = arith.constant dense<true> : vector<16xi1>
    %sort3A_1677, %sort3A_1678, %sort3A_1679 = tpu.sort %neg3A_1675, %sort3A_1671 masked %sort3A_1676 : (vector<16xf32>, vector<16xi32>, vector<16xi1>) -> (vector<16xi1>, vector<16xf32>, vector<16xi32>)
    %neg3A_1680 = arith.constant 0.000000e+00 : f32
    %neg3A_1681 = vector.broadcast %neg3A_1680 : f32 to vector<16xf32>
    %neg3A_1682 = arith.subf %neg3A_1681, %sort3A_1678 : vector<16xf32>
    %rev3A_1683 = arith.constant 15 : i32
    %rev3A_1684 = vector.broadcast %rev3A_1683 : i32 to vector<16xi32>
    %rev3A_1685 = tpu.iota {dimensions = array<i32: 0>} : vector<16xi32>
    %rev3A_1686 = arith.subi %rev3A_1684, %rev3A_1685 : vector<16xi32>
    %rev3A_1687 = tpu.dynamic_gather %get3A_1319[%rev3A_1686] in [0] : vector<16xf32>, vector<16xi32> -> vector<16xf32>
    %rev3A_1688 = arith.constant 15 : i32
    %rev3A_1689 = vector.broadcast %rev3A_1688 : i32 to vector<16xi32>
    %rev3A_1690 = tpu.iota {dimensions = array<i32: 0>} : vector<16xi32>
    %rev3A_1691 = arith.subi %rev3A_1689, %rev3A_1690 : vector<16xi32>
    %rev3A_1692 = tpu.dynamic_gather %bitcast3A_1322[%rev3A_1691] in [0] : vector<16xi32>, vector<16xi32> -> vector<16xi32>
    %rev3A_1693 = arith.constant 15 : i32
    %rev3A_1694 = vector.broadcast %rev3A_1693 : i32 to vector<16xi32>
    %rev3A_1695 = tpu.iota {dimensions = array<i32: 0>} : vector<16xi32>
    %rev3A_1696 = arith.subi %rev3A_1694, %rev3A_1695 : vector<16xi32>
    %rev3A_1697 = tpu.dynamic_gather %get3A_1314[%rev3A_1696] in [0] : vector<16xf32>, vector<16xi32> -> vector<16xf32>
    %rev3A_1698 = arith.constant 15 : i32
    %rev3A_1699 = vector.broadcast %rev3A_1698 : i32 to vector<16xi32>
    %rev3A_1700 = tpu.iota {dimensions = array<i32: 0>} : vector<16xi32>
    %rev3A_1701 = arith.subi %rev3A_1699, %rev3A_1700 : vector<16xi32>
    %rev3A_1702 = tpu.dynamic_gather %bitcast3A_1317[%rev3A_1701] in [0] : vector<16xi32>, vector<16xi32> -> vector<16xi32>
    %gt3A_1703 = arith.cmpf ogt, %get3A_1304, %rev3A_1687 : vector<16xf32>
    %eq3A_1704 = arith.cmpf oeq, %get3A_1304, %rev3A_1687 : vector<16xf32>
    %lt3A_1705 = arith.cmpi slt, %bitcast3A_1307, %rev3A_1692 : vector<16xi32>
    %and3A_1706 = arith.andi %eq3A_1704, %lt3A_1705 : vector<16xi1>
    %or3A_1707 = arith.ori %gt3A_1703, %and3A_1706 : vector<16xi1>
    %select_n3A_1708 = arith.select %or3A_1707, %get3A_1304, %rev3A_1687 : vector<16xi1>, vector<16xf32>
    %select_n3A_1709 = arith.select %or3A_1707, %bitcast3A_1307, %rev3A_1692 : vector<16xi1>, vector<16xi32>
    %select_n3A_1710 = arith.select %or3A_1707, %rev3A_1687, %get3A_1304 : vector<16xi1>, vector<16xf32>
    %select_n3A_1711 = arith.select %or3A_1707, %rev3A_1692, %bitcast3A_1307 : vector<16xi1>, vector<16xi32>
    %gt3A_1712 = arith.cmpf ogt, %get3A_1309, %rev3A_1697 : vector<16xf32>
    %eq3A_1713 = arith.cmpf oeq, %get3A_1309, %rev3A_1697 : vector<16xf32>
    %lt3A_1714 = arith.cmpi slt, %bitcast3A_1312, %rev3A_1702 : vector<16xi32>
    %and3A_1715 = arith.andi %eq3A_1713, %lt3A_1714 : vector<16xi1>
    %or3A_1716 = arith.ori %gt3A_1712, %and3A_1715 : vector<16xi1>
    %select_n3A_1717 = arith.select %or3A_1716, %get3A_1309, %rev3A_1697 : vector<16xi1>, vector<16xf32>
    %select_n3A_1718 = arith.select %or3A_1716, %bitcast3A_1312, %rev3A_1702 : vector<16xi1>, vector<16xi32>
    %select_n3A_1719 = arith.select %or3A_1716, %rev3A_1697, %get3A_1309 : vector<16xi1>, vector<16xf32>
    %select_n3A_1720 = arith.select %or3A_1716, %rev3A_1702, %bitcast3A_1312 : vector<16xi1>, vector<16xi32>
    %gt3A_1721 = arith.cmpf ogt, %select_n3A_1708, %select_n3A_1717 : vector<16xf32>
    %eq3A_1722 = arith.cmpf oeq, %select_n3A_1708, %select_n3A_1717 : vector<16xf32>
    %lt3A_1723 = arith.cmpi slt, %select_n3A_1709, %select_n3A_1718 : vector<16xi32>
    %and3A_1724 = arith.andi %eq3A_1722, %lt3A_1723 : vector<16xi1>
    %or3A_1725 = arith.ori %gt3A_1721, %and3A_1724 : vector<16xi1>
    %select_n3A_1726 = arith.select %or3A_1725, %select_n3A_1708, %select_n3A_1717 : vector<16xi1>, vector<16xf32>
    %select_n3A_1727 = arith.select %or3A_1725, %select_n3A_1709, %select_n3A_1718 : vector<16xi1>, vector<16xi32>
    %select_n3A_1728 = arith.select %or3A_1725, %select_n3A_1717, %select_n3A_1708 : vector<16xi1>, vector<16xf32>
    %select_n3A_1729 = arith.select %or3A_1725, %select_n3A_1718, %select_n3A_1709 : vector<16xi1>, vector<16xi32>
    %sort3A_1730 = arith.constant dense<true> : vector<16xi1>
    %sort3A_1731, %sort3A_1732, %sort3A_1733 = tpu.sort %select_n3A_1727, %select_n3A_1726 masked %sort3A_1730 : (vector<16xi32>, vector<16xf32>, vector<16xi1>) -> (vector<16xi1>, vector<16xi32>, vector<16xf32>)
    %neg3A_1734 = arith.constant 0.000000e+00 : f32
    %neg3A_1735 = vector.broadcast %neg3A_1734 : f32 to vector<16xf32>
    %neg3A_1736 = arith.subf %neg3A_1735, %sort3A_1733 : vector<16xf32>
    %sort3A_1737 = arith.constant dense<true> : vector<16xi1>
    %sort3A_1738, %sort3A_1739, %sort3A_1740 = tpu.sort %neg3A_1736, %sort3A_1732 masked %sort3A_1737 : (vector<16xf32>, vector<16xi32>, vector<16xi1>) -> (vector<16xi1>, vector<16xf32>, vector<16xi32>)
    %neg3A_1741 = arith.constant 0.000000e+00 : f32
    %neg3A_1742 = vector.broadcast %neg3A_1741 : f32 to vector<16xf32>
    %neg3A_1743 = arith.subf %neg3A_1742, %sort3A_1739 : vector<16xf32>
    %sort3A_1744 = arith.constant dense<true> : vector<16xi1>
    %sort3A_1745, %sort3A_1746, %sort3A_1747 = tpu.sort %select_n3A_1729, %select_n3A_1728 masked %sort3A_1744 : (vector<16xi32>, vector<16xf32>, vector<16xi1>) -> (vector<16xi1>, vector<16xi32>, vector<16xf32>)
    %neg3A_1748 = arith.constant 0.000000e+00 : f32
    %neg3A_1749 = vector.broadcast %neg3A_1748 : f32 to vector<16xf32>
    %neg3A_1750 = arith.subf %neg3A_1749, %sort3A_1747 : vector<16xf32>
    %sort3A_1751 = arith.constant dense<true> : vector<16xi1>
    %sort3A_1752, %sort3A_1753, %sort3A_1754 = tpu.sort %neg3A_1750, %sort3A_1746 masked %sort3A_1751 : (vector<16xf32>, vector<16xi32>, vector<16xi1>) -> (vector<16xi1>, vector<16xf32>, vector<16xi32>)
    %neg3A_1755 = arith.constant 0.000000e+00 : f32
    %neg3A_1756 = vector.broadcast %neg3A_1755 : f32 to vector<16xf32>
    %neg3A_1757 = arith.subf %neg3A_1756, %sort3A_1753 : vector<16xf32>
    %rev3A_1758 = arith.constant 15 : i32
    %rev3A_1759 = vector.broadcast %rev3A_1758 : i32 to vector<16xi32>
    %rev3A_1760 = tpu.iota {dimensions = array<i32: 0>} : vector<16xi32>
    %rev3A_1761 = arith.subi %rev3A_1759, %rev3A_1760 : vector<16xi32>
    %rev3A_1762 = tpu.dynamic_gather %get3A_1339[%rev3A_1761] in [0] : vector<16xf32>, vector<16xi32> -> vector<16xf32>
    %rev3A_1763 = arith.constant 15 : i32
    %rev3A_1764 = vector.broadcast %rev3A_1763 : i32 to vector<16xi32>
    %rev3A_1765 = tpu.iota {dimensions = array<i32: 0>} : vector<16xi32>
    %rev3A_1766 = arith.subi %rev3A_1764, %rev3A_1765 : vector<16xi32>
    %rev3A_1767 = tpu.dynamic_gather %bitcast3A_1342[%rev3A_1766] in [0] : vector<16xi32>, vector<16xi32> -> vector<16xi32>
    %rev3A_1768 = arith.constant 15 : i32
    %rev3A_1769 = vector.broadcast %rev3A_1768 : i32 to vector<16xi32>
    %rev3A_1770 = tpu.iota {dimensions = array<i32: 0>} : vector<16xi32>
    %rev3A_1771 = arith.subi %rev3A_1769, %rev3A_1770 : vector<16xi32>
    %rev3A_1772 = tpu.dynamic_gather %get3A_1334[%rev3A_1771] in [0] : vector<16xf32>, vector<16xi32> -> vector<16xf32>
    %rev3A_1773 = arith.constant 15 : i32
    %rev3A_1774 = vector.broadcast %rev3A_1773 : i32 to vector<16xi32>
    %rev3A_1775 = tpu.iota {dimensions = array<i32: 0>} : vector<16xi32>
    %rev3A_1776 = arith.subi %rev3A_1774, %rev3A_1775 : vector<16xi32>
    %rev3A_1777 = tpu.dynamic_gather %bitcast3A_1337[%rev3A_1776] in [0] : vector<16xi32>, vector<16xi32> -> vector<16xi32>
    %gt3A_1778 = arith.cmpf ogt, %get3A_1324, %rev3A_1762 : vector<16xf32>
    %eq3A_1779 = arith.cmpf oeq, %get3A_1324, %rev3A_1762 : vector<16xf32>
    %lt3A_1780 = arith.cmpi slt, %bitcast3A_1327, %rev3A_1767 : vector<16xi32>
    %and3A_1781 = arith.andi %eq3A_1779, %lt3A_1780 : vector<16xi1>
    %or3A_1782 = arith.ori %gt3A_1778, %and3A_1781 : vector<16xi1>
    %select_n3A_1783 = arith.select %or3A_1782, %get3A_1324, %rev3A_1762 : vector<16xi1>, vector<16xf32>
    %select_n3A_1784 = arith.select %or3A_1782, %bitcast3A_1327, %rev3A_1767 : vector<16xi1>, vector<16xi32>
    %select_n3A_1785 = arith.select %or3A_1782, %rev3A_1762, %get3A_1324 : vector<16xi1>, vector<16xf32>
    %select_n3A_1786 = arith.select %or3A_1782, %rev3A_1767, %bitcast3A_1327 : vector<16xi1>, vector<16xi32>
    %gt3A_1787 = arith.cmpf ogt, %get3A_1329, %rev3A_1772 : vector<16xf32>
    %eq3A_1788 = arith.cmpf oeq, %get3A_1329, %rev3A_1772 : vector<16xf32>
    %lt3A_1789 = arith.cmpi slt, %bitcast3A_1332, %rev3A_1777 : vector<16xi32>
    %and3A_1790 = arith.andi %eq3A_1788, %lt3A_1789 : vector<16xi1>
    %or3A_1791 = arith.ori %gt3A_1787, %and3A_1790 : vector<16xi1>
    %select_n3A_1792 = arith.select %or3A_1791, %get3A_1329, %rev3A_1772 : vector<16xi1>, vector<16xf32>
    %select_n3A_1793 = arith.select %or3A_1791, %bitcast3A_1332, %rev3A_1777 : vector<16xi1>, vector<16xi32>
    %select_n3A_1794 = arith.select %or3A_1791, %rev3A_1772, %get3A_1329 : vector<16xi1>, vector<16xf32>
    %select_n3A_1795 = arith.select %or3A_1791, %rev3A_1777, %bitcast3A_1332 : vector<16xi1>, vector<16xi32>
    %gt3A_1796 = arith.cmpf ogt, %select_n3A_1783, %select_n3A_1792 : vector<16xf32>
    %eq3A_1797 = arith.cmpf oeq, %select_n3A_1783, %select_n3A_1792 : vector<16xf32>
    %lt3A_1798 = arith.cmpi slt, %select_n3A_1784, %select_n3A_1793 : vector<16xi32>
    %and3A_1799 = arith.andi %eq3A_1797, %lt3A_1798 : vector<16xi1>
    %or3A_1800 = arith.ori %gt3A_1796, %and3A_1799 : vector<16xi1>
    %select_n3A_1801 = arith.select %or3A_1800, %select_n3A_1783, %select_n3A_1792 : vector<16xi1>, vector<16xf32>
    %select_n3A_1802 = arith.select %or3A_1800, %select_n3A_1784, %select_n3A_1793 : vector<16xi1>, vector<16xi32>
    %select_n3A_1803 = arith.select %or3A_1800, %select_n3A_1792, %select_n3A_1783 : vector<16xi1>, vector<16xf32>
    %select_n3A_1804 = arith.select %or3A_1800, %select_n3A_1793, %select_n3A_1784 : vector<16xi1>, vector<16xi32>
    %sort3A_1805 = arith.constant dense<true> : vector<16xi1>
    %sort3A_1806, %sort3A_1807, %sort3A_1808 = tpu.sort %select_n3A_1802, %select_n3A_1801 masked %sort3A_1805 : (vector<16xi32>, vector<16xf32>, vector<16xi1>) -> (vector<16xi1>, vector<16xi32>, vector<16xf32>)
    %neg3A_1809 = arith.constant 0.000000e+00 : f32
    %neg3A_1810 = vector.broadcast %neg3A_1809 : f32 to vector<16xf32>
    %neg3A_1811 = arith.subf %neg3A_1810, %sort3A_1808 : vector<16xf32>
    %sort3A_1812 = arith.constant dense<true> : vector<16xi1>
    %sort3A_1813, %sort3A_1814, %sort3A_1815 = tpu.sort %neg3A_1811, %sort3A_1807 masked %sort3A_1812 : (vector<16xf32>, vector<16xi32>, vector<16xi1>) -> (vector<16xi1>, vector<16xf32>, vector<16xi32>)
    %neg3A_1816 = arith.constant 0.000000e+00 : f32
    %neg3A_1817 = vector.broadcast %neg3A_1816 : f32 to vector<16xf32>
    %neg3A_1818 = arith.subf %neg3A_1817, %sort3A_1814 : vector<16xf32>
    %sort3A_1819 = arith.constant dense<true> : vector<16xi1>
    %sort3A_1820, %sort3A_1821, %sort3A_1822 = tpu.sort %select_n3A_1804, %select_n3A_1803 masked %sort3A_1819 : (vector<16xi32>, vector<16xf32>, vector<16xi1>) -> (vector<16xi1>, vector<16xi32>, vector<16xf32>)
    %neg3A_1823 = arith.constant 0.000000e+00 : f32
    %neg3A_1824 = vector.broadcast %neg3A_1823 : f32 to vector<16xf32>
    %neg3A_1825 = arith.subf %neg3A_1824, %sort3A_1822 : vector<16xf32>
    %sort3A_1826 = arith.constant dense<true> : vector<16xi1>
    %sort3A_1827, %sort3A_1828, %sort3A_1829 = tpu.sort %neg3A_1825, %sort3A_1821 masked %sort3A_1826 : (vector<16xf32>, vector<16xi32>, vector<16xi1>) -> (vector<16xi1>, vector<16xf32>, vector<16xi32>)
    %neg3A_1830 = arith.constant 0.000000e+00 : f32
    %neg3A_1831 = vector.broadcast %neg3A_1830 : f32 to vector<16xf32>
    %neg3A_1832 = arith.subf %neg3A_1831, %sort3A_1828 : vector<16xf32>
    %rev3A_1833 = arith.constant 15 : i32
    %rev3A_1834 = vector.broadcast %rev3A_1833 : i32 to vector<16xi32>
    %rev3A_1835 = tpu.iota {dimensions = array<i32: 0>} : vector<16xi32>
    %rev3A_1836 = arith.subi %rev3A_1834, %rev3A_1835 : vector<16xi32>
    %rev3A_1837 = tpu.dynamic_gather %get3A_1359[%rev3A_1836] in [0] : vector<16xf32>, vector<16xi32> -> vector<16xf32>
    %rev3A_1838 = arith.constant 15 : i32
    %rev3A_1839 = vector.broadcast %rev3A_1838 : i32 to vector<16xi32>
    %rev3A_1840 = tpu.iota {dimensions = array<i32: 0>} : vector<16xi32>
    %rev3A_1841 = arith.subi %rev3A_1839, %rev3A_1840 : vector<16xi32>
    %rev3A_1842 = tpu.dynamic_gather %bitcast3A_1362[%rev3A_1841] in [0] : vector<16xi32>, vector<16xi32> -> vector<16xi32>
    %rev3A_1843 = arith.constant 15 : i32
    %rev3A_1844 = vector.broadcast %rev3A_1843 : i32 to vector<16xi32>
    %rev3A_1845 = tpu.iota {dimensions = array<i32: 0>} : vector<16xi32>
    %rev3A_1846 = arith.subi %rev3A_1844, %rev3A_1845 : vector<16xi32>
    %rev3A_1847 = tpu.dynamic_gather %get3A_1354[%rev3A_1846] in [0] : vector<16xf32>, vector<16xi32> -> vector<16xf32>
    %rev3A_1848 = arith.constant 15 : i32
    %rev3A_1849 = vector.broadcast %rev3A_1848 : i32 to vector<16xi32>
    %rev3A_1850 = tpu.iota {dimensions = array<i32: 0>} : vector<16xi32>
    %rev3A_1851 = arith.subi %rev3A_1849, %rev3A_1850 : vector<16xi32>
    %rev3A_1852 = tpu.dynamic_gather %bitcast3A_1357[%rev3A_1851] in [0] : vector<16xi32>, vector<16xi32> -> vector<16xi32>
    %gt3A_1853 = arith.cmpf ogt, %get3A_1344, %rev3A_1837 : vector<16xf32>
    %eq3A_1854 = arith.cmpf oeq, %get3A_1344, %rev3A_1837 : vector<16xf32>
    %lt3A_1855 = arith.cmpi slt, %bitcast3A_1347, %rev3A_1842 : vector<16xi32>
    %and3A_1856 = arith.andi %eq3A_1854, %lt3A_1855 : vector<16xi1>
    %or3A_1857 = arith.ori %gt3A_1853, %and3A_1856 : vector<16xi1>
    %select_n3A_1858 = arith.select %or3A_1857, %get3A_1344, %rev3A_1837 : vector<16xi1>, vector<16xf32>
    %select_n3A_1859 = arith.select %or3A_1857, %bitcast3A_1347, %rev3A_1842 : vector<16xi1>, vector<16xi32>
    %select_n3A_1860 = arith.select %or3A_1857, %rev3A_1837, %get3A_1344 : vector<16xi1>, vector<16xf32>
    %select_n3A_1861 = arith.select %or3A_1857, %rev3A_1842, %bitcast3A_1347 : vector<16xi1>, vector<16xi32>
    %gt3A_1862 = arith.cmpf ogt, %get3A_1349, %rev3A_1847 : vector<16xf32>
    %eq3A_1863 = arith.cmpf oeq, %get3A_1349, %rev3A_1847 : vector<16xf32>
    %lt3A_1864 = arith.cmpi slt, %bitcast3A_1352, %rev3A_1852 : vector<16xi32>
    %and3A_1865 = arith.andi %eq3A_1863, %lt3A_1864 : vector<16xi1>
    %or3A_1866 = arith.ori %gt3A_1862, %and3A_1865 : vector<16xi1>
    %select_n3A_1867 = arith.select %or3A_1866, %get3A_1349, %rev3A_1847 : vector<16xi1>, vector<16xf32>
    %select_n3A_1868 = arith.select %or3A_1866, %bitcast3A_1352, %rev3A_1852 : vector<16xi1>, vector<16xi32>
    %select_n3A_1869 = arith.select %or3A_1866, %rev3A_1847, %get3A_1349 : vector<16xi1>, vector<16xf32>
    %select_n3A_1870 = arith.select %or3A_1866, %rev3A_1852, %bitcast3A_1352 : vector<16xi1>, vector<16xi32>
    %gt3A_1871 = arith.cmpf ogt, %select_n3A_1858, %select_n3A_1867 : vector<16xf32>
    %eq3A_1872 = arith.cmpf oeq, %select_n3A_1858, %select_n3A_1867 : vector<16xf32>
    %lt3A_1873 = arith.cmpi slt, %select_n3A_1859, %select_n3A_1868 : vector<16xi32>
    %and3A_1874 = arith.andi %eq3A_1872, %lt3A_1873 : vector<16xi1>
    %or3A_1875 = arith.ori %gt3A_1871, %and3A_1874 : vector<16xi1>
    %select_n3A_1876 = arith.select %or3A_1875, %select_n3A_1858, %select_n3A_1867 : vector<16xi1>, vector<16xf32>
    %select_n3A_1877 = arith.select %or3A_1875, %select_n3A_1859, %select_n3A_1868 : vector<16xi1>, vector<16xi32>
    %select_n3A_1878 = arith.select %or3A_1875, %select_n3A_1867, %select_n3A_1858 : vector<16xi1>, vector<16xf32>
    %select_n3A_1879 = arith.select %or3A_1875, %select_n3A_1868, %select_n3A_1859 : vector<16xi1>, vector<16xi32>
    %sort3A_1880 = arith.constant dense<true> : vector<16xi1>
    %sort3A_1881, %sort3A_1882, %sort3A_1883 = tpu.sort %select_n3A_1877, %select_n3A_1876 masked %sort3A_1880 : (vector<16xi32>, vector<16xf32>, vector<16xi1>) -> (vector<16xi1>, vector<16xi32>, vector<16xf32>)
    %neg3A_1884 = arith.constant 0.000000e+00 : f32
    %neg3A_1885 = vector.broadcast %neg3A_1884 : f32 to vector<16xf32>
    %neg3A_1886 = arith.subf %neg3A_1885, %sort3A_1883 : vector<16xf32>
    %sort3A_1887 = arith.constant dense<true> : vector<16xi1>
    %sort3A_1888, %sort3A_1889, %sort3A_1890 = tpu.sort %neg3A_1886, %sort3A_1882 masked %sort3A_1887 : (vector<16xf32>, vector<16xi32>, vector<16xi1>) -> (vector<16xi1>, vector<16xf32>, vector<16xi32>)
    %neg3A_1891 = arith.constant 0.000000e+00 : f32
    %neg3A_1892 = vector.broadcast %neg3A_1891 : f32 to vector<16xf32>
    %neg3A_1893 = arith.subf %neg3A_1892, %sort3A_1889 : vector<16xf32>
    %sort3A_1894 = arith.constant dense<true> : vector<16xi1>
    %sort3A_1895, %sort3A_1896, %sort3A_1897 = tpu.sort %select_n3A_1879, %select_n3A_1878 masked %sort3A_1894 : (vector<16xi32>, vector<16xf32>, vector<16xi1>) -> (vector<16xi1>, vector<16xi32>, vector<16xf32>)
    %neg3A_1898 = arith.constant 0.000000e+00 : f32
    %neg3A_1899 = vector.broadcast %neg3A_1898 : f32 to vector<16xf32>
    %neg3A_1900 = arith.subf %neg3A_1899, %sort3A_1897 : vector<16xf32>
    %sort3A_1901 = arith.constant dense<true> : vector<16xi1>
    %sort3A_1902, %sort3A_1903, %sort3A_1904 = tpu.sort %neg3A_1900, %sort3A_1896 masked %sort3A_1901 : (vector<16xf32>, vector<16xi32>, vector<16xi1>) -> (vector<16xi1>, vector<16xf32>, vector<16xi32>)
    %neg3A_1905 = arith.constant 0.000000e+00 : f32
    %neg3A_1906 = vector.broadcast %neg3A_1905 : f32 to vector<16xf32>
    %neg3A_1907 = arith.subf %neg3A_1906, %sort3A_1903 : vector<16xf32>
    %rev3A_1908 = arith.constant 15 : i32
    %rev3A_1909 = vector.broadcast %rev3A_1908 : i32 to vector<16xi32>
    %rev3A_1910 = tpu.iota {dimensions = array<i32: 0>} : vector<16xi32>
    %rev3A_1911 = arith.subi %rev3A_1909, %rev3A_1910 : vector<16xi32>
    %rev3A_1912 = tpu.dynamic_gather %get3A_1379[%rev3A_1911] in [0] : vector<16xf32>, vector<16xi32> -> vector<16xf32>
    %rev3A_1913 = arith.constant 15 : i32
    %rev3A_1914 = vector.broadcast %rev3A_1913 : i32 to vector<16xi32>
    %rev3A_1915 = tpu.iota {dimensions = array<i32: 0>} : vector<16xi32>
    %rev3A_1916 = arith.subi %rev3A_1914, %rev3A_1915 : vector<16xi32>
    %rev3A_1917 = tpu.dynamic_gather %bitcast3A_1382[%rev3A_1916] in [0] : vector<16xi32>, vector<16xi32> -> vector<16xi32>
    %rev3A_1918 = arith.constant 15 : i32
    %rev3A_1919 = vector.broadcast %rev3A_1918 : i32 to vector<16xi32>
    %rev3A_1920 = tpu.iota {dimensions = array<i32: 0>} : vector<16xi32>
    %rev3A_1921 = arith.subi %rev3A_1919, %rev3A_1920 : vector<16xi32>
    %rev3A_1922 = tpu.dynamic_gather %get3A_1374[%rev3A_1921] in [0] : vector<16xf32>, vector<16xi32> -> vector<16xf32>
    %rev3A_1923 = arith.constant 15 : i32
    %rev3A_1924 = vector.broadcast %rev3A_1923 : i32 to vector<16xi32>
    %rev3A_1925 = tpu.iota {dimensions = array<i32: 0>} : vector<16xi32>
    %rev3A_1926 = arith.subi %rev3A_1924, %rev3A_1925 : vector<16xi32>
    %rev3A_1927 = tpu.dynamic_gather %bitcast3A_1377[%rev3A_1926] in [0] : vector<16xi32>, vector<16xi32> -> vector<16xi32>
    %gt3A_1928 = arith.cmpf ogt, %get3A_1364, %rev3A_1912 : vector<16xf32>
    %eq3A_1929 = arith.cmpf oeq, %get3A_1364, %rev3A_1912 : vector<16xf32>
    %lt3A_1930 = arith.cmpi slt, %bitcast3A_1367, %rev3A_1917 : vector<16xi32>
    %and3A_1931 = arith.andi %eq3A_1929, %lt3A_1930 : vector<16xi1>
    %or3A_1932 = arith.ori %gt3A_1928, %and3A_1931 : vector<16xi1>
    %select_n3A_1933 = arith.select %or3A_1932, %get3A_1364, %rev3A_1912 : vector<16xi1>, vector<16xf32>
    %select_n3A_1934 = arith.select %or3A_1932, %bitcast3A_1367, %rev3A_1917 : vector<16xi1>, vector<16xi32>
    %select_n3A_1935 = arith.select %or3A_1932, %rev3A_1912, %get3A_1364 : vector<16xi1>, vector<16xf32>
    %select_n3A_1936 = arith.select %or3A_1932, %rev3A_1917, %bitcast3A_1367 : vector<16xi1>, vector<16xi32>
    %gt3A_1937 = arith.cmpf ogt, %get3A_1369, %rev3A_1922 : vector<16xf32>
    %eq3A_1938 = arith.cmpf oeq, %get3A_1369, %rev3A_1922 : vector<16xf32>
    %lt3A_1939 = arith.cmpi slt, %bitcast3A_1372, %rev3A_1927 : vector<16xi32>
    %and3A_1940 = arith.andi %eq3A_1938, %lt3A_1939 : vector<16xi1>
    %or3A_1941 = arith.ori %gt3A_1937, %and3A_1940 : vector<16xi1>
    %select_n3A_1942 = arith.select %or3A_1941, %get3A_1369, %rev3A_1922 : vector<16xi1>, vector<16xf32>
    %select_n3A_1943 = arith.select %or3A_1941, %bitcast3A_1372, %rev3A_1927 : vector<16xi1>, vector<16xi32>
    %select_n3A_1944 = arith.select %or3A_1941, %rev3A_1922, %get3A_1369 : vector<16xi1>, vector<16xf32>
    %select_n3A_1945 = arith.select %or3A_1941, %rev3A_1927, %bitcast3A_1372 : vector<16xi1>, vector<16xi32>
    %gt3A_1946 = arith.cmpf ogt, %select_n3A_1933, %select_n3A_1942 : vector<16xf32>
    %eq3A_1947 = arith.cmpf oeq, %select_n3A_1933, %select_n3A_1942 : vector<16xf32>
    %lt3A_1948 = arith.cmpi slt, %select_n3A_1934, %select_n3A_1943 : vector<16xi32>
    %and3A_1949 = arith.andi %eq3A_1947, %lt3A_1948 : vector<16xi1>
    %or3A_1950 = arith.ori %gt3A_1946, %and3A_1949 : vector<16xi1>
    %select_n3A_1951 = arith.select %or3A_1950, %select_n3A_1933, %select_n3A_1942 : vector<16xi1>, vector<16xf32>
    %select_n3A_1952 = arith.select %or3A_1950, %select_n3A_1934, %select_n3A_1943 : vector<16xi1>, vector<16xi32>
    %select_n3A_1953 = arith.select %or3A_1950, %select_n3A_1942, %select_n3A_1933 : vector<16xi1>, vector<16xf32>
    %select_n3A_1954 = arith.select %or3A_1950, %select_n3A_1943, %select_n3A_1934 : vector<16xi1>, vector<16xi32>
    %sort3A_1955 = arith.constant dense<true> : vector<16xi1>
    %sort3A_1956, %sort3A_1957, %sort3A_1958 = tpu.sort %select_n3A_1952, %select_n3A_1951 masked %sort3A_1955 : (vector<16xi32>, vector<16xf32>, vector<16xi1>) -> (vector<16xi1>, vector<16xi32>, vector<16xf32>)
    %neg3A_1959 = arith.constant 0.000000e+00 : f32
    %neg3A_1960 = vector.broadcast %neg3A_1959 : f32 to vector<16xf32>
    %neg3A_1961 = arith.subf %neg3A_1960, %sort3A_1958 : vector<16xf32>
    %sort3A_1962 = arith.constant dense<true> : vector<16xi1>
    %sort3A_1963, %sort3A_1964, %sort3A_1965 = tpu.sort %neg3A_1961, %sort3A_1957 masked %sort3A_1962 : (vector<16xf32>, vector<16xi32>, vector<16xi1>) -> (vector<16xi1>, vector<16xf32>, vector<16xi32>)
    %neg3A_1966 = arith.constant 0.000000e+00 : f32
    %neg3A_1967 = vector.broadcast %neg3A_1966 : f32 to vector<16xf32>
    %neg3A_1968 = arith.subf %neg3A_1967, %sort3A_1964 : vector<16xf32>
    %sort3A_1969 = arith.constant dense<true> : vector<16xi1>
    %sort3A_1970, %sort3A_1971, %sort3A_1972 = tpu.sort %select_n3A_1954, %select_n3A_1953 masked %sort3A_1969 : (vector<16xi32>, vector<16xf32>, vector<16xi1>) -> (vector<16xi1>, vector<16xi32>, vector<16xf32>)
    %neg3A_1973 = arith.constant 0.000000e+00 : f32
    %neg3A_1974 = vector.broadcast %neg3A_1973 : f32 to vector<16xf32>
    %neg3A_1975 = arith.subf %neg3A_1974, %sort3A_1972 : vector<16xf32>
    %sort3A_1976 = arith.constant dense<true> : vector<16xi1>
    %sort3A_1977, %sort3A_1978, %sort3A_1979 = tpu.sort %neg3A_1975, %sort3A_1971 masked %sort3A_1976 : (vector<16xf32>, vector<16xi32>, vector<16xi1>) -> (vector<16xi1>, vector<16xf32>, vector<16xi32>)
    %neg3A_1980 = arith.constant 0.000000e+00 : f32
    %neg3A_1981 = vector.broadcast %neg3A_1980 : f32 to vector<16xf32>
    %neg3A_1982 = arith.subf %neg3A_1981, %sort3A_1978 : vector<16xf32>
    %rev3A_1983 = arith.constant 15 : i32
    %rev3A_1984 = vector.broadcast %rev3A_1983 : i32 to vector<16xi32>
    %rev3A_1985 = tpu.iota {dimensions = array<i32: 0>} : vector<16xi32>
    %rev3A_1986 = arith.subi %rev3A_1984, %rev3A_1985 : vector<16xi32>
    %rev3A_1987 = tpu.dynamic_gather %neg3A_1532[%rev3A_1986] in [0] : vector<16xf32>, vector<16xi32> -> vector<16xf32>
    %rev3A_1988 = arith.constant 15 : i32
    %rev3A_1989 = vector.broadcast %rev3A_1988 : i32 to vector<16xi32>
    %rev3A_1990 = tpu.iota {dimensions = array<i32: 0>} : vector<16xi32>
    %rev3A_1991 = arith.subi %rev3A_1989, %rev3A_1990 : vector<16xi32>
    %rev3A_1992 = tpu.dynamic_gather %sort3A_1529[%rev3A_1991] in [0] : vector<16xi32>, vector<16xi32> -> vector<16xi32>
    %rev3A_1993 = arith.constant 15 : i32
    %rev3A_1994 = vector.broadcast %rev3A_1993 : i32 to vector<16xi32>
    %rev3A_1995 = tpu.iota {dimensions = array<i32: 0>} : vector<16xi32>
    %rev3A_1996 = arith.subi %rev3A_1994, %rev3A_1995 : vector<16xi32>
    %rev3A_1997 = tpu.dynamic_gather %neg3A_1518[%rev3A_1996] in [0] : vector<16xf32>, vector<16xi32> -> vector<16xf32>
    %rev3A_1998 = arith.constant 15 : i32
    %rev3A_1999 = vector.broadcast %rev3A_1998 : i32 to vector<16xi32>
    %rev3A_2000 = tpu.iota {dimensions = array<i32: 0>} : vector<16xi32>
    %rev3A_2001 = arith.subi %rev3A_1999, %rev3A_2000 : vector<16xi32>
    %rev3A_2002 = tpu.dynamic_gather %sort3A_1515[%rev3A_2001] in [0] : vector<16xi32>, vector<16xi32> -> vector<16xi32>
    %gt3A_2003 = arith.cmpf ogt, %neg3A_1443, %rev3A_1987 : vector<16xf32>
    %eq3A_2004 = arith.cmpf oeq, %neg3A_1443, %rev3A_1987 : vector<16xf32>
    %lt3A_2005 = arith.cmpi slt, %sort3A_1440, %rev3A_1992 : vector<16xi32>
    %and3A_2006 = arith.andi %eq3A_2004, %lt3A_2005 : vector<16xi1>
    %or3A_2007 = arith.ori %gt3A_2003, %and3A_2006 : vector<16xi1>
    %select_n3A_2008 = arith.select %or3A_2007, %neg3A_1443, %rev3A_1987 : vector<16xi1>, vector<16xf32>
    %select_n3A_2009 = arith.select %or3A_2007, %sort3A_1440, %rev3A_1992 : vector<16xi1>, vector<16xi32>
    %select_n3A_2010 = arith.select %or3A_2007, %rev3A_1987, %neg3A_1443 : vector<16xi1>, vector<16xf32>
    %select_n3A_2011 = arith.select %or3A_2007, %rev3A_1992, %sort3A_1440 : vector<16xi1>, vector<16xi32>
    %gt3A_2012 = arith.cmpf ogt, %neg3A_1457, %rev3A_1997 : vector<16xf32>
    %eq3A_2013 = arith.cmpf oeq, %neg3A_1457, %rev3A_1997 : vector<16xf32>
    %lt3A_2014 = arith.cmpi slt, %sort3A_1454, %rev3A_2002 : vector<16xi32>
    %and3A_2015 = arith.andi %eq3A_2013, %lt3A_2014 : vector<16xi1>
    %or3A_2016 = arith.ori %gt3A_2012, %and3A_2015 : vector<16xi1>
    %select_n3A_2017 = arith.select %or3A_2016, %neg3A_1457, %rev3A_1997 : vector<16xi1>, vector<16xf32>
    %select_n3A_2018 = arith.select %or3A_2016, %sort3A_1454, %rev3A_2002 : vector<16xi1>, vector<16xi32>
    %select_n3A_2019 = arith.select %or3A_2016, %rev3A_1997, %neg3A_1457 : vector<16xi1>, vector<16xf32>
    %select_n3A_2020 = arith.select %or3A_2016, %rev3A_2002, %sort3A_1454 : vector<16xi1>, vector<16xi32>
    %gt3A_2021 = arith.cmpf ogt, %select_n3A_2008, %select_n3A_2017 : vector<16xf32>
    %eq3A_2022 = arith.cmpf oeq, %select_n3A_2008, %select_n3A_2017 : vector<16xf32>
    %lt3A_2023 = arith.cmpi slt, %select_n3A_2009, %select_n3A_2018 : vector<16xi32>
    %and3A_2024 = arith.andi %eq3A_2022, %lt3A_2023 : vector<16xi1>
    %or3A_2025 = arith.ori %gt3A_2021, %and3A_2024 : vector<16xi1>
    %select_n3A_2026 = arith.select %or3A_2025, %select_n3A_2008, %select_n3A_2017 : vector<16xi1>, vector<16xf32>
    %select_n3A_2027 = arith.select %or3A_2025, %select_n3A_2009, %select_n3A_2018 : vector<16xi1>, vector<16xi32>
    %select_n3A_2028 = arith.select %or3A_2025, %select_n3A_2017, %select_n3A_2008 : vector<16xi1>, vector<16xf32>
    %select_n3A_2029 = arith.select %or3A_2025, %select_n3A_2018, %select_n3A_2009 : vector<16xi1>, vector<16xi32>
    %sort3A_2030 = arith.constant dense<true> : vector<16xi1>
    %sort3A_2031, %sort3A_2032, %sort3A_2033 = tpu.sort %select_n3A_2027, %select_n3A_2026 masked %sort3A_2030 : (vector<16xi32>, vector<16xf32>, vector<16xi1>) -> (vector<16xi1>, vector<16xi32>, vector<16xf32>)
    %neg3A_2034 = arith.constant 0.000000e+00 : f32
    %neg3A_2035 = vector.broadcast %neg3A_2034 : f32 to vector<16xf32>
    %neg3A_2036 = arith.subf %neg3A_2035, %sort3A_2033 : vector<16xf32>
    %sort3A_2037 = arith.constant dense<true> : vector<16xi1>
    %sort3A_2038, %sort3A_2039, %sort3A_2040 = tpu.sort %neg3A_2036, %sort3A_2032 masked %sort3A_2037 : (vector<16xf32>, vector<16xi32>, vector<16xi1>) -> (vector<16xi1>, vector<16xf32>, vector<16xi32>)
    %neg3A_2041 = arith.constant 0.000000e+00 : f32
    %neg3A_2042 = vector.broadcast %neg3A_2041 : f32 to vector<16xf32>
    %neg3A_2043 = arith.subf %neg3A_2042, %sort3A_2039 : vector<16xf32>
    %sort3A_2044 = arith.constant dense<true> : vector<16xi1>
    %sort3A_2045, %sort3A_2046, %sort3A_2047 = tpu.sort %select_n3A_2029, %select_n3A_2028 masked %sort3A_2044 : (vector<16xi32>, vector<16xf32>, vector<16xi1>) -> (vector<16xi1>, vector<16xi32>, vector<16xf32>)
    %neg3A_2048 = arith.constant 0.000000e+00 : f32
    %neg3A_2049 = vector.broadcast %neg3A_2048 : f32 to vector<16xf32>
    %neg3A_2050 = arith.subf %neg3A_2049, %sort3A_2047 : vector<16xf32>
    %sort3A_2051 = arith.constant dense<true> : vector<16xi1>
    %sort3A_2052, %sort3A_2053, %sort3A_2054 = tpu.sort %neg3A_2050, %sort3A_2046 masked %sort3A_2051 : (vector<16xf32>, vector<16xi32>, vector<16xi1>) -> (vector<16xi1>, vector<16xf32>, vector<16xi32>)
    %neg3A_2055 = arith.constant 0.000000e+00 : f32
    %neg3A_2056 = vector.broadcast %neg3A_2055 : f32 to vector<16xf32>
    %neg3A_2057 = arith.subf %neg3A_2056, %sort3A_2053 : vector<16xf32>
    %rev3A_2058 = arith.constant 15 : i32
    %rev3A_2059 = vector.broadcast %rev3A_2058 : i32 to vector<16xi32>
    %rev3A_2060 = tpu.iota {dimensions = array<i32: 0>} : vector<16xi32>
    %rev3A_2061 = arith.subi %rev3A_2059, %rev3A_2060 : vector<16xi32>
    %rev3A_2062 = tpu.dynamic_gather %neg3A_1682[%rev3A_2061] in [0] : vector<16xf32>, vector<16xi32> -> vector<16xf32>
    %rev3A_2063 = arith.constant 15 : i32
    %rev3A_2064 = vector.broadcast %rev3A_2063 : i32 to vector<16xi32>
    %rev3A_2065 = tpu.iota {dimensions = array<i32: 0>} : vector<16xi32>
    %rev3A_2066 = arith.subi %rev3A_2064, %rev3A_2065 : vector<16xi32>
    %rev3A_2067 = tpu.dynamic_gather %sort3A_1679[%rev3A_2066] in [0] : vector<16xi32>, vector<16xi32> -> vector<16xi32>
    %rev3A_2068 = arith.constant 15 : i32
    %rev3A_2069 = vector.broadcast %rev3A_2068 : i32 to vector<16xi32>
    %rev3A_2070 = tpu.iota {dimensions = array<i32: 0>} : vector<16xi32>
    %rev3A_2071 = arith.subi %rev3A_2069, %rev3A_2070 : vector<16xi32>
    %rev3A_2072 = tpu.dynamic_gather %neg3A_1668[%rev3A_2071] in [0] : vector<16xf32>, vector<16xi32> -> vector<16xf32>
    %rev3A_2073 = arith.constant 15 : i32
    %rev3A_2074 = vector.broadcast %rev3A_2073 : i32 to vector<16xi32>
    %rev3A_2075 = tpu.iota {dimensions = array<i32: 0>} : vector<16xi32>
    %rev3A_2076 = arith.subi %rev3A_2074, %rev3A_2075 : vector<16xi32>
    %rev3A_2077 = tpu.dynamic_gather %sort3A_1665[%rev3A_2076] in [0] : vector<16xi32>, vector<16xi32> -> vector<16xi32>
    %gt3A_2078 = arith.cmpf ogt, %neg3A_1593, %rev3A_2062 : vector<16xf32>
    %eq3A_2079 = arith.cmpf oeq, %neg3A_1593, %rev3A_2062 : vector<16xf32>
    %lt3A_2080 = arith.cmpi slt, %sort3A_1590, %rev3A_2067 : vector<16xi32>
    %and3A_2081 = arith.andi %eq3A_2079, %lt3A_2080 : vector<16xi1>
    %or3A_2082 = arith.ori %gt3A_2078, %and3A_2081 : vector<16xi1>
    %select_n3A_2083 = arith.select %or3A_2082, %neg3A_1593, %rev3A_2062 : vector<16xi1>, vector<16xf32>
    %select_n3A_2084 = arith.select %or3A_2082, %sort3A_1590, %rev3A_2067 : vector<16xi1>, vector<16xi32>
    %select_n3A_2085 = arith.select %or3A_2082, %rev3A_2062, %neg3A_1593 : vector<16xi1>, vector<16xf32>
    %select_n3A_2086 = arith.select %or3A_2082, %rev3A_2067, %sort3A_1590 : vector<16xi1>, vector<16xi32>
    %gt3A_2087 = arith.cmpf ogt, %neg3A_1607, %rev3A_2072 : vector<16xf32>
    %eq3A_2088 = arith.cmpf oeq, %neg3A_1607, %rev3A_2072 : vector<16xf32>
    %lt3A_2089 = arith.cmpi slt, %sort3A_1604, %rev3A_2077 : vector<16xi32>
    %and3A_2090 = arith.andi %eq3A_2088, %lt3A_2089 : vector<16xi1>
    %or3A_2091 = arith.ori %gt3A_2087, %and3A_2090 : vector<16xi1>
    %select_n3A_2092 = arith.select %or3A_2091, %neg3A_1607, %rev3A_2072 : vector<16xi1>, vector<16xf32>
    %select_n3A_2093 = arith.select %or3A_2091, %sort3A_1604, %rev3A_2077 : vector<16xi1>, vector<16xi32>
    %select_n3A_2094 = arith.select %or3A_2091, %rev3A_2072, %neg3A_1607 : vector<16xi1>, vector<16xf32>
    %select_n3A_2095 = arith.select %or3A_2091, %rev3A_2077, %sort3A_1604 : vector<16xi1>, vector<16xi32>
    %gt3A_2096 = arith.cmpf ogt, %select_n3A_2083, %select_n3A_2092 : vector<16xf32>
    %eq3A_2097 = arith.cmpf oeq, %select_n3A_2083, %select_n3A_2092 : vector<16xf32>
    %lt3A_2098 = arith.cmpi slt, %select_n3A_2084, %select_n3A_2093 : vector<16xi32>
    %and3A_2099 = arith.andi %eq3A_2097, %lt3A_2098 : vector<16xi1>
    %or3A_2100 = arith.ori %gt3A_2096, %and3A_2099 : vector<16xi1>
    %select_n3A_2101 = arith.select %or3A_2100, %select_n3A_2083, %select_n3A_2092 : vector<16xi1>, vector<16xf32>
    %select_n3A_2102 = arith.select %or3A_2100, %select_n3A_2084, %select_n3A_2093 : vector<16xi1>, vector<16xi32>
    %select_n3A_2103 = arith.select %or3A_2100, %select_n3A_2092, %select_n3A_2083 : vector<16xi1>, vector<16xf32>
    %select_n3A_2104 = arith.select %or3A_2100, %select_n3A_2093, %select_n3A_2084 : vector<16xi1>, vector<16xi32>
    %sort3A_2105 = arith.constant dense<true> : vector<16xi1>
    %sort3A_2106, %sort3A_2107, %sort3A_2108 = tpu.sort %select_n3A_2102, %select_n3A_2101 masked %sort3A_2105 : (vector<16xi32>, vector<16xf32>, vector<16xi1>) -> (vector<16xi1>, vector<16xi32>, vector<16xf32>)
    %neg3A_2109 = arith.constant 0.000000e+00 : f32
    %neg3A_2110 = vector.broadcast %neg3A_2109 : f32 to vector<16xf32>
    %neg3A_2111 = arith.subf %neg3A_2110, %sort3A_2108 : vector<16xf32>
    %sort3A_2112 = arith.constant dense<true> : vector<16xi1>
    %sort3A_2113, %sort3A_2114, %sort3A_2115 = tpu.sort %neg3A_2111, %sort3A_2107 masked %sort3A_2112 : (vector<16xf32>, vector<16xi32>, vector<16xi1>) -> (vector<16xi1>, vector<16xf32>, vector<16xi32>)
    %neg3A_2116 = arith.constant 0.000000e+00 : f32
    %neg3A_2117 = vector.broadcast %neg3A_2116 : f32 to vector<16xf32>
    %neg3A_2118 = arith.subf %neg3A_2117, %sort3A_2114 : vector<16xf32>
    %sort3A_2119 = arith.constant dense<true> : vector<16xi1>
    %sort3A_2120, %sort3A_2121, %sort3A_2122 = tpu.sort %select_n3A_2104, %select_n3A_2103 masked %sort3A_2119 : (vector<16xi32>, vector<16xf32>, vector<16xi1>) -> (vector<16xi1>, vector<16xi32>, vector<16xf32>)
    %neg3A_2123 = arith.constant 0.000000e+00 : f32
    %neg3A_2124 = vector.broadcast %neg3A_2123 : f32 to vector<16xf32>
    %neg3A_2125 = arith.subf %neg3A_2124, %sort3A_2122 : vector<16xf32>
    %sort3A_2126 = arith.constant dense<true> : vector<16xi1>
    %sort3A_2127, %sort3A_2128, %sort3A_2129 = tpu.sort %neg3A_2125, %sort3A_2121 masked %sort3A_2126 : (vector<16xf32>, vector<16xi32>, vector<16xi1>) -> (vector<16xi1>, vector<16xf32>, vector<16xi32>)
    %neg3A_2130 = arith.constant 0.000000e+00 : f32
    %neg3A_2131 = vector.broadcast %neg3A_2130 : f32 to vector<16xf32>
    %neg3A_2132 = arith.subf %neg3A_2131, %sort3A_2128 : vector<16xf32>
    %rev3A_2133 = arith.constant 15 : i32
    %rev3A_2134 = vector.broadcast %rev3A_2133 : i32 to vector<16xi32>
    %rev3A_2135 = tpu.iota {dimensions = array<i32: 0>} : vector<16xi32>
    %rev3A_2136 = arith.subi %rev3A_2134, %rev3A_2135 : vector<16xi32>
    %rev3A_2137 = tpu.dynamic_gather %neg3A_1832[%rev3A_2136] in [0] : vector<16xf32>, vector<16xi32> -> vector<16xf32>
    %rev3A_2138 = arith.constant 15 : i32
    %rev3A_2139 = vector.broadcast %rev3A_2138 : i32 to vector<16xi32>
    %rev3A_2140 = tpu.iota {dimensions = array<i32: 0>} : vector<16xi32>
    %rev3A_2141 = arith.subi %rev3A_2139, %rev3A_2140 : vector<16xi32>
    %rev3A_2142 = tpu.dynamic_gather %sort3A_1829[%rev3A_2141] in [0] : vector<16xi32>, vector<16xi32> -> vector<16xi32>
    %rev3A_2143 = arith.constant 15 : i32
    %rev3A_2144 = vector.broadcast %rev3A_2143 : i32 to vector<16xi32>
    %rev3A_2145 = tpu.iota {dimensions = array<i32: 0>} : vector<16xi32>
    %rev3A_2146 = arith.subi %rev3A_2144, %rev3A_2145 : vector<16xi32>
    %rev3A_2147 = tpu.dynamic_gather %neg3A_1818[%rev3A_2146] in [0] : vector<16xf32>, vector<16xi32> -> vector<16xf32>
    %rev3A_2148 = arith.constant 15 : i32
    %rev3A_2149 = vector.broadcast %rev3A_2148 : i32 to vector<16xi32>
    %rev3A_2150 = tpu.iota {dimensions = array<i32: 0>} : vector<16xi32>
    %rev3A_2151 = arith.subi %rev3A_2149, %rev3A_2150 : vector<16xi32>
    %rev3A_2152 = tpu.dynamic_gather %sort3A_1815[%rev3A_2151] in [0] : vector<16xi32>, vector<16xi32> -> vector<16xi32>
    %gt3A_2153 = arith.cmpf ogt, %neg3A_1743, %rev3A_2137 : vector<16xf32>
    %eq3A_2154 = arith.cmpf oeq, %neg3A_1743, %rev3A_2137 : vector<16xf32>
    %lt3A_2155 = arith.cmpi slt, %sort3A_1740, %rev3A_2142 : vector<16xi32>
    %and3A_2156 = arith.andi %eq3A_2154, %lt3A_2155 : vector<16xi1>
    %or3A_2157 = arith.ori %gt3A_2153, %and3A_2156 : vector<16xi1>
    %select_n3A_2158 = arith.select %or3A_2157, %neg3A_1743, %rev3A_2137 : vector<16xi1>, vector<16xf32>
    %select_n3A_2159 = arith.select %or3A_2157, %sort3A_1740, %rev3A_2142 : vector<16xi1>, vector<16xi32>
    %select_n3A_2160 = arith.select %or3A_2157, %rev3A_2137, %neg3A_1743 : vector<16xi1>, vector<16xf32>
    %select_n3A_2161 = arith.select %or3A_2157, %rev3A_2142, %sort3A_1740 : vector<16xi1>, vector<16xi32>
    %gt3A_2162 = arith.cmpf ogt, %neg3A_1757, %rev3A_2147 : vector<16xf32>
    %eq3A_2163 = arith.cmpf oeq, %neg3A_1757, %rev3A_2147 : vector<16xf32>
    %lt3A_2164 = arith.cmpi slt, %sort3A_1754, %rev3A_2152 : vector<16xi32>
    %and3A_2165 = arith.andi %eq3A_2163, %lt3A_2164 : vector<16xi1>
    %or3A_2166 = arith.ori %gt3A_2162, %and3A_2165 : vector<16xi1>
    %select_n3A_2167 = arith.select %or3A_2166, %neg3A_1757, %rev3A_2147 : vector<16xi1>, vector<16xf32>
    %select_n3A_2168 = arith.select %or3A_2166, %sort3A_1754, %rev3A_2152 : vector<16xi1>, vector<16xi32>
    %select_n3A_2169 = arith.select %or3A_2166, %rev3A_2147, %neg3A_1757 : vector<16xi1>, vector<16xf32>
    %select_n3A_2170 = arith.select %or3A_2166, %rev3A_2152, %sort3A_1754 : vector<16xi1>, vector<16xi32>
    %gt3A_2171 = arith.cmpf ogt, %select_n3A_2158, %select_n3A_2167 : vector<16xf32>
    %eq3A_2172 = arith.cmpf oeq, %select_n3A_2158, %select_n3A_2167 : vector<16xf32>
    %lt3A_2173 = arith.cmpi slt, %select_n3A_2159, %select_n3A_2168 : vector<16xi32>
    %and3A_2174 = arith.andi %eq3A_2172, %lt3A_2173 : vector<16xi1>
    %or3A_2175 = arith.ori %gt3A_2171, %and3A_2174 : vector<16xi1>
    %select_n3A_2176 = arith.select %or3A_2175, %select_n3A_2158, %select_n3A_2167 : vector<16xi1>, vector<16xf32>
    %select_n3A_2177 = arith.select %or3A_2175, %select_n3A_2159, %select_n3A_2168 : vector<16xi1>, vector<16xi32>
    %select_n3A_2178 = arith.select %or3A_2175, %select_n3A_2167, %select_n3A_2158 : vector<16xi1>, vector<16xf32>
    %select_n3A_2179 = arith.select %or3A_2175, %select_n3A_2168, %select_n3A_2159 : vector<16xi1>, vector<16xi32>
    %sort3A_2180 = arith.constant dense<true> : vector<16xi1>
    %sort3A_2181, %sort3A_2182, %sort3A_2183 = tpu.sort %select_n3A_2177, %select_n3A_2176 masked %sort3A_2180 : (vector<16xi32>, vector<16xf32>, vector<16xi1>) -> (vector<16xi1>, vector<16xi32>, vector<16xf32>)
    %neg3A_2184 = arith.constant 0.000000e+00 : f32
    %neg3A_2185 = vector.broadcast %neg3A_2184 : f32 to vector<16xf32>
    %neg3A_2186 = arith.subf %neg3A_2185, %sort3A_2183 : vector<16xf32>
    %sort3A_2187 = arith.constant dense<true> : vector<16xi1>
    %sort3A_2188, %sort3A_2189, %sort3A_2190 = tpu.sort %neg3A_2186, %sort3A_2182 masked %sort3A_2187 : (vector<16xf32>, vector<16xi32>, vector<16xi1>) -> (vector<16xi1>, vector<16xf32>, vector<16xi32>)
    %neg3A_2191 = arith.constant 0.000000e+00 : f32
    %neg3A_2192 = vector.broadcast %neg3A_2191 : f32 to vector<16xf32>
    %neg3A_2193 = arith.subf %neg3A_2192, %sort3A_2189 : vector<16xf32>
    %sort3A_2194 = arith.constant dense<true> : vector<16xi1>
    %sort3A_2195, %sort3A_2196, %sort3A_2197 = tpu.sort %select_n3A_2179, %select_n3A_2178 masked %sort3A_2194 : (vector<16xi32>, vector<16xf32>, vector<16xi1>) -> (vector<16xi1>, vector<16xi32>, vector<16xf32>)
    %neg3A_2198 = arith.constant 0.000000e+00 : f32
    %neg3A_2199 = vector.broadcast %neg3A_2198 : f32 to vector<16xf32>
    %neg3A_2200 = arith.subf %neg3A_2199, %sort3A_2197 : vector<16xf32>
    %sort3A_2201 = arith.constant dense<true> : vector<16xi1>
    %sort3A_2202, %sort3A_2203, %sort3A_2204 = tpu.sort %neg3A_2200, %sort3A_2196 masked %sort3A_2201 : (vector<16xf32>, vector<16xi32>, vector<16xi1>) -> (vector<16xi1>, vector<16xf32>, vector<16xi32>)
    %neg3A_2205 = arith.constant 0.000000e+00 : f32
    %neg3A_2206 = vector.broadcast %neg3A_2205 : f32 to vector<16xf32>
    %neg3A_2207 = arith.subf %neg3A_2206, %sort3A_2203 : vector<16xf32>
    %rev3A_2208 = arith.constant 15 : i32
    %rev3A_2209 = vector.broadcast %rev3A_2208 : i32 to vector<16xi32>
    %rev3A_2210 = tpu.iota {dimensions = array<i32: 0>} : vector<16xi32>
    %rev3A_2211 = arith.subi %rev3A_2209, %rev3A_2210 : vector<16xi32>
    %rev3A_2212 = tpu.dynamic_gather %neg3A_1982[%rev3A_2211] in [0] : vector<16xf32>, vector<16xi32> -> vector<16xf32>
    %rev3A_2213 = arith.constant 15 : i32
    %rev3A_2214 = vector.broadcast %rev3A_2213 : i32 to vector<16xi32>
    %rev3A_2215 = tpu.iota {dimensions = array<i32: 0>} : vector<16xi32>
    %rev3A_2216 = arith.subi %rev3A_2214, %rev3A_2215 : vector<16xi32>
    %rev3A_2217 = tpu.dynamic_gather %sort3A_1979[%rev3A_2216] in [0] : vector<16xi32>, vector<16xi32> -> vector<16xi32>
    %rev3A_2218 = arith.constant 15 : i32
    %rev3A_2219 = vector.broadcast %rev3A_2218 : i32 to vector<16xi32>
    %rev3A_2220 = tpu.iota {dimensions = array<i32: 0>} : vector<16xi32>
    %rev3A_2221 = arith.subi %rev3A_2219, %rev3A_2220 : vector<16xi32>
    %rev3A_2222 = tpu.dynamic_gather %neg3A_1968[%rev3A_2221] in [0] : vector<16xf32>, vector<16xi32> -> vector<16xf32>
    %rev3A_2223 = arith.constant 15 : i32
    %rev3A_2224 = vector.broadcast %rev3A_2223 : i32 to vector<16xi32>
    %rev3A_2225 = tpu.iota {dimensions = array<i32: 0>} : vector<16xi32>
    %rev3A_2226 = arith.subi %rev3A_2224, %rev3A_2225 : vector<16xi32>
    %rev3A_2227 = tpu.dynamic_gather %sort3A_1965[%rev3A_2226] in [0] : vector<16xi32>, vector<16xi32> -> vector<16xi32>
    %gt3A_2228 = arith.cmpf ogt, %neg3A_1893, %rev3A_2212 : vector<16xf32>
    %eq3A_2229 = arith.cmpf oeq, %neg3A_1893, %rev3A_2212 : vector<16xf32>
    %lt3A_2230 = arith.cmpi slt, %sort3A_1890, %rev3A_2217 : vector<16xi32>
    %and3A_2231 = arith.andi %eq3A_2229, %lt3A_2230 : vector<16xi1>
    %or3A_2232 = arith.ori %gt3A_2228, %and3A_2231 : vector<16xi1>
    %select_n3A_2233 = arith.select %or3A_2232, %neg3A_1893, %rev3A_2212 : vector<16xi1>, vector<16xf32>
    %select_n3A_2234 = arith.select %or3A_2232, %sort3A_1890, %rev3A_2217 : vector<16xi1>, vector<16xi32>
    %select_n3A_2235 = arith.select %or3A_2232, %rev3A_2212, %neg3A_1893 : vector<16xi1>, vector<16xf32>
    %select_n3A_2236 = arith.select %or3A_2232, %rev3A_2217, %sort3A_1890 : vector<16xi1>, vector<16xi32>
    %gt3A_2237 = arith.cmpf ogt, %neg3A_1907, %rev3A_2222 : vector<16xf32>
    %eq3A_2238 = arith.cmpf oeq, %neg3A_1907, %rev3A_2222 : vector<16xf32>
    %lt3A_2239 = arith.cmpi slt, %sort3A_1904, %rev3A_2227 : vector<16xi32>
    %and3A_2240 = arith.andi %eq3A_2238, %lt3A_2239 : vector<16xi1>
    %or3A_2241 = arith.ori %gt3A_2237, %and3A_2240 : vector<16xi1>
    %select_n3A_2242 = arith.select %or3A_2241, %neg3A_1907, %rev3A_2222 : vector<16xi1>, vector<16xf32>
    %select_n3A_2243 = arith.select %or3A_2241, %sort3A_1904, %rev3A_2227 : vector<16xi1>, vector<16xi32>
    %select_n3A_2244 = arith.select %or3A_2241, %rev3A_2222, %neg3A_1907 : vector<16xi1>, vector<16xf32>
    %select_n3A_2245 = arith.select %or3A_2241, %rev3A_2227, %sort3A_1904 : vector<16xi1>, vector<16xi32>
    %gt3A_2246 = arith.cmpf ogt, %select_n3A_2233, %select_n3A_2242 : vector<16xf32>
    %eq3A_2247 = arith.cmpf oeq, %select_n3A_2233, %select_n3A_2242 : vector<16xf32>
    %lt3A_2248 = arith.cmpi slt, %select_n3A_2234, %select_n3A_2243 : vector<16xi32>
    %and3A_2249 = arith.andi %eq3A_2247, %lt3A_2248 : vector<16xi1>
    %or3A_2250 = arith.ori %gt3A_2246, %and3A_2249 : vector<16xi1>
    %select_n3A_2251 = arith.select %or3A_2250, %select_n3A_2233, %select_n3A_2242 : vector<16xi1>, vector<16xf32>
    %select_n3A_2252 = arith.select %or3A_2250, %select_n3A_2234, %select_n3A_2243 : vector<16xi1>, vector<16xi32>
    %select_n3A_2253 = arith.select %or3A_2250, %select_n3A_2242, %select_n3A_2233 : vector<16xi1>, vector<16xf32>
    %select_n3A_2254 = arith.select %or3A_2250, %select_n3A_2243, %select_n3A_2234 : vector<16xi1>, vector<16xi32>
    %sort3A_2255 = arith.constant dense<true> : vector<16xi1>
    %sort3A_2256, %sort3A_2257, %sort3A_2258 = tpu.sort %select_n3A_2252, %select_n3A_2251 masked %sort3A_2255 : (vector<16xi32>, vector<16xf32>, vector<16xi1>) -> (vector<16xi1>, vector<16xi32>, vector<16xf32>)
    %neg3A_2259 = arith.constant 0.000000e+00 : f32
    %neg3A_2260 = vector.broadcast %neg3A_2259 : f32 to vector<16xf32>
    %neg3A_2261 = arith.subf %neg3A_2260, %sort3A_2258 : vector<16xf32>
    %sort3A_2262 = arith.constant dense<true> : vector<16xi1>
    %sort3A_2263, %sort3A_2264, %sort3A_2265 = tpu.sort %neg3A_2261, %sort3A_2257 masked %sort3A_2262 : (vector<16xf32>, vector<16xi32>, vector<16xi1>) -> (vector<16xi1>, vector<16xf32>, vector<16xi32>)
    %neg3A_2266 = arith.constant 0.000000e+00 : f32
    %neg3A_2267 = vector.broadcast %neg3A_2266 : f32 to vector<16xf32>
    %neg3A_2268 = arith.subf %neg3A_2267, %sort3A_2264 : vector<16xf32>
    %sort3A_2269 = arith.constant dense<true> : vector<16xi1>
    %sort3A_2270, %sort3A_2271, %sort3A_2272 = tpu.sort %select_n3A_2254, %select_n3A_2253 masked %sort3A_2269 : (vector<16xi32>, vector<16xf32>, vector<16xi1>) -> (vector<16xi1>, vector<16xi32>, vector<16xf32>)
    %neg3A_2273 = arith.constant 0.000000e+00 : f32
    %neg3A_2274 = vector.broadcast %neg3A_2273 : f32 to vector<16xf32>
    %neg3A_2275 = arith.subf %neg3A_2274, %sort3A_2272 : vector<16xf32>
    %sort3A_2276 = arith.constant dense<true> : vector<16xi1>
    %sort3A_2277, %sort3A_2278, %sort3A_2279 = tpu.sort %neg3A_2275, %sort3A_2271 masked %sort3A_2276 : (vector<16xf32>, vector<16xi32>, vector<16xi1>) -> (vector<16xi1>, vector<16xf32>, vector<16xi32>)
    %neg3A_2280 = arith.constant 0.000000e+00 : f32
    %neg3A_2281 = vector.broadcast %neg3A_2280 : f32 to vector<16xf32>
    %neg3A_2282 = arith.subf %neg3A_2281, %sort3A_2278 : vector<16xf32>
    %rev3A_2283 = arith.constant 15 : i32
    %rev3A_2284 = vector.broadcast %rev3A_2283 : i32 to vector<16xi32>
    %rev3A_2285 = tpu.iota {dimensions = array<i32: 0>} : vector<16xi32>
    %rev3A_2286 = arith.subi %rev3A_2284, %rev3A_2285 : vector<16xi32>
    %rev3A_2287 = tpu.dynamic_gather %neg3A_2132[%rev3A_2286] in [0] : vector<16xf32>, vector<16xi32> -> vector<16xf32>
    %rev3A_2288 = arith.constant 15 : i32
    %rev3A_2289 = vector.broadcast %rev3A_2288 : i32 to vector<16xi32>
    %rev3A_2290 = tpu.iota {dimensions = array<i32: 0>} : vector<16xi32>
    %rev3A_2291 = arith.subi %rev3A_2289, %rev3A_2290 : vector<16xi32>
    %rev3A_2292 = tpu.dynamic_gather %sort3A_2129[%rev3A_2291] in [0] : vector<16xi32>, vector<16xi32> -> vector<16xi32>
    %rev3A_2293 = arith.constant 15 : i32
    %rev3A_2294 = vector.broadcast %rev3A_2293 : i32 to vector<16xi32>
    %rev3A_2295 = tpu.iota {dimensions = array<i32: 0>} : vector<16xi32>
    %rev3A_2296 = arith.subi %rev3A_2294, %rev3A_2295 : vector<16xi32>
    %rev3A_2297 = tpu.dynamic_gather %neg3A_2118[%rev3A_2296] in [0] : vector<16xf32>, vector<16xi32> -> vector<16xf32>
    %rev3A_2298 = arith.constant 15 : i32
    %rev3A_2299 = vector.broadcast %rev3A_2298 : i32 to vector<16xi32>
    %rev3A_2300 = tpu.iota {dimensions = array<i32: 0>} : vector<16xi32>
    %rev3A_2301 = arith.subi %rev3A_2299, %rev3A_2300 : vector<16xi32>
    %rev3A_2302 = tpu.dynamic_gather %sort3A_2115[%rev3A_2301] in [0] : vector<16xi32>, vector<16xi32> -> vector<16xi32>
    %gt3A_2303 = arith.cmpf ogt, %neg3A_2043, %rev3A_2287 : vector<16xf32>
    %eq3A_2304 = arith.cmpf oeq, %neg3A_2043, %rev3A_2287 : vector<16xf32>
    %lt3A_2305 = arith.cmpi slt, %sort3A_2040, %rev3A_2292 : vector<16xi32>
    %and3A_2306 = arith.andi %eq3A_2304, %lt3A_2305 : vector<16xi1>
    %or3A_2307 = arith.ori %gt3A_2303, %and3A_2306 : vector<16xi1>
    %select_n3A_2308 = arith.select %or3A_2307, %neg3A_2043, %rev3A_2287 : vector<16xi1>, vector<16xf32>
    %select_n3A_2309 = arith.select %or3A_2307, %sort3A_2040, %rev3A_2292 : vector<16xi1>, vector<16xi32>
    %select_n3A_2310 = arith.select %or3A_2307, %rev3A_2287, %neg3A_2043 : vector<16xi1>, vector<16xf32>
    %select_n3A_2311 = arith.select %or3A_2307, %rev3A_2292, %sort3A_2040 : vector<16xi1>, vector<16xi32>
    %gt3A_2312 = arith.cmpf ogt, %neg3A_2057, %rev3A_2297 : vector<16xf32>
    %eq3A_2313 = arith.cmpf oeq, %neg3A_2057, %rev3A_2297 : vector<16xf32>
    %lt3A_2314 = arith.cmpi slt, %sort3A_2054, %rev3A_2302 : vector<16xi32>
    %and3A_2315 = arith.andi %eq3A_2313, %lt3A_2314 : vector<16xi1>
    %or3A_2316 = arith.ori %gt3A_2312, %and3A_2315 : vector<16xi1>
    %select_n3A_2317 = arith.select %or3A_2316, %neg3A_2057, %rev3A_2297 : vector<16xi1>, vector<16xf32>
    %select_n3A_2318 = arith.select %or3A_2316, %sort3A_2054, %rev3A_2302 : vector<16xi1>, vector<16xi32>
    %select_n3A_2319 = arith.select %or3A_2316, %rev3A_2297, %neg3A_2057 : vector<16xi1>, vector<16xf32>
    %select_n3A_2320 = arith.select %or3A_2316, %rev3A_2302, %sort3A_2054 : vector<16xi1>, vector<16xi32>
    %gt3A_2321 = arith.cmpf ogt, %select_n3A_2308, %select_n3A_2317 : vector<16xf32>
    %eq3A_2322 = arith.cmpf oeq, %select_n3A_2308, %select_n3A_2317 : vector<16xf32>
    %lt3A_2323 = arith.cmpi slt, %select_n3A_2309, %select_n3A_2318 : vector<16xi32>
    %and3A_2324 = arith.andi %eq3A_2322, %lt3A_2323 : vector<16xi1>
    %or3A_2325 = arith.ori %gt3A_2321, %and3A_2324 : vector<16xi1>
    %select_n3A_2326 = arith.select %or3A_2325, %select_n3A_2308, %select_n3A_2317 : vector<16xi1>, vector<16xf32>
    %select_n3A_2327 = arith.select %or3A_2325, %select_n3A_2309, %select_n3A_2318 : vector<16xi1>, vector<16xi32>
    %select_n3A_2328 = arith.select %or3A_2325, %select_n3A_2317, %select_n3A_2308 : vector<16xi1>, vector<16xf32>
    %select_n3A_2329 = arith.select %or3A_2325, %select_n3A_2318, %select_n3A_2309 : vector<16xi1>, vector<16xi32>
    %sort3A_2330 = arith.constant dense<true> : vector<16xi1>
    %sort3A_2331, %sort3A_2332, %sort3A_2333 = tpu.sort %select_n3A_2327, %select_n3A_2326 masked %sort3A_2330 : (vector<16xi32>, vector<16xf32>, vector<16xi1>) -> (vector<16xi1>, vector<16xi32>, vector<16xf32>)
    %neg3A_2334 = arith.constant 0.000000e+00 : f32
    %neg3A_2335 = vector.broadcast %neg3A_2334 : f32 to vector<16xf32>
    %neg3A_2336 = arith.subf %neg3A_2335, %sort3A_2333 : vector<16xf32>
    %sort3A_2337 = arith.constant dense<true> : vector<16xi1>
    %sort3A_2338, %sort3A_2339, %sort3A_2340 = tpu.sort %neg3A_2336, %sort3A_2332 masked %sort3A_2337 : (vector<16xf32>, vector<16xi32>, vector<16xi1>) -> (vector<16xi1>, vector<16xf32>, vector<16xi32>)
    %neg3A_2341 = arith.constant 0.000000e+00 : f32
    %neg3A_2342 = vector.broadcast %neg3A_2341 : f32 to vector<16xf32>
    %neg3A_2343 = arith.subf %neg3A_2342, %sort3A_2339 : vector<16xf32>
    %sort3A_2344 = arith.constant dense<true> : vector<16xi1>
    %sort3A_2345, %sort3A_2346, %sort3A_2347 = tpu.sort %select_n3A_2329, %select_n3A_2328 masked %sort3A_2344 : (vector<16xi32>, vector<16xf32>, vector<16xi1>) -> (vector<16xi1>, vector<16xi32>, vector<16xf32>)
    %neg3A_2348 = arith.constant 0.000000e+00 : f32
    %neg3A_2349 = vector.broadcast %neg3A_2348 : f32 to vector<16xf32>
    %neg3A_2350 = arith.subf %neg3A_2349, %sort3A_2347 : vector<16xf32>
    %sort3A_2351 = arith.constant dense<true> : vector<16xi1>
    %sort3A_2352, %sort3A_2353, %sort3A_2354 = tpu.sort %neg3A_2350, %sort3A_2346 masked %sort3A_2351 : (vector<16xf32>, vector<16xi32>, vector<16xi1>) -> (vector<16xi1>, vector<16xf32>, vector<16xi32>)
    %neg3A_2355 = arith.constant 0.000000e+00 : f32
    %neg3A_2356 = vector.broadcast %neg3A_2355 : f32 to vector<16xf32>
    %neg3A_2357 = arith.subf %neg3A_2356, %sort3A_2353 : vector<16xf32>
    %rev3A_2358 = arith.constant 15 : i32
    %rev3A_2359 = vector.broadcast %rev3A_2358 : i32 to vector<16xi32>
    %rev3A_2360 = tpu.iota {dimensions = array<i32: 0>} : vector<16xi32>
    %rev3A_2361 = arith.subi %rev3A_2359, %rev3A_2360 : vector<16xi32>
    %rev3A_2362 = tpu.dynamic_gather %neg3A_2282[%rev3A_2361] in [0] : vector<16xf32>, vector<16xi32> -> vector<16xf32>
    %rev3A_2363 = arith.constant 15 : i32
    %rev3A_2364 = vector.broadcast %rev3A_2363 : i32 to vector<16xi32>
    %rev3A_2365 = tpu.iota {dimensions = array<i32: 0>} : vector<16xi32>
    %rev3A_2366 = arith.subi %rev3A_2364, %rev3A_2365 : vector<16xi32>
    %rev3A_2367 = tpu.dynamic_gather %sort3A_2279[%rev3A_2366] in [0] : vector<16xi32>, vector<16xi32> -> vector<16xi32>
    %rev3A_2368 = arith.constant 15 : i32
    %rev3A_2369 = vector.broadcast %rev3A_2368 : i32 to vector<16xi32>
    %rev3A_2370 = tpu.iota {dimensions = array<i32: 0>} : vector<16xi32>
    %rev3A_2371 = arith.subi %rev3A_2369, %rev3A_2370 : vector<16xi32>
    %rev3A_2372 = tpu.dynamic_gather %neg3A_2268[%rev3A_2371] in [0] : vector<16xf32>, vector<16xi32> -> vector<16xf32>
    %rev3A_2373 = arith.constant 15 : i32
    %rev3A_2374 = vector.broadcast %rev3A_2373 : i32 to vector<16xi32>
    %rev3A_2375 = tpu.iota {dimensions = array<i32: 0>} : vector<16xi32>
    %rev3A_2376 = arith.subi %rev3A_2374, %rev3A_2375 : vector<16xi32>
    %rev3A_2377 = tpu.dynamic_gather %sort3A_2265[%rev3A_2376] in [0] : vector<16xi32>, vector<16xi32> -> vector<16xi32>
    %gt3A_2378 = arith.cmpf ogt, %neg3A_2193, %rev3A_2362 : vector<16xf32>
    %eq3A_2379 = arith.cmpf oeq, %neg3A_2193, %rev3A_2362 : vector<16xf32>
    %lt3A_2380 = arith.cmpi slt, %sort3A_2190, %rev3A_2367 : vector<16xi32>
    %and3A_2381 = arith.andi %eq3A_2379, %lt3A_2380 : vector<16xi1>
    %or3A_2382 = arith.ori %gt3A_2378, %and3A_2381 : vector<16xi1>
    %select_n3A_2383 = arith.select %or3A_2382, %neg3A_2193, %rev3A_2362 : vector<16xi1>, vector<16xf32>
    %select_n3A_2384 = arith.select %or3A_2382, %sort3A_2190, %rev3A_2367 : vector<16xi1>, vector<16xi32>
    %select_n3A_2385 = arith.select %or3A_2382, %rev3A_2362, %neg3A_2193 : vector<16xi1>, vector<16xf32>
    %select_n3A_2386 = arith.select %or3A_2382, %rev3A_2367, %sort3A_2190 : vector<16xi1>, vector<16xi32>
    %gt3A_2387 = arith.cmpf ogt, %neg3A_2207, %rev3A_2372 : vector<16xf32>
    %eq3A_2388 = arith.cmpf oeq, %neg3A_2207, %rev3A_2372 : vector<16xf32>
    %lt3A_2389 = arith.cmpi slt, %sort3A_2204, %rev3A_2377 : vector<16xi32>
    %and3A_2390 = arith.andi %eq3A_2388, %lt3A_2389 : vector<16xi1>
    %or3A_2391 = arith.ori %gt3A_2387, %and3A_2390 : vector<16xi1>
    %select_n3A_2392 = arith.select %or3A_2391, %neg3A_2207, %rev3A_2372 : vector<16xi1>, vector<16xf32>
    %select_n3A_2393 = arith.select %or3A_2391, %sort3A_2204, %rev3A_2377 : vector<16xi1>, vector<16xi32>
    %select_n3A_2394 = arith.select %or3A_2391, %rev3A_2372, %neg3A_2207 : vector<16xi1>, vector<16xf32>
    %select_n3A_2395 = arith.select %or3A_2391, %rev3A_2377, %sort3A_2204 : vector<16xi1>, vector<16xi32>
    %gt3A_2396 = arith.cmpf ogt, %select_n3A_2383, %select_n3A_2392 : vector<16xf32>
    %eq3A_2397 = arith.cmpf oeq, %select_n3A_2383, %select_n3A_2392 : vector<16xf32>
    %lt3A_2398 = arith.cmpi slt, %select_n3A_2384, %select_n3A_2393 : vector<16xi32>
    %and3A_2399 = arith.andi %eq3A_2397, %lt3A_2398 : vector<16xi1>
    %or3A_2400 = arith.ori %gt3A_2396, %and3A_2399 : vector<16xi1>
    %select_n3A_2401 = arith.select %or3A_2400, %select_n3A_2383, %select_n3A_2392 : vector<16xi1>, vector<16xf32>
    %select_n3A_2402 = arith.select %or3A_2400, %select_n3A_2384, %select_n3A_2393 : vector<16xi1>, vector<16xi32>
    %select_n3A_2403 = arith.select %or3A_2400, %select_n3A_2392, %select_n3A_2383 : vector<16xi1>, vector<16xf32>
    %select_n3A_2404 = arith.select %or3A_2400, %select_n3A_2393, %select_n3A_2384 : vector<16xi1>, vector<16xi32>
    %sort3A_2405 = arith.constant dense<true> : vector<16xi1>
    %sort3A_2406, %sort3A_2407, %sort3A_2408 = tpu.sort %select_n3A_2402, %select_n3A_2401 masked %sort3A_2405 : (vector<16xi32>, vector<16xf32>, vector<16xi1>) -> (vector<16xi1>, vector<16xi32>, vector<16xf32>)
    %neg3A_2409 = arith.constant 0.000000e+00 : f32
    %neg3A_2410 = vector.broadcast %neg3A_2409 : f32 to vector<16xf32>
    %neg3A_2411 = arith.subf %neg3A_2410, %sort3A_2408 : vector<16xf32>
    %sort3A_2412 = arith.constant dense<true> : vector<16xi1>
    %sort3A_2413, %sort3A_2414, %sort3A_2415 = tpu.sort %neg3A_2411, %sort3A_2407 masked %sort3A_2412 : (vector<16xf32>, vector<16xi32>, vector<16xi1>) -> (vector<16xi1>, vector<16xf32>, vector<16xi32>)
    %neg3A_2416 = arith.constant 0.000000e+00 : f32
    %neg3A_2417 = vector.broadcast %neg3A_2416 : f32 to vector<16xf32>
    %neg3A_2418 = arith.subf %neg3A_2417, %sort3A_2414 : vector<16xf32>
    %sort3A_2419 = arith.constant dense<true> : vector<16xi1>
    %sort3A_2420, %sort3A_2421, %sort3A_2422 = tpu.sort %select_n3A_2404, %select_n3A_2403 masked %sort3A_2419 : (vector<16xi32>, vector<16xf32>, vector<16xi1>) -> (vector<16xi1>, vector<16xi32>, vector<16xf32>)
    %neg3A_2423 = arith.constant 0.000000e+00 : f32
    %neg3A_2424 = vector.broadcast %neg3A_2423 : f32 to vector<16xf32>
    %neg3A_2425 = arith.subf %neg3A_2424, %sort3A_2422 : vector<16xf32>
    %sort3A_2426 = arith.constant dense<true> : vector<16xi1>
    %sort3A_2427, %sort3A_2428, %sort3A_2429 = tpu.sort %neg3A_2425, %sort3A_2421 masked %sort3A_2426 : (vector<16xf32>, vector<16xi32>, vector<16xi1>) -> (vector<16xi1>, vector<16xf32>, vector<16xi32>)
    %neg3A_2430 = arith.constant 0.000000e+00 : f32
    %neg3A_2431 = vector.broadcast %neg3A_2430 : f32 to vector<16xf32>
    %neg3A_2432 = arith.subf %neg3A_2431, %sort3A_2428 : vector<16xf32>
    %rev3A_2433 = arith.constant 15 : i32
    %rev3A_2434 = vector.broadcast %rev3A_2433 : i32 to vector<16xi32>
    %rev3A_2435 = tpu.iota {dimensions = array<i32: 0>} : vector<16xi32>
    %rev3A_2436 = arith.subi %rev3A_2434, %rev3A_2435 : vector<16xi32>
    %rev3A_2437 = tpu.dynamic_gather %neg3A_2432[%rev3A_2436] in [0] : vector<16xf32>, vector<16xi32> -> vector<16xf32>
    %rev3A_2438 = arith.constant 15 : i32
    %rev3A_2439 = vector.broadcast %rev3A_2438 : i32 to vector<16xi32>
    %rev3A_2440 = tpu.iota {dimensions = array<i32: 0>} : vector<16xi32>
    %rev3A_2441 = arith.subi %rev3A_2439, %rev3A_2440 : vector<16xi32>
    %rev3A_2442 = tpu.dynamic_gather %sort3A_2429[%rev3A_2441] in [0] : vector<16xi32>, vector<16xi32> -> vector<16xi32>
    %rev3A_2443 = arith.constant 15 : i32
    %rev3A_2444 = vector.broadcast %rev3A_2443 : i32 to vector<16xi32>
    %rev3A_2445 = tpu.iota {dimensions = array<i32: 0>} : vector<16xi32>
    %rev3A_2446 = arith.subi %rev3A_2444, %rev3A_2445 : vector<16xi32>
    %rev3A_2447 = tpu.dynamic_gather %neg3A_2418[%rev3A_2446] in [0] : vector<16xf32>, vector<16xi32> -> vector<16xf32>
    %rev3A_2448 = arith.constant 15 : i32
    %rev3A_2449 = vector.broadcast %rev3A_2448 : i32 to vector<16xi32>
    %rev3A_2450 = tpu.iota {dimensions = array<i32: 0>} : vector<16xi32>
    %rev3A_2451 = arith.subi %rev3A_2449, %rev3A_2450 : vector<16xi32>
    %rev3A_2452 = tpu.dynamic_gather %sort3A_2415[%rev3A_2451] in [0] : vector<16xi32>, vector<16xi32> -> vector<16xi32>
    %gt3A_2453 = arith.cmpf ogt, %neg3A_2343, %rev3A_2437 : vector<16xf32>
    %eq3A_2454 = arith.cmpf oeq, %neg3A_2343, %rev3A_2437 : vector<16xf32>
    %lt3A_2455 = arith.cmpi slt, %sort3A_2340, %rev3A_2442 : vector<16xi32>
    %and3A_2456 = arith.andi %eq3A_2454, %lt3A_2455 : vector<16xi1>
    %or3A_2457 = arith.ori %gt3A_2453, %and3A_2456 : vector<16xi1>
    %select_n3A_2458 = arith.select %or3A_2457, %neg3A_2343, %rev3A_2437 : vector<16xi1>, vector<16xf32>
    %select_n3A_2459 = arith.select %or3A_2457, %sort3A_2340, %rev3A_2442 : vector<16xi1>, vector<16xi32>
    %select_n3A_2460 = arith.select %or3A_2457, %rev3A_2437, %neg3A_2343 : vector<16xi1>, vector<16xf32>
    %select_n3A_2461 = arith.select %or3A_2457, %rev3A_2442, %sort3A_2340 : vector<16xi1>, vector<16xi32>
    %gt3A_2462 = arith.cmpf ogt, %neg3A_2357, %rev3A_2447 : vector<16xf32>
    %eq3A_2463 = arith.cmpf oeq, %neg3A_2357, %rev3A_2447 : vector<16xf32>
    %lt3A_2464 = arith.cmpi slt, %sort3A_2354, %rev3A_2452 : vector<16xi32>
    %and3A_2465 = arith.andi %eq3A_2463, %lt3A_2464 : vector<16xi1>
    %or3A_2466 = arith.ori %gt3A_2462, %and3A_2465 : vector<16xi1>
    %select_n3A_2467 = arith.select %or3A_2466, %neg3A_2357, %rev3A_2447 : vector<16xi1>, vector<16xf32>
    %select_n3A_2468 = arith.select %or3A_2466, %sort3A_2354, %rev3A_2452 : vector<16xi1>, vector<16xi32>
    %select_n3A_2469 = arith.select %or3A_2466, %rev3A_2447, %neg3A_2357 : vector<16xi1>, vector<16xf32>
    %select_n3A_2470 = arith.select %or3A_2466, %rev3A_2452, %sort3A_2354 : vector<16xi1>, vector<16xi32>
    %swap3A_2471 = arith.constant 0 : index
    %swap3A_2472 = tpu.vector_load %arg12[%swap3A_2471] {strides = array<i32>} : memref<32xi32, #tpu.memory_space<vmem>>, vector<16xi32>,
    tpu.vector_store %arg12[%swap3A_2471], %select_n3A_2459 {strides = array<i32>} : memref<32xi32, #tpu.memory_space<vmem>>, vector<16xi32>,
    %swap3A_2473 = arith.constant 16 : index
    %swap3A_2474 = tpu.vector_load %arg12[%swap3A_2473] {strides = array<i32>} : memref<32xi32, #tpu.memory_space<vmem>>, vector<16xi32>,
    tpu.vector_store %arg12[%swap3A_2473], %select_n3A_2468 {strides = array<i32>} : memref<32xi32, #tpu.memory_space<vmem>>, vector<16xi32>,
    %mul3A_2475 = arith.constant 2 : i32
    %mul3A_2476 = arith.muli %mul3A_2475, %add3A : i32
    %add3A_2477 = arith.constant 0 : i32
    %add3A_2478 = arith.addi %mul3A_2476, %add3A_2477 : i32
    %mul3A_2479 = arith.constant 4 : i32
    %mul3A_2480 = arith.muli %add3A_2478, %mul3A_2479 : i32
    %add3A_2481 = arith.constant 0 : i32
    %add3A_2482 = arith.addi %mul3A_2480, %add3A_2481 : i32
    %mul3A_2483 = arith.constant 4096 : i32
    %mul3A_2484 = arith.muli %add3A_2482, %mul3A_2483 : i32
    %add3A_2485 = vector.broadcast %mul3A_2484 : i32 to vector<16xi32>
    %add3A_2486 = arith.addi %select_n3A_2459, %add3A_2485 : vector<16xi32>
    %swap3A_2487 = arith.constant 0 : index
    %swap3A_2488 = tpu.vector_load %arg13[%swap3A_2487] {strides = array<i32>} : memref<128xi32, #tpu.memory_space<vmem>>, vector<16xi32>,
    tpu.vector_store %arg13[%swap3A_2487], %add3A_2486 {strides = array<i32>} : memref<128xi32, #tpu.memory_space<vmem>>, vector<16xi32>,
    %add3A_2489 = vector.broadcast %mul3A_2484 : i32 to vector<16xi32>
    %add3A_2490 = arith.addi %select_n3A_2468, %add3A_2489 : vector<16xi32>
    %swap3A_2491 = arith.constant 16 : index
    %swap3A_2492 = tpu.vector_load %arg13[%swap3A_2491] {strides = array<i32>} : memref<128xi32, #tpu.memory_space<vmem>>, vector<16xi32>,
    tpu.vector_store %arg13[%swap3A_2491], %add3A_2490 {strides = array<i32>} : memref<128xi32, #tpu.memory_space<vmem>>, vector<16xi32>,
    %mul3A_2493 = arith.constant 4 : i32
    %mul3A_2494 = arith.muli %add3A_2478, %mul3A_2493 : i32
    %add3A_2495 = arith.constant 1 : i32
    %add3A_2496 = arith.addi %mul3A_2494, %add3A_2495 : i32
    %mul3A_2497 = arith.constant 4096 : i32
    %mul3A_2498 = arith.muli %add3A_2496, %mul3A_2497 : i32
    %add3A_2499 = vector.broadcast %mul3A_2498 : i32 to vector<16xi32>
    %add3A_2500 = arith.addi %select_n3A_2459, %add3A_2499 : vector<16xi32>
    %swap3A_2501 = arith.constant 32 : index
    %swap3A_2502 = tpu.vector_load %arg13[%swap3A_2501] {strides = array<i32>} : memref<128xi32, #tpu.memory_space<vmem>>, vector<16xi32>,
    tpu.vector_store %arg13[%swap3A_2501], %add3A_2500 {strides = array<i32>} : memref<128xi32, #tpu.memory_space<vmem>>, vector<16xi32>,
    %add3A_2503 = vector.broadcast %mul3A_2498 : i32 to vector<16xi32>
    %add3A_2504 = arith.addi %select_n3A_2468, %add3A_2503 : vector<16xi32>
    %swap3A_2505 = arith.constant 48 : index
    %swap3A_2506 = tpu.vector_load %arg13[%swap3A_2505] {strides = array<i32>} : memref<128xi32, #tpu.memory_space<vmem>>, vector<16xi32>,
    tpu.vector_store %arg13[%swap3A_2505], %add3A_2504 {strides = array<i32>} : memref<128xi32, #tpu.memory_space<vmem>>, vector<16xi32>,
    %mul3A_2507 = arith.constant 4 : i32
    %mul3A_2508 = arith.muli %add3A_2478, %mul3A_2507 : i32
    %add3A_2509 = arith.constant 2 : i32
    %add3A_2510 = arith.addi %mul3A_2508, %add3A_2509 : i32
    %mul3A_2511 = arith.constant 4096 : i32
    %mul3A_2512 = arith.muli %add3A_2510, %mul3A_2511 : i32
    %add3A_2513 = vector.broadcast %mul3A_2512 : i32 to vector<16xi32>
    %add3A_2514 = arith.addi %select_n3A_2459, %add3A_2513 : vector<16xi32>
    %swap3A_2515 = arith.constant 64 : index
    %swap3A_2516 = tpu.vector_load %arg13[%swap3A_2515] {strides = array<i32>} : memref<128xi32, #tpu.memory_space<vmem>>, vector<16xi32>,
    tpu.vector_store %arg13[%swap3A_2515], %add3A_2514 {strides = array<i32>} : memref<128xi32, #tpu.memory_space<vmem>>, vector<16xi32>,
    %add3A_2517 = vector.broadcast %mul3A_2512 : i32 to vector<16xi32>
    %add3A_2518 = arith.addi %select_n3A_2468, %add3A_2517 : vector<16xi32>
    %swap3A_2519 = arith.constant 80 : index
    %swap3A_2520 = tpu.vector_load %arg13[%swap3A_2519] {strides = array<i32>} : memref<128xi32, #tpu.memory_space<vmem>>, vector<16xi32>,
    tpu.vector_store %arg13[%swap3A_2519], %add3A_2518 {strides = array<i32>} : memref<128xi32, #tpu.memory_space<vmem>>, vector<16xi32>,
    %mul3A_2521 = arith.constant 4 : i32
    %mul3A_2522 = arith.muli %add3A_2478, %mul3A_2521 : i32
    %add3A_2523 = arith.constant 3 : i32
    %add3A_2524 = arith.addi %mul3A_2522, %add3A_2523 : i32
    %mul3A_2525 = arith.constant 4096 : i32
    %mul3A_2526 = arith.muli %add3A_2524, %mul3A_2525 : i32
    %add3A_2527 = vector.broadcast %mul3A_2526 : i32 to vector<16xi32>
    %add3A_2528 = arith.addi %select_n3A_2459, %add3A_2527 : vector<16xi32>
    %swap3A_2529 = arith.constant 96 : index
    %swap3A_2530 = tpu.vector_load %arg13[%swap3A_2529] {strides = array<i32>} : memref<128xi32, #tpu.memory_space<vmem>>, vector<16xi32>,
    tpu.vector_store %arg13[%swap3A_2529], %add3A_2528 {strides = array<i32>} : memref<128xi32, #tpu.memory_space<vmem>>, vector<16xi32>,
    %add3A_2531 = vector.broadcast %mul3A_2526 : i32 to vector<16xi32>
    %add3A_2532 = arith.addi %select_n3A_2468, %add3A_2531 : vector<16xi32>
    %swap3A_2533 = arith.constant 112 : index
    %swap3A_2534 = tpu.vector_load %arg13[%swap3A_2533] {strides = array<i32>} : memref<128xi32, #tpu.memory_space<vmem>>, vector<16xi32>,
    tpu.vector_store %arg13[%swap3A_2533], %add3A_2532 {strides = array<i32>} : memref<128xi32, #tpu.memory_space<vmem>>, vector<16xi32>,
    %mul3A_2535 = arith.constant 2 : i32
    %mul3A_2536 = arith.muli %mul3A_2535, %add3A : i32
    %add3A_2537 = arith.constant 1 : i32
    %add3A_2538 = arith.addi %mul3A_2536, %add3A_2537 : i32
    %mul3A_2539 = arith.constant 4 : i32
    %mul3A_2540 = arith.muli %add3A_2538, %mul3A_2539 : i32
    %add3A_2541 = arith.constant 0 : i32
    %add3A_2542 = arith.addi %mul3A_2540, %add3A_2541 : i32
    %mul3A_2543 = arith.constant 4096 : i32
    %mul3A_2544 = arith.muli %add3A_2542, %mul3A_2543 : i32
    %add3A_2545 = vector.broadcast %mul3A_2544 : i32 to vector<16xi32>
    %add3A_2546 = arith.addi %select_n3A_2459, %add3A_2545 : vector<16xi32>
    %swap3A_2547 = arith.constant 0 : index
    %swap3A_2548 = tpu.vector_load %arg14[%swap3A_2547] {strides = array<i32>} : memref<128xi32, #tpu.memory_space<vmem>>, vector<16xi32>,
    tpu.vector_store %arg14[%swap3A_2547], %add3A_2546 {strides = array<i32>} : memref<128xi32, #tpu.memory_space<vmem>>, vector<16xi32>,
    %add3A_2549 = vector.broadcast %mul3A_2544 : i32 to vector<16xi32>
    %add3A_2550 = arith.addi %select_n3A_2468, %add3A_2549 : vector<16xi32>
    %swap3A_2551 = arith.constant 16 : index
    %swap3A_2552 = tpu.vector_load %arg14[%swap3A_2551] {strides = array<i32>} : memref<128xi32, #tpu.memory_space<vmem>>, vector<16xi32>,
    tpu.vector_store %arg14[%swap3A_2551], %add3A_2550 {strides = array<i32>} : memref<128xi32, #tpu.memory_space<vmem>>, vector<16xi32>,
    %mul3A_2553 = arith.constant 4 : i32
    %mul3A_2554 = arith.muli %add3A_2538, %mul3A_2553 : i32
    %add3A_2555 = arith.constant 1 : i32
    %add3A_2556 = arith.addi %mul3A_2554, %add3A_2555 : i32
    %mul3A_2557 = arith.constant 4096 : i32
    %mul3A_2558 = arith.muli %add3A_2556, %mul3A_2557 : i32
    %add3A_2559 = vector.broadcast %mul3A_2558 : i32 to vector<16xi32>
    %add3A_2560 = arith.addi %select_n3A_2459, %add3A_2559 : vector<16xi32>
    %swap3A_2561 = arith.constant 32 : index
    %swap3A_2562 = tpu.vector_load %arg14[%swap3A_2561] {strides = array<i32>} : memref<128xi32, #tpu.memory_space<vmem>>, vector<16xi32>,
    tpu.vector_store %arg14[%swap3A_2561], %add3A_2560 {strides = array<i32>} : memref<128xi32, #tpu.memory_space<vmem>>, vector<16xi32>,
    %add3A_2563 = vector.broadcast %mul3A_2558 : i32 to vector<16xi32>
    %add3A_2564 = arith.addi %select_n3A_2468, %add3A_2563 : vector<16xi32>
    %swap3A_2565 = arith.constant 48 : index
    %swap3A_2566 = tpu.vector_load %arg14[%swap3A_2565] {strides = array<i32>} : memref<128xi32, #tpu.memory_space<vmem>>, vector<16xi32>,
    tpu.vector_store %arg14[%swap3A_2565], %add3A_2564 {strides = array<i32>} : memref<128xi32, #tpu.memory_space<vmem>>, vector<16xi32>,
    %mul3A_2567 = arith.constant 4 : i32
    %mul3A_2568 = arith.muli %add3A_2538, %mul3A_2567 : i32
    %add3A_2569 = arith.constant 2 : i32
    %add3A_2570 = arith.addi %mul3A_2568, %add3A_2569 : i32
    %mul3A_2571 = arith.constant 4096 : i32
    %mul3A_2572 = arith.muli %add3A_2570, %mul3A_2571 : i32
    %add3A_2573 = vector.broadcast %mul3A_2572 : i32 to vector<16xi32>
    %add3A_2574 = arith.addi %select_n3A_2459, %add3A_2573 : vector<16xi32>
    %swap3A_2575 = arith.constant 64 : index
    %swap3A_2576 = tpu.vector_load %arg14[%swap3A_2575] {strides = array<i32>} : memref<128xi32, #tpu.memory_space<vmem>>, vector<16xi32>,
    tpu.vector_store %arg14[%swap3A_2575], %add3A_2574 {strides = array<i32>} : memref<128xi32, #tpu.memory_space<vmem>>, vector<16xi32>,
    %add3A_2577 = vector.broadcast %mul3A_2572 : i32 to vector<16xi32>
    %add3A_2578 = arith.addi %select_n3A_2468, %add3A_2577 : vector<16xi32>
    %swap3A_2579 = arith.constant 80 : index
    %swap3A_2580 = tpu.vector_load %arg14[%swap3A_2579] {strides = array<i32>} : memref<128xi32, #tpu.memory_space<vmem>>, vector<16xi32>,
    tpu.vector_store %arg14[%swap3A_2579], %add3A_2578 {strides = array<i32>} : memref<128xi32, #tpu.memory_space<vmem>>, vector<16xi32>,
    %mul3A_2581 = arith.constant 4 : i32
    %mul3A_2582 = arith.muli %add3A_2538, %mul3A_2581 : i32
    %add3A_2583 = arith.constant 3 : i32
    %add3A_2584 = arith.addi %mul3A_2582, %add3A_2583 : i32
    %mul3A_2585 = arith.constant 4096 : i32
    %mul3A_2586 = arith.muli %add3A_2584, %mul3A_2585 : i32
    %add3A_2587 = vector.broadcast %mul3A_2586 : i32 to vector<16xi32>
    %add3A_2588 = arith.addi %select_n3A_2459, %add3A_2587 : vector<16xi32>
    %swap3A_2589 = arith.constant 96 : index
    %swap3A_2590 = tpu.vector_load %arg14[%swap3A_2589] {strides = array<i32>} : memref<128xi32, #tpu.memory_space<vmem>>, vector<16xi32>,
    tpu.vector_store %arg14[%swap3A_2589], %add3A_2588 {strides = array<i32>} : memref<128xi32, #tpu.memory_space<vmem>>, vector<16xi32>,
    %add3A_2591 = vector.broadcast %mul3A_2586 : i32 to vector<16xi32>
    %add3A_2592 = arith.addi %select_n3A_2468, %add3A_2591 : vector<16xi32>
    %swap3A_2593 = arith.constant 112 : index
    %swap3A_2594 = tpu.vector_load %arg14[%swap3A_2593] {strides = array<i32>} : memref<128xi32, #tpu.memory_space<vmem>>, vector<16xi32>,
    tpu.vector_store %arg14[%swap3A_2593], %add3A_2592 {strides = array<i32>} : memref<128xi32, #tpu.memory_space<vmem>>, vector<16xi32>,
    %dma_start3A = arith.constant 0 : i32
    %dma_start3A_2595 = tpu.memref_slice %arg3[%dma_start3A] : memref<1048576xf32, #tpu.memory_space<hbm>> -> memref<1048576xf32, #tpu.memory_space<hbm>>
    tpu.enqueue_indirect_dma source(%dma_start3A_2595 : memref<1048576xf32, #tpu.memory_space<hbm>>) target(%arg15 : memref<128xf32, #tpu.memory_space<vmem>>) offsets(%arg13 : memref<128xi32, #tpu.memory_space<vmem>>) semaphore(%arg20 : memref<!tpu.dma_semaphore, #tpu.memory_space<semaphore_mem>>)
    %dma_start3A_2596 = arith.constant 0 : i32
    %dma_start3A_2597 = tpu.memref_slice %arg3[%dma_start3A_2596] : memref<1048576xf32, #tpu.memory_space<hbm>> -> memref<1048576xf32, #tpu.memory_space<hbm>>
    tpu.enqueue_indirect_dma source(%dma_start3A_2597 : memref<1048576xf32, #tpu.memory_space<hbm>>) target(%arg16 : memref<128xf32, #tpu.memory_space<vmem>>) offsets(%arg14 : memref<128xi32, #tpu.memory_space<vmem>>) semaphore(%arg20 : memref<!tpu.dma_semaphore, #tpu.memory_space<semaphore_mem>>)
    %lt3A_2598 = arith.constant 4 : i32
    %lt3A_2599 = arith.cmpi slt, %add3A, %lt3A_2598 : i32
    %convert_element_type3A = arith.extui %lt3A_2599 : i1 to i32
    %cond3A = arith.constant 0 : i32
    %cond3A_2600 = arith.cmpi ne, %convert_element_type3A, %cond3A : i32
    scf.if %cond3A_2600 {
      %mul3A_2702 = arith.constant 8 : i32
      %mul3A_2703 = arith.muli %mul3A_2702, %add3A : i32
      %dma_start3A_2704 = tpu.memref_slice %arg12[%mul3A_2703] : memref<32xi32, #tpu.memory_space<vmem>> -> memref<8xi32, #tpu.memory_space<vmem>>
      %dma_start3A_2705 = arith.constant 0 : i32
      %dma_start3A_2706 = arith.constant 0 : i32
      %dma_start3A_2707 = tpu.memref_slice %arg4[%dma_start3A_2705, %dma_start3A_2706] : memref<4096x1024xf32, #tpu.memory_space<hbm>> -> memref<4096x1024xf32, #tpu.memory_space<hbm>>
      tpu.enqueue_indirect_dma source(%dma_start3A_2707 : memref<4096x1024xf32, #tpu.memory_space<hbm>>) target(%arg19 : memref<8x1024xf32, #tpu.memory_space<vmem>>) offsets(%dma_start3A_2704 : memref<8xi32, #tpu.memory_space<vmem>>) semaphore(%arg21 : memref<!tpu.dma_semaphore, #tpu.memory_space<semaphore_mem>>)
    } else {
    }
    %mul3A_2601 = arith.constant 128 : i32
    %mul3A_2602 = arith.muli %add3A, %mul3A_2601 : i32
    %broadcast_in_dim3A_2603 = arith.constant 1.000000e+00 : f32
    %broadcast_in_dim3A_2604 = vector.broadcast %broadcast_in_dim3A_2603 : f32 to vector<16xf32>
    %ge3A = vector.broadcast %mul3A_2602 : i32 to vector<16xi32>
    %ge3A_2605 = arith.cmpi sge, %select_n3A_2459, %ge3A : vector<16xi32>
    %add3A_2606 = arith.constant 128 : i32
    %add3A_2607 = arith.addi %mul3A_2602, %add3A_2606 : i32
    %lt3A_2608 = vector.broadcast %add3A_2607 : i32 to vector<16xi32>
    %lt3A_2609 = arith.cmpi slt, %select_n3A_2459, %lt3A_2608 : vector<16xi32>
    %and3A_2610 = arith.andi %ge3A_2605, %lt3A_2609 : vector<16xi1>
    %sub3A = vector.broadcast %mul3A_2602 : i32 to vector<16xi32>
    %sub3A_2611 = arith.subi %select_n3A_2459, %sub3A : vector<16xi32>
    %jit3A = arith.constant 0 : i32
    %jit3A_2612 = arith.constant 127 : i32
    %max3A = vector.broadcast %jit3A : i32 to vector<16xi32>
    %max3A_2613 = arith.maxsi %max3A, %sub3A_2611 : vector<16xi32>
    %min3A = vector.broadcast %jit3A_2612 : i32 to vector<16xi32>
    %min3A_2614 = arith.minsi %min3A, %max3A_2613 : vector<16xi32>
    tpu.vector_store_idx %arg17[%min3A_2614], %broadcast_in_dim3A_2604 masked %and3A_2610 : memref<128xf32, #tpu.memory_space<vmem>>[vector<16xi32>], vector<16xf32>, vector<16xi1>
    %ge3A_2615 = vector.broadcast %mul3A_2602 : i32 to vector<16xi32>
    %ge3A_2616 = arith.cmpi sge, %select_n3A_2468, %ge3A_2615 : vector<16xi32>
    %add3A_2617 = arith.constant 128 : i32
    %add3A_2618 = arith.addi %mul3A_2602, %add3A_2617 : i32
    %lt3A_2619 = vector.broadcast %add3A_2618 : i32 to vector<16xi32>
    %lt3A_2620 = arith.cmpi slt, %select_n3A_2468, %lt3A_2619 : vector<16xi32>
    %and3A_2621 = arith.andi %ge3A_2616, %lt3A_2620 : vector<16xi1>
    %sub3A_2622 = vector.broadcast %mul3A_2602 : i32 to vector<16xi32>
    %sub3A_2623 = arith.subi %select_n3A_2468, %sub3A_2622 : vector<16xi32>
    %jit3A_2624 = arith.constant 0 : i32
    %jit3A_2625 = arith.constant 127 : i32
    %max3A_2626 = vector.broadcast %jit3A_2624 : i32 to vector<16xi32>
    %max3A_2627 = arith.maxsi %max3A_2626, %sub3A_2623 : vector<16xi32>
    %min3A_2628 = vector.broadcast %jit3A_2625 : i32 to vector<16xi32>
    %min3A_2629 = arith.minsi %min3A_2628, %max3A_2627 : vector<16xi32>
    tpu.vector_store_idx %arg17[%min3A_2629], %broadcast_in_dim3A_2604 masked %and3A_2621 : memref<128xf32, #tpu.memory_space<vmem>>[vector<16xi32>], vector<16xf32>, vector<16xi1>
    %dma_start3A_2630 = tpu.memref_slice %arg5[%mul3A_2602] : memref<4096xf32, #tpu.memory_space<hbm>> -> memref<128xf32, #tpu.memory_space<hbm>>
    %dma_start3A_2631 = tpu.memref_slice %arg5[%mul3A_2602] : memref<4096xf32, #tpu.memory_space<hbm>> -> memref<128xf32, #tpu.memory_space<hbm>>
    tpu.enqueue_dma source(%arg17 : memref<128xf32, #tpu.memory_space<vmem>>) target(%dma_start3A_2631 : memref<128xf32, #tpu.memory_space<hbm>>) target_semaphore(%arg22 : memref<!tpu.dma_semaphore, #tpu.memory_space<semaphore_mem>>)
    %dma_wait3A = arith.constant 0 : i32
    %dma_wait3A_2632 = tpu.memref_slice %arg3[%dma_wait3A] : memref<1048576xf32, #tpu.memory_space<hbm>> -> memref<1048576xf32, #tpu.memory_space<hbm>>
    tpu.wait_indirect_dma semaphore(%arg20 : memref<!tpu.dma_semaphore, #tpu.memory_space<semaphore_mem>>) src(%dma_wait3A_2632 : memref<1048576xf32, #tpu.memory_space<hbm>>) dst(%arg15 : memref<128xf32, #tpu.memory_space<vmem>>)
    %dma_wait3A_2633 = arith.constant 0 : i32
    %dma_wait3A_2634 = tpu.memref_slice %arg3[%dma_wait3A_2633] : memref<1048576xf32, #tpu.memory_space<hbm>> -> memref<1048576xf32, #tpu.memory_space<hbm>>
    tpu.wait_indirect_dma semaphore(%arg20 : memref<!tpu.dma_semaphore, #tpu.memory_space<semaphore_mem>>) src(%dma_wait3A_2634 : memref<1048576xf32, #tpu.memory_space<hbm>>) dst(%arg16 : memref<128xf32, #tpu.memory_space<vmem>>)
    %get3A_2635 = arith.constant 0 : index
    %get3A_2636 = tpu.vector_load %arg15[%get3A_2635] {strides = array<i32>} : memref<128xf32, #tpu.memory_space<vmem>>, vector<16xf32>,
    %get3A_2637 = arith.constant 32 : index
    %get3A_2638 = tpu.vector_load %arg15[%get3A_2637] {strides = array<i32>} : memref<128xf32, #tpu.memory_space<vmem>>, vector<16xf32>,
    %add3A_2639 = arith.addf %get3A_2636, %get3A_2638 : vector<16xf32>
    %get3A_2640 = arith.constant 64 : index
    %get3A_2641 = tpu.vector_load %arg15[%get3A_2640] {strides = array<i32>} : memref<128xf32, #tpu.memory_space<vmem>>, vector<16xf32>,
    %add3A_2642 = arith.addf %add3A_2639, %get3A_2641 : vector<16xf32>
    %get3A_2643 = arith.constant 96 : index
    %get3A_2644 = tpu.vector_load %arg15[%get3A_2643] {strides = array<i32>} : memref<128xf32, #tpu.memory_space<vmem>>, vector<16xf32>,
    %add3A_2645 = arith.addf %add3A_2642, %get3A_2644 : vector<16xf32>
    %swap3A_2646 = arith.constant 0 : index
    %swap3A_2647 = tpu.vector_load %arg18[%swap3A_2646] {strides = array<i32>} : memref<64xf32, #tpu.memory_space<vmem>>, vector<16xf32>,
    tpu.vector_store %arg18[%swap3A_2646], %add3A_2645 {strides = array<i32>} : memref<64xf32, #tpu.memory_space<vmem>>, vector<16xf32>,
    %get3A_2648 = arith.constant 16 : index
    %get3A_2649 = tpu.vector_load %arg15[%get3A_2648] {strides = array<i32>} : memref<128xf32, #tpu.memory_space<vmem>>, vector<16xf32>,
    %get3A_2650 = arith.constant 48 : index
    %get3A_2651 = tpu.vector_load %arg15[%get3A_2650] {strides = array<i32>} : memref<128xf32, #tpu.memory_space<vmem>>, vector<16xf32>,
    %add3A_2652 = arith.addf %get3A_2649, %get3A_2651 : vector<16xf32>
    %get3A_2653 = arith.constant 80 : index
    %get3A_2654 = tpu.vector_load %arg15[%get3A_2653] {strides = array<i32>} : memref<128xf32, #tpu.memory_space<vmem>>, vector<16xf32>,
    %add3A_2655 = arith.addf %add3A_2652, %get3A_2654 : vector<16xf32>
    %get3A_2656 = arith.constant 112 : index
    %get3A_2657 = tpu.vector_load %arg15[%get3A_2656] {strides = array<i32>} : memref<128xf32, #tpu.memory_space<vmem>>, vector<16xf32>,
    %add3A_2658 = arith.addf %add3A_2655, %get3A_2657 : vector<16xf32>
    %swap3A_2659 = arith.constant 16 : index
    %swap3A_2660 = tpu.vector_load %arg18[%swap3A_2659] {strides = array<i32>} : memref<64xf32, #tpu.memory_space<vmem>>, vector<16xf32>,
    tpu.vector_store %arg18[%swap3A_2659], %add3A_2658 {strides = array<i32>} : memref<64xf32, #tpu.memory_space<vmem>>, vector<16xf32>,
    %get3A_2661 = arith.constant 0 : index
    %get3A_2662 = tpu.vector_load %arg16[%get3A_2661] {strides = array<i32>} : memref<128xf32, #tpu.memory_space<vmem>>, vector<16xf32>,
    %get3A_2663 = arith.constant 32 : index
    %get3A_2664 = tpu.vector_load %arg16[%get3A_2663] {strides = array<i32>} : memref<128xf32, #tpu.memory_space<vmem>>, vector<16xf32>,
    %add3A_2665 = arith.addf %get3A_2662, %get3A_2664 : vector<16xf32>
    %get3A_2666 = arith.constant 64 : index
    %get3A_2667 = tpu.vector_load %arg16[%get3A_2666] {strides = array<i32>} : memref<128xf32, #tpu.memory_space<vmem>>, vector<16xf32>,
    %add3A_2668 = arith.addf %add3A_2665, %get3A_2667 : vector<16xf32>
    %get3A_2669 = arith.constant 96 : index
    %get3A_2670 = tpu.vector_load %arg16[%get3A_2669] {strides = array<i32>} : memref<128xf32, #tpu.memory_space<vmem>>, vector<16xf32>,
    %add3A_2671 = arith.addf %add3A_2668, %get3A_2670 : vector<16xf32>
    %swap3A_2672 = arith.constant 32 : index
    %swap3A_2673 = tpu.vector_load %arg18[%swap3A_2672] {strides = array<i32>} : memref<64xf32, #tpu.memory_space<vmem>>, vector<16xf32>,
    tpu.vector_store %arg18[%swap3A_2672], %add3A_2671 {strides = array<i32>} : memref<64xf32, #tpu.memory_space<vmem>>, vector<16xf32>,
    %get3A_2674 = arith.constant 16 : index
    %get3A_2675 = tpu.vector_load %arg16[%get3A_2674] {strides = array<i32>} : memref<128xf32, #tpu.memory_space<vmem>>, vector<16xf32>,
    %get3A_2676 = arith.constant 48 : index
    %get3A_2677 = tpu.vector_load %arg16[%get3A_2676] {strides = array<i32>} : memref<128xf32, #tpu.memory_space<vmem>>, vector<16xf32>,
    %add3A_2678 = arith.addf %get3A_2675, %get3A_2677 : vector<16xf32>
    %get3A_2679 = arith.constant 80 : index
    %get3A_2680 = tpu.vector_load %arg16[%get3A_2679] {strides = array<i32>} : memref<128xf32, #tpu.memory_space<vmem>>, vector<16xf32>,
    %add3A_2681 = arith.addf %add3A_2678, %get3A_2680 : vector<16xf32>
    %get3A_2682 = arith.constant 112 : index
    %get3A_2683 = tpu.vector_load %arg16[%get3A_2682] {strides = array<i32>} : memref<128xf32, #tpu.memory_space<vmem>>, vector<16xf32>,
    %add3A_2684 = arith.addf %add3A_2681, %get3A_2683 : vector<16xf32>
    %swap3A_2685 = arith.constant 48 : index
    %swap3A_2686 = tpu.vector_load %arg18[%swap3A_2685] {strides = array<i32>} : memref<64xf32, #tpu.memory_space<vmem>>, vector<16xf32>,
    tpu.vector_store %arg18[%swap3A_2685], %add3A_2684 {strides = array<i32>} : memref<64xf32, #tpu.memory_space<vmem>>, vector<16xf32>,
    %mul3A_2687 = arith.constant 2 : i32
    %mul3A_2688 = arith.muli %mul3A_2687, %add3A : i32
    %mul3A_2689 = arith.constant 32 : i32
    %mul3A_2690 = arith.muli %mul3A_2688, %mul3A_2689 : i32
    %dma_start3A_2691 = tpu.memref_slice %arg6[%mul3A_2690] : memref<2048xf32, #tpu.memory_space<hbm>> -> memref<64xf32, #tpu.memory_space<hbm>>
    %dma_start3A_2692 = tpu.memref_slice %arg6[%mul3A_2690] : memref<2048xf32, #tpu.memory_space<hbm>> -> memref<64xf32, #tpu.memory_space<hbm>>
    tpu.enqueue_dma source(%arg18 : memref<64xf32, #tpu.memory_space<vmem>>) target(%dma_start3A_2692 : memref<64xf32, #tpu.memory_space<hbm>>) target_semaphore(%arg22 : memref<!tpu.dma_semaphore, #tpu.memory_space<semaphore_mem>>)
    %dma_wait3A_2693 = tpu.memref_slice %arg5[%mul3A_2602] : memref<4096xf32, #tpu.memory_space<hbm>> -> memref<128xf32, #tpu.memory_space<hbm>>
    %dma_wait3A_2694 = tpu.memref_slice %arg5[%mul3A_2602] : memref<4096xf32, #tpu.memory_space<hbm>> -> memref<128xf32, #tpu.memory_space<hbm>>
    tpu.wait_dma2 semaphore(%arg22 : memref<!tpu.dma_semaphore, #tpu.memory_space<semaphore_mem>>) src(%arg17 : memref<128xf32, #tpu.memory_space<vmem>>) dst(%dma_wait3A_2694 : memref<128xf32, #tpu.memory_space<hbm>>)
    %dma_wait3A_2695 = tpu.memref_slice %arg6[%mul3A_2690] : memref<2048xf32, #tpu.memory_space<hbm>> -> memref<64xf32, #tpu.memory_space<hbm>>
    %dma_wait3A_2696 = tpu.memref_slice %arg6[%mul3A_2690] : memref<2048xf32, #tpu.memory_space<hbm>> -> memref<64xf32, #tpu.memory_space<hbm>>
    tpu.wait_dma2 semaphore(%arg22 : memref<!tpu.dma_semaphore, #tpu.memory_space<semaphore_mem>>) src(%arg18 : memref<64xf32, #tpu.memory_space<vmem>>) dst(%dma_wait3A_2696 : memref<64xf32, #tpu.memory_space<hbm>>)
    %lt3A_2697 = arith.constant 4 : i32
    %lt3A_2698 = arith.cmpi slt, %add3A, %lt3A_2697 : i32
    %convert_element_type3A_2699 = arith.extui %lt3A_2698 : i1 to i32
    %cond3A_2700 = arith.constant 0 : i32
    %cond3A_2701 = arith.cmpi ne, %convert_element_type3A_2699, %cond3A_2700 : i32
    scf.if %cond3A_2701 {
      %dma_wait3A_2702 = arith.constant 0 : i32
      %dma_wait3A_2703 = arith.constant 0 : i32
      %dma_wait3A_2704 = tpu.memref_slice %arg4[%dma_wait3A_2702, %dma_wait3A_2703] : memref<4096x1024xf32, #tpu.memory_space<hbm>> -> memref<8x1024xf32, #tpu.memory_space<hbm>>
      %dma_wait3A_2705 = arith.constant 0 : i32
      %dma_wait3A_2706 = arith.constant 0 : i32
      %dma_wait3A_2707 = tpu.memref_slice %arg4[%dma_wait3A_2705, %dma_wait3A_2706] : memref<4096x1024xf32, #tpu.memory_space<hbm>> -> memref<8x1024xf32, #tpu.memory_space<hbm>>
      tpu.wait_dma2 semaphore(%arg21 : memref<!tpu.dma_semaphore, #tpu.memory_space<semaphore_mem>>) src(%dma_wait3A_2707 : memref<8x1024xf32, #tpu.memory_space<hbm>>) dst(%arg19 : memref<8x1024xf32, #tpu.memory_space<vmem>>)
      %mul3A_2708 = arith.constant 8 : i32
      %mul3A_2709 = arith.muli %mul3A_2708, %add3A : i32
      "tpu.region"() ({
        %run_scoped3A = tpu.sem_alloc : memref<!tpu.dma_semaphore, #tpu.memory_space<semaphore_mem>>
        %dma_start3A_2710 = arith.constant 0 : i32
        %dma_start3A_2711 = tpu.memref_slice %arg7[%mul3A_2709, %dma_start3A_2710] : memref<32x1024xf32, #tpu.memory_space<hbm>> -> memref<8x1024xf32, #tpu.memory_space<hbm>>
        %dma_start3A_2712 = arith.constant 0 : i32
        %dma_start3A_2713 = tpu.memref_slice %arg7[%mul3A_2709, %dma_start3A_2712] : memref<32x1024xf32, #tpu.memory_space<hbm>> -> memref<8x1024xf32, #tpu.memory_space<hbm>>
        tpu.enqueue_dma source(%arg19 : memref<8x1024xf32, #tpu.memory_space<vmem>>) target(%dma_start3A_2713 : memref<8x1024xf32, #tpu.memory_space<hbm>>) target_semaphore(%run_scoped3A : memref<!tpu.dma_semaphore, #tpu.memory_space<semaphore_mem>>)
        %dma_wait3A_2714 = arith.constant 0 : i32
        %dma_wait3A_2715 = tpu.memref_slice %arg7[%mul3A_2709, %dma_wait3A_2714] : memref<32x1024xf32, #tpu.memory_space<hbm>> -> memref<8x1024xf32, #tpu.memory_space<hbm>>
        %dma_wait3A_2716 = arith.constant 0 : i32
        %dma_wait3A_2717 = tpu.memref_slice %arg7[%mul3A_2709, %dma_wait3A_2716] : memref<32x1024xf32, #tpu.memory_space<hbm>> -> memref<8x1024xf32, #tpu.memory_space<hbm>>
        tpu.wait_dma2 semaphore(%run_scoped3A : memref<!tpu.dma_semaphore, #tpu.memory_space<semaphore_mem>>) src(%arg19 : memref<8x1024xf32, #tpu.memory_space<vmem>>) dst(%dma_wait3A_2717 : memref<8x1024xf32, #tpu.memory_space<hbm>>)
        tpu.yield
      }) : () -> ()
    } else {
    }
    return
  }
}

</mosaic_0001>

<sc_bundles>
// kernel: _sc_stage.3.cloned.1.call-start
scs
__scs_entry_jumppad:
0x0: {  	(pc) =	sbr.rel $0x88, $3  }
0x1: {  	(tag) =	ssettag $0x0;
	lr =	simm.s32 $0x1  }
0x2: {  	[smem:$0x3F9E] =	sst lr;
	_ =	strace $0xD0000000  }
0x3: {  	_ = 	snop  }
0x4: {  	_ = 	snop  }
0x5: {  	_ = 	snop  }
0x6: {  	_ = 	snop  }
0x7: {  	_ = 	snop  }
__scs_overlays_trampoline_lowered:
0x8: {  	[smem:$0x3FAD] =	sst s0  }
0x9: {  	[smem:$0x3FAE] =	sst s1  }
0xa: {  	[smem:$0x3FAF] =	sst s2  }
0xb: {  	[smem:$0x3FB0] =	sst s3  }
0xc: {  	[smem:$0x3FB1] =	sst s4  }
0xd: {  	[smem:$0x3FB2] =	sst s5  }
0xe: {  	[smem:$0x3FB3] =	sst s6  }
0xf: {  	[smem:$0x3FB4] =	sst s7  }
0x10: {  	[smem:$0x3FB5] =	sst s8  }
0x11: {  	[smem:$0x3FB6] =	sst s9;
	s0 =	simm.s32 @!p0 $0x0  }
0x12: {  	s1 =	sld [smem:$0x3F9C];
	s0 =	simm.s32 @p0 $0x1  }
0x13: {  	[smem:$0x3FB7] =	sst s0;
	s0 =	simm.s32 @!p1 $0x0  }
0x14: {  	s2 =	sld [smem:$0x3F9B];
	s0 =	simm.s32 @p1 $0x1  }
0x15: {  	[smem:$0x3FB8] =	sst s0;
	s0 =	simm.s32 @!p2 $0x0  }
0x16: {  	s3 =	sld [smem:$0x3FDB];
	s0 =	simm.s32 @p2 $0x1  }
0x17: {  	s4 =	simm.s32 $0x1BF5;
	[smem:$0x3FBA] =	sst s0  }
0x18: {  	s0 =	sld [smem:$0x3F9D];
	_ =	swait.ge [sflag:s4], $0x0  }
0x19: {  	s7 =	sld [smem:$0x3F9E]  }
0x1a: {  	s8 =	sadd.s32 $0xFFFFE003, lr  }
0x1b: {  	s9 =	sadd.s32 $0xFFFFFEF7, lr;
	s5 =	simm.s32 $0xFFFFFFFF;
	p2 =	slt.u32 s8, $0xFFFFF086  }
0x1c: {  	p1 =	slt.u32 s9, $0xF7A;
	s5 =	simm.s32 @!p2 $0x0  }
0x1d: {  	s5 =	simm.s32 @p1 $0x1;
	p0 =	seq.s32 s7, s2  }
0x1e: {  	s7 =	smul.u32 @!p0 $0xF7A, s2;
	p2 =	seq.s32 @!p0 s5, $0x0  }
0x1f: {  	s9 =	smul.u32 $0xF7A, s1;
	s8 =	simm.s32 @!p0 $0x1BF5;
	p2 =	por !p2, p0  }
0x20: {  	[sflag:s8] =	ssyncset.s32 @!p0 $0xFFFFF086;
	s6 =	sadd.s32 @!p0 s3, s7;
	s7 =	simm.s32 @!p0 $0x108  }
0x21: {  	s3 =	sadd.s32 s3, s9;
	s6 =	sadd.s32 @!p0 $0x88, s6;
	s7 =	simm.s32 @p2 $0x1082  }
0x22: {  	[simem:s7], [sflag:s8] =	dma.local @!p0 [hbm:s6], $0xF7A  }
0x23: {  	s9 =	sor.u32 $0xD0000000, s2;
	s6 =	simm.s32 $0x108;
	_ =	swait.ge @!p0 [sflag:s8], $0x0  }
0x24: {  	s3 =	sadd.s32 $0x88, s3;
	s6 =	simm.s32 @!p1 $0x1082;
	[sflag:s4] =	ssyncset.s32 $0xFFFFF086  }
0x25: {  	[simem:s6], [sflag:s4] =	dma.local [hbm:s3], $0xF7A  }
0x26: {  	[smem:$0x3F9E] =	sst s1;
	(tag) =	ssettag s2;
	_ =	strace s9  }
0x27: {  	s1 =	sld [smem:$0x3FAE]  }
0x28: {  	s2 =	sld [smem:$0x3FAF]  }
0x29: {  	s4 =	sld [smem:$0x3FB1]  }
0x2a: {  	p0 =	seq.s32 s5, $0x0;
	s5 =	sld [smem:$0x3FB2]  }
0x2b: {  	s6 =	sld [smem:$0x3FB3]  }
0x2c: {  	s7 =	sld [smem:$0x3FB4]  }
0x2d: {  	s3 =	simm.s32 $0x108;
	s8 =	sld [smem:$0x3FB5]  }
0x2e: {  	s3 =	simm.s32 @!p0 $0x1082;
	s9 =	sld [smem:$0x3FB6]  }
0x2f: {  	lr =	sadd.s32 s0, s3;
	s0 =	sld [smem:$0x3FAD]  }
0x30: {  	s3 =	sld [smem:$0x3FB0]  }
0x31: {  	[smem:$0x3FB9] =	sst s10  }
0x32: {  	s10 =	sld [smem:$0x3FB7];
	_ =	sdelay $0x3  }
0x33: {  	p0 =	seq.s32 s10, $0x1;
	s10 =	sld [smem:$0x3FB9];
	_ =	sdelay $0x3  }
0x34: {  	[smem:$0x3FB9] =	sst s10  }
0x35: {  	s10 =	sld [smem:$0x3FB8];
	_ =	sdelay $0x3  }
0x36: {  	p1 =	seq.s32 s10, $0x1;
	s10 =	sld [smem:$0x3FB9];
	_ =	sdelay $0x3  }
0x37: {  	[smem:$0x3FB9] =	sst s10  }
0x38: {  	s10 =	sld [smem:$0x3FBA]  }
0x39: {  	_ = 	snop;
	(pc) =	sbr.ind lr, $3  }
0x3a: {  	_ = 	snop  }
0x3b: {  	_ = 	snop  }
0x3c: {  	p2 =	seq.s32 s10, $0x1;
	s10 =	sld [smem:$0x3FB9]  }
0x3d: {  	_ =	shalt  }
0x3e: {  	_ =	shalt  }
0x3f: {  	_ =	shalt  }
0x40: {  	_ =	shalt  }
0x41: {  	_ =	shalt  }
0x42: {  	_ =	shalt  }
0x43: {  	_ =	shalt  }
0x44: {  	_ =	shalt  }
0x45: {  	_ =	shalt  }
0x46: {  	_ =	shalt  }
0x47: {  	_ =	shalt  }
0x48: {  	_ =	shalt  }
0x49: {  	_ =	shalt  }
0x4a: {  	_ =	shalt  }
0x4b: {  	_ =	shalt  }
0x4c: {  	_ =	shalt  }
0x4d: {  	_ =	shalt  }
0x4e: {  	_ =	shalt  }
0x4f: {  	_ =	shalt  }
0x50: {  	_ =	shalt  }
0x51: {  	_ =	shalt  }
0x52: {  	_ =	shalt  }
0x53: {  	_ =	shalt  }
0x54: {  	_ =	shalt  }
0x55: {  	_ =	shalt  }
0x56: {  	_ =	shalt  }
0x57: {  	_ =	shalt  }
0x58: {  	_ =	shalt  }
0x59: {  	_ =	shalt  }
0x5a: {  	_ =	shalt  }
0x5b: {  	_ =	shalt  }
0x5c: {  	_ =	shalt  }
0x5d: {  	_ =	shalt  }
0x5e: {  	_ =	shalt  }
0x5f: {  	_ =	shalt  }
0x60: {  	_ =	shalt  }
0x61: {  	_ =	shalt  }
0x62: {  	_ =	shalt  }
0x63: {  	_ =	shalt  }
0x64: {  	_ =	shalt  }
0x65: {  	_ =	shalt  }
0x66: {  	_ =	shalt  }
0x67: {  	_ =	shalt  }
0x68: {  	_ =	shalt  }
0x69: {  	_ =	shalt  }
0x6a: {  	_ =	shalt  }
0x6b: {  	_ =	shalt  }
0x6c: {  	_ =	shalt  }
0x6d: {  	_ =	shalt  }
0x6e: {  	_ =	shalt  }
0x6f: {  	_ =	shalt  }
0x70: {  	_ =	shalt  }
0x71: {  	_ =	shalt  }
0x72: {  	_ =	shalt  }
0x73: {  	_ =	shalt  }
0x74: {  	_ =	shalt  }
0x75: {  	_ =	shalt  }
0x76: {  	_ =	shalt  }
0x77: {  	_ =	shalt  }
0x78: {  	_ =	shalt  }
0x79: {  	_ =	shalt  }
0x7a: {  	_ =	shalt  }
0x7b: {  	_ =	shalt  }
0x7c: {  	_ =	shalt  }
0x7d: {  	_ =	shalt  }
0x7e: {  	_ =	shalt  }
0x7f: {  	_ =	shalt  }
0x80: {  	_ =	shalt  }
0x81: {  	_ =	shalt  }
0x82: {  	_ =	shalt  }
0x83: {  	_ =	shalt  }
0x84: {  	_ =	shalt  }
0x85: {  	_ =	shalt  }
0x86: {  	_ =	shalt  }
0x87: {  	_ =	shalt  }
.Lfunc_end0:
.L_simem_size_0:
called_computation_lowered:
.L_overlay_start_0:
0x88: {  	s2 =	sld [smem:$0x3FD9]  }
0x89: {  	s3 =	sld [smem:$0x3FFE];
	_ =	sdelay $0x1  }
0x8a: {  	s1 =	srdreg.scid  }
0x8b: {  	s0 =	sand.u32 $0x1, s1  }
0x8c: {  	s15 =	sshll.u32 s0, $0xA;
	s2 =	sadd.s32 s3, s2  }
0x8d: {  	s2 =	sadd.s32 s2, s15  }
0x8e: {  	[smem:$0x3FC5] =	sst s2  }
0x8f: {  	_ = 	snop  }
0x90: {  	s2 =	sld [smem:$0x3FD0]  }
0x91: {  	s16 =	sld [smem:$0x3FC9]  }
0x92: {  	s4 =	sld [smem:$0x3FC8]  }
0x93: {  	s6 =	simm.s32 $0xA;
	s7 =	simm.s32 $0x10;
	s5 =	sld [smem:$0x3FC7]  }
0x94: {  	[smem:s7], [sflag:s6] =	dma.local [hbm:s2], $0x1  }
0x95: {  	_ =	swait.eq [sflag:s6], $0x1  }
0x96: {  	s17 =	sld [smem:$0x10];
	[sflag:s6] =	ssyncset.done $0x0  }
0x97: {  	s18 =	sld [smem:$0x11];
	[sflag:s6] =	ssyncadd.s32 $0xFFFFFFFF  }
0x98: {  	s19 =	sld [smem:$0x12];
	(tm) =	ssettm $0x1  }
0x99: {  	s8 =	sld [smem:$0x3FFB];
	_ =	sdelay $0x3  }
0x9a: {  	_ =	strace s8  }
0x9b: {  	s8 =	sld [smem:$0x3FFC];
	_ =	sdelay $0x3  }
0x9c: {  	_ =	strace s8  }
0x9d: {  	s8 =	sld [smem:$0x3FFD];
	_ =	sdelay $0x3  }
0x9e: {  	_ =	strace s8  }
0x9f: {  	_ =	strace $0x8FFFFFFF  }
0xa0: {  	s20 =	sld [smem:$0x3FDB];
	_ =	sdelay $0x1  }
0xa1: {  	s9 =	simm.s32 $_scs_section_size  }
0xa2: {  	s10 =	simm.s32 $_size__tile_overlayer_lowered;
	s11 =	simm.s32 $_tile_overlayer_lowered  }
0xa3: {  	s23 =	simm.s32 $0x1BFF;
	s22 =	sshll.u32 s11, $0x1;
	s8 =	sadd.s32 s9, s20  }
0xa4: {  	s12 =	simm.s32 $0x0;
	s21 =	sshll.u32 s10, $0x1;
	s10 =	sadd.s32 s22, s8  }
0xa5: {  	[timem:s12], [sflag:s23] =	dma.local [hbm:s10], s21  }
0xa6: {  	_ =	swait.ge [sflag:s23], s21  }
0xa7: {  	s9 =	ssub.s32 $0x0, s21;
	[sflag:s23] =	ssyncset.done $0x0  }
0xa8: {  	[sflag:s23] =	ssyncadd.s32 s9;
	_ =	sdelay $0x1  }
0xa9: {  	s24 =	simm.s32 $0x1B8B  }
0xaa: {  	_ =	swait.ge [sflag:s24], $0x1  }
0xab: {  	[sflag:s24] =	ssyncset.done $0x0  }
0xac: {  	s25 =	simm.s32 $0x1B8E;
	[sflag:s24] =	ssyncadd.s32 $0xFFFFFFFF  }
0xad: {  	s26 =	simm.s32 $execute0_lowered;
	[smem:$0x3FD2] =	sst s25  }
0xae: {  	s9 =	sshll.u32 s26, $0x1;
	_ =	strace $0x80000046;
	[dreg:$0x1] =	wrdreg $0xFFFFFFFF  }
0xaf: {  	s28 =	simm.s32 $_size_execute0_lowered;
	s8 =	sadd.s32 s8, s9;
	[dreg:$0x0] =	wrdreg $0x0  }
0xb0: {  	s9 =	sshll.u32 s28, $0x1;
	[dreg:$0x2] =	wrdreg s8  }
0xb1: {  	[dreg:$0x3] =	wrdreg s9  }
0xb2: {  	[dreg:$0x4] =	wrdreg $0xC0  }
0xb3: {  	_ =	task [dreg:s12], $0x5FFFF  }
0xb4: {  	[dreg:$0x1] =	wrdreg $0xFFFFFFFF  }
0xb5: {  	[dreg:$0x0] =	wrdreg $0x60  }
0xb6: {  	[dreg:$0x2] =	wrdreg s16  }
0xb7: {  	[dreg:$0x3] =	wrdreg s4  }
0xb8: {  	[dreg:$0x4] =	wrdreg s5  }
0xb9: {  	[dreg:$0x5] =	wrdreg s17  }
0xba: {  	[dreg:$0x6] =	wrdreg s18  }
0xbb: {  	[dreg:$0x7] =	wrdreg s19  }
0xbc: {  	[dreg:$0x8] =	wrdreg $0x1800  }
0xbd: {  	[dreg:$0x9] =	wrdreg $0x9  }
0xbe: {  	_ =	task.clear_ibuf [dreg:s12], $0xAFFFF;
	_ =	strace $0x90000046  }
0xbf: {  	s29 =	simm.s32 $0x9;
	_ =	strace $0x80000048  }
0xc0: {  	_ =	swait.ge [sflag:s29], $0x1  }
0xc1: {  	[sflag:s29] =	ssyncadd.s32 $0xFFFFFFFF  }
0xc2: {  	_ =	strace $0x90000048  }
0xc3: {  	_ =	sfence  }
0xc4: {  	s30 =	sld [smem:$0x0];
	_ =	sdelay $0x2  }
0xc5: {  	s31 =	sshll.u32 s1, $0xD;
	s1 =	sshrl.u32 s1, $0x2  }
0xc6: {  	s3 =	sand.u32 $0x4000, s31;
	s1 =	sadd.s32 s1, s30  }
0xc7: {  	s0 =	sor.u32 s3, s0;
	s1 =	sshll.u32 s1, $0x11  }
0xc8: {  	s0 =	sor.u32 s1, s0  }
0xc9: {  	s0 =	sadd.s32 $0x8F2B, s0  }
0xca: {  	[sflag:s0] =	ssyncadd.remote.s32 $0x1  }
0xcb: {  	_ =	sfence.sel $0xFFFF  }
0xcc: {  	[dreg:$0x0] =	wrdreg $0xFFFFFFFF;
	(pc) =	sbr.abs _section_cstart, $3  }
0xcd: {  	[dreg:$0x1] =	wrdreg $0xFFFFFFFF  }
0xce: {  	_ =	task.clear_ibuf [dreg:s12], $0x2FFFF;
	_ =	strace $0x9FFFFFFF  }
0xcf: {  	(tm) =	ssettm $0x7FFFFFFF  }
tec
execute0_lowered:
.L_overlay_start_1:
0x0: {  	(tag) =	ssettag $0x1  }
0x1: {  	s6 =	rddreg [dreg:$0x0]  }
0x2: {  	s0 =	rddreg [dreg:$0x1]  }
0x3: {  	s2 =	rddreg [dreg:$0x2]  }
0x4: {  	s10 =	rddreg [dreg:$0x3]  }
0x5: {  	s11 =	rddreg [dreg:$0x4]  }
0x6: {  	s12 =	rddreg [dreg:$0x5]  }
0x7: {  	s3 =	rddreg [dreg:$0x6];
	s4 =	srdreg.scid;
	s5 =	simm.s32 $0x0  }
0x8: {  	s1 =	stileid.u32;
	s7 =	sand.u32 $0x1, s4;
	[smem:$0x7FF] =	sst s5  }
0x9: {  	s14 =	sshll.u32 s1, $0x5;
	s28 =	sshll.u32 s1, $0x1;
	s30 =	sshll.u32 s1, $0x8  }
0xa: {  	s8 =	ssub.s32 $0x2, s7;
	_ =	strace $0x80000047;
	s6 =	sadd.s32 s6, s14  }
0xb: {  	s14 =	sor.u32 s7, s28;
	s31 =	sor.u32 $0x10, s30;
	s1 =	sor.u32 $0x20, s30  }
0xc: {  	s4 =	sor.u32 $0x30, s30;
	s15 =	sor.u32 $0x40, s30;
	s16 =	sor.u32 $0x50, s30  }
0xd: {  	s17 =	sor.u32 $0x60, s30;
	s18 =	sor.u32 $0x70, s30;
	s19 =	sor.u32 $0x80, s30  }
0xe: {  	s20 =	sor.u32 $0x90, s30;
	s21 =	sor.u32 $0xA0, s30;
	s22 =	sor.u32 $0xB0, s30  }
0xf: {  	s23 =	sshrl.u32 s30, $0x2;
	s24 =	sor.u32 $0xC0, s30;
	s25 =	sor.u32 $0xD0, s30  }
0x10: {  	s28 =	sor.u32 $0xF0, s30;
	s7 =	sadd.s32 $0x100, s2;
	s9 =	sshrl.u32 s8, $0x1  }
0x11: {  	v24 =	vlaneseq.u32;
	[dreg:$0x8] =	wrdreg s6;
	s23 =	sadd.s32 s23, s3;
	s26 =	sshll.u32 s14, $0xF  }
0x12: {  	s6 =	sshll.u32 s14, $0x3;
	v9 =	vor.u32 s20, v24;
	s20 =	sshll.u32 s14, $0x7;
	v12 =	vor.u32 s24, v24;
	s24 =	sshll.u32 s14, $0x4  }
0x13: {  	v4 =	vor.u32 s15, v24;
	v5 =	vor.u32 s16, v24;
	s14 =	sshll.u32 s14, $0xA;
	s15 =	simm.s32 $0x100;
	s16 =	simm.s32 $0x1C0  }
0x14: {  	v7 =	vor.u32 s18, v24;
	v8 =	vor.u32 s19, v24;
	v10 =	vor.u32 s21, v24;
	s18 =	simm.s32 $0x640;
	s19 =	simm.s32 $0x740;
	s21 =	simm.s32 $0x7C0  }
0x15: {  	v13 =	vor.u32 s25, v24;
	s25 =	simm.s32 $0x3;
	s13 =	ssub.s32 s8, s9;
	[dreg:$0x9] =	wrdreg s23  }
0x16: {  	v27 =	vmul.u32 $0xFFFFFFFF, v24;
	v0 =	vor.u32 s30, v24;
	s23 =	sor.u32 $0xE0, s30;
	s29 =	sor.u32 $0x1000, s26;
	s30 =	sor.u32 $0x2000, s26  }
0x17: {  	[tilespmem:$0x1FFE0] =	vst v0;
	v0 =	vor.u32 s31, v24;
	v2 =	vor.u32 s1, v24;
	v3 =	vor.u32 s4, v24;
	s31 =	sor.u32 $0x3000, s26;
	s1 =	sor.u32 $0x4000, s26;
	s4 =	sor.u32 $0x5000, s26  }
0x18: {  	v26 =	vimm.f32 $0.0e+00;
	v28 =	vimm.f32 $1.000000000e+00;
	v6 =	vor.u32 s17, v24;
	s17 =	sor.u32 $0x6000, s26;
	s3 =	sor.u32 $0x7000, s26;
	s8 =	sadd.s32 $0x200, s2  }
0x19: {  	v11 =	vor.u32 s22, v24;
	v15 =	vor.u32 s28, v24;
	v27 =	vadd.s32 $0xF, v27;
	s9 =	sadd.s32 $0x300, s2;
	s22 =	sadd.s32 $0x80, s20;
	s10 =	sadd.s32 s10, s24  }
0x1a: {  	s11 =	sadd.s32 s11, s6;
	v16 =	vmov s26;
	s12 =	sadd.s32 s12, s14;
	s14 =	simm.s32 $0x4;
	v14 =	vor.u32 s23, v24;
	v17 =	vmov s29  }
0x1b: {  	s24 =	simm.s32 $0x8C0;
	s29 =	stileid.u32;
	v18 =	vmov s30;
	s13 =	smax.u32 s13, $0x1;
	v19 =	vmov s31;
	v20 =	vmov s1  }
0x1c: {  	v21 =	vmov s4;
	v22 =	vmov s17;
	v23 =	vmov s3;
	s3 =	rddreg [dreg:$0x6];
	s17 =	simm.s32 $0x80;
	p0 =	sgt.u32 s29, $0x1  }
0x1d: {  	[tilespmem:$0x1FFF0] =	vst v0;
	v24 =	vmov s20;
	v25 =	vmov s22;
	s20 =	simm.s32 $0x6C0;
	s22 =	simm.s32 $0x840;
	s23 =	simm.s32 $0x1;
	vm0 =	vmmov @!p0 $0xffff  }
.LBB2_1:
0x1e: {  	s1 =	rddreg [dreg:$0x8]  }
0x1f: {  	[tilespmem:s5], [sflag:$0x4] =	stream.linear.gather [hbm4b:s1+s5], $0x100, $0x38;
	[tilespmem:$0x2940] =	vst v63  }
0x20: {  	_ =	swait.ge [sflag:s14], $0x100  }
0x21: {  	[sflag:s14] =	ssyncset.done $0x0  }
0x22: {  	[sflag:s14] =	ssyncadd.s32 $0xFFFFFF00  }
0x23: {  	v29 =	vld [tilespmem:$0x0];
	_ =	sdelay $0x1  }
0x24: {  	v0 =	vld [tilespmem:$0x1FFE0];
	_ =	sdelay $0x2  }
0x25: {  	v30 =	vld [tilespmem:$0x10];
	v29 =	vsub.f32 $0.0e+00, v29;
	_ =	sdelay $0x1  }
0x26: {  	(xrf1) =	vsort.ascd.msk.f32 $0xffff, v29, v0;
	v0 =	vld [tilespmem:$0x1FFF0];
	_ =	sdelay $0x2  }
0x27: {  	v30 =	vsub.f32 $0.0e+00, v30;
	_ =	sdelay $0x1  }
0x28: {  	(xrf1) =	vsort.ascd.msk.f32 $0xffff, v30, v0;
	_ =	sdelay $0x1  }
0x29: {  	v29 =	vld [tilespmem:$0x20]  }
0x2a: {  	v30 =	vld [tilespmem:$0x30]  }
0x2b: {  	v31 =	vld [tilespmem:$0x40]  }
0x2c: {  	v32 =	vld [tilespmem:$0x50]  }
0x2d: {  	v33 =	vld [tilespmem:$0x60]  }
0x2e: {  	v34 =	vld [tilespmem:$0x70];
	v29 =	vsub.f32 $0.0e+00, v29  }
0x2f: {  	v35 =	vld [tilespmem:$0x80];
	v30 =	vsub.f32 $0.0e+00, v30  }
0x30: {  	v36 =	vld [tilespmem:$0x90];
	(xrf1) =	vsort.ascd.msk.f32 $0xffff, v29, v2;
	v29 =	vsub.f32 $0.0e+00, v31  }
0x31: {  	v31 =	vld [tilespmem:$0xA0];
	(xrf1) =	vsort.ascd.msk.f32 $0xffff, v30, v3;
	v30 =	vsub.f32 $0.0e+00, v32  }
0x32: {  	v63 =	vld [tilespmem:$0xB0];
	(xrf1) =	vsort.ascd.msk.f32 $0xffff, v29, v4;
	v29 =	vsub.f32 $0.0e+00, v33  }
0x33: {  	v44 =	vld [tilespmem:$0xC0];
	(xrf1) =	vsort.ascd.msk.f32 $0xffff, v30, v5;
	v30 =	vsub.f32 $0.0e+00, v34  }
0x34: {  	v45 =	vld [tilespmem:$0xD0];
	v37, v38, _ =	vpop (xrf1);
	(xrf1) =	vsort.ascd.msk.f32 $0xffff, v29, v6;
	v29 =	vsub.f32 $0.0e+00, v35  }
0x35: {  	v46 =	vld [tilespmem:$0xE0];
	v39, v40, _ =	vpop (xrf1);
	(xrf1) =	vsort.ascd.msk.f32 $0xffff, v30, v7;
	v30 =	vsub.f32 $0.0e+00, v36  }
0x36: {  	v47 =	vld [tilespmem:$0xF0];
	v39 =	vsub.f32 $0.0e+00, v39;
	(xrf1) =	vsort.ascd.msk.f32 $0xffff, v29, v8;
	v29 =	vsub.f32 $0.0e+00, v31  }
0x37: {  	v31 =	vsub.f32 $0.0e+00, v37;
	(xrf1) =	vsort.ascd.msk.f32 $0xffff, v30, v9;
	v30 =	vsub.f32 $0.0e+00, v63  }
0x38: {  	v37 =	vperm.xlane v40, v27;
	(xrf1) =	vsort.ascd.msk.f32 $0xffff, v29, v10;
	v29 =	vsub.f32 $0.0e+00, v44;
	v32 =	vperm.xlane v39, v27  }
0x39: {  	(xrf1) =	vsort.ascd.msk.f32 $0xffff, v30, v11;
	v30 =	vsub.f32 $0.0e+00, v45  }
0x3a: {  	vm2 =	vlt.s32 v38, v37;
	(xrf1) =	vsort.ascd.msk.f32 $0xffff, v29, v12;
	v29 =	vsub.f32 $0.0e+00, v46;
	vm1 =	veq.f32 v31, v32  }
0x3b: {  	vm3 =	vgt.f32 v31, v32;
	(xrf1) =	vsort.ascd.msk.f32 $0xffff, v30, v13;
	v30 =	vsub.f32 $0.0e+00, v47;
	vm1 =	vmand vm1, vm2  }
0x3c: {  	(xrf1) =	vsort.ascd.msk.f32 $0xffff, v29, v14;
	vm1 =	vmor vm3, vm1  }
0x3d: {  	(xrf1) =	vsort.ascd.msk.f32 $0xffff, v30, v15;
	v30 =	vsel vm1, v38, v37  }
0x3e: {  	v29 =	vsel vm1, v31, v32;
	_ =	sdelay $0x1  }
0x3f: {  	v34, v41, _ =	vpop (xrf1);
	(xrf1) =	vsort.ascd.msk.u32 $0xffff, v30, v29  }
0x40: {  	v29, v30, _ =	vpop (xrf1)  }
0x41: {  	v44, v46, _ =	vpop (xrf1)  }
0x42: {  	v45, v47, _ =	vpop (xrf1)  }
0x43: {  	v49, v50, _ =	vpop (xrf1)  }
0x44: {  	v51, v52, _ =	vpop (xrf1)  }
0x45: {  	v53, v54, _ =	vpop (xrf1)  }
0x46: {  	v55, v56, _ =	vpop (xrf1)  }
0x47: {  	v57, v58, _ =	vpop (xrf1)  }
0x48: {  	v59, v60, _ =	vpop (xrf1)  }
0x49: {  	v61, v42, _ =	vpop (xrf1)  }
0x4a: {  	v62, v63, _ =	vpop (xrf1)  }
0x4b: {  	v39, v33, _ =	vpop (xrf1)  }
0x4c: {  	v43, v35, _ =	vpop (xrf1)  }
0x4d: {  	v48, v40, _ =	vpop (xrf1)  }
0x4e: {  	v40 =	vsub.f32 $0.0e+00, v40;
	_ =	sdelay $0x1  }
0x4f: {  	v31 =	vsel vm1, v32, v31;
	v38 =	vsel vm1, v37, v38;
	(xrf1) =	vsort.ascd.msk.f32 $0xffff, v40, v48  }
0x50: {  	(xrf1) =	vsort.ascd.msk.u32 $0xffff, v38, v31;
	_ =	sdelay $0x7  }
0x51: {  	v29 =	vsub.f32 $0.0e+00, v29;
	_ =	sdelay $0x3  }
0x52: {  	v32 =	vsub.f32 $0.0e+00, v34;
	v30 =	vperm.xlane v30, v27;
	v34 =	vperm.xlane v29, v27  }
0x53: {  	v36, v29, _ =	vpop (xrf1)  }
0x54: {  	vm2 =	vlt.s32 v41, v30;
	vm1 =	veq.f32 v32, v34;
	v31, v48, _ =	vpop (xrf1)  }
0x55: {  	vm3 =	vgt.f32 v32, v34;
	vm1 =	vmand vm1, vm2;
	v37 =	vsub.f32 $0.0e+00, v48  }
0x56: {  	vm1 =	vmor vm3, vm1  }
0x57: {  	v40 =	vsel vm1, v41, v30;
	(xrf1) =	vsort.ascd.msk.f32 $0xffff, v37, v31;
	v31 =	vsel vm1, v32, v34  }
0x58: {  	(xrf1) =	vsort.ascd.msk.u32 $0xffff, v40, v31;
	_ =	sdelay $0xc  }
0x59: {  	v40, v31, _ =	vpop (xrf1)  }
0x5a: {  	v37, v48, _ =	vpop (xrf1)  }
0x5b: {  	v38 =	vsub.f32 $0.0e+00, v48;
	_ =	sdelay $0x1  }
0x5c: {  	v30 =	vsel vm1, v30, v41;
	v32 =	vsel vm1, v34, v32;
	(xrf1) =	vsort.ascd.msk.f32 $0xffff, v38, v37  }
0x5d: {  	(xrf1) =	vsort.ascd.msk.u32 $0xffff, v30, v32;
	_ =	sdelay $0x9  }
0x5e: {  	v30 =	vsub.f32 $0.0e+00, v45;
	_ =	sdelay $0x1  }
0x5f: {  	v34 =	vperm.xlane v47, v27;
	v32 =	vsub.f32 $0.0e+00, v44;
	v30 =	vperm.xlane v30, v27  }
0x60: {  	v48, v45, _ =	vpop (xrf1)  }
0x61: {  	vm2 =	vlt.s32 v46, v34;
	vm1 =	veq.f32 v32, v30;
	v37, v38, _ =	vpop (xrf1)  }
0x62: {  	vm3 =	vgt.f32 v32, v30;
	vm1 =	vmand vm1, vm2;
	v38 =	vsub.f32 $0.0e+00, v38  }
0x63: {  	vm1 =	vmor vm3, vm1  }
0x64: {  	v41 =	vsel vm1, v32, v30;
	v44 =	vsel vm1, v46, v34;
	(xrf1) =	vsort.ascd.msk.f32 $0xffff, v38, v37  }
0x65: {  	(xrf1) =	vsort.ascd.msk.u32 $0xffff, v44, v41;
	_ =	sdelay $0xc  }
0x66: {  	v0, v1, _ =	vpop (xrf1)  }
0x67: {  	v37, v38, _ =	vpop (xrf1)  }
0x68: {  	v38 =	vsub.f32 $0.0e+00, v38;
	_ =	sdelay $0x1  }
0x69: {  	v30 =	vsel vm1, v30, v32;
	v47 =	vsel vm1, v34, v46;
	(xrf1) =	vsort.ascd.msk.f32 $0xffff, v38, v37  }
0x6a: {  	(xrf1) =	vsort.ascd.msk.u32 $0xffff, v47, v30;
	_ =	sdelay $0x7  }
0x6b: {  	v30 =	vsub.f32 $0.0e+00, v51;
	_ =	sdelay $0x3  }
0x6c: {  	v32 =	vsub.f32 $0.0e+00, v49;
	v41 =	vperm.xlane v52, v27;
	v37 =	vperm.xlane v30, v27  }
0x6d: {  	v38, v30, _ =	vpop (xrf1)  }
0x6e: {  	vm2 =	vlt.s32 v50, v41;
	vm1 =	veq.f32 v32, v37;
	v52, v51, _ =	vpop (xrf1)  }
0x6f: {  	vm3 =	vgt.f32 v32, v37;
	vm1 =	vmand vm1, vm2;
	v44 =	vsub.f32 $0.0e+00, v51  }
0x70: {  	vm1 =	vmor vm3, vm1  }
0x71: {  	v49 =	vsel vm1, v32, v37;
	v51 =	vsel vm1, v50, v41;
	(xrf1) =	vsort.ascd.msk.f32 $0xffff, v44, v52  }
0x72: {  	(xrf1) =	vsort.ascd.msk.u32 $0xffff, v51, v49;
	_ =	sdelay $0xc  }
0x73: {  	v44, v34, _ =	vpop (xrf1)  }
0x74: {  	v49, v52, _ =	vpop (xrf1)  }
0x75: {  	v47 =	vsub.f32 $0.0e+00, v52;
	_ =	sdelay $0x1  }
0x76: {  	v32 =	vsel vm1, v37, v32;
	v51 =	vsel vm1, v41, v50;
	(xrf1) =	vsort.ascd.msk.f32 $0xffff, v47, v49  }
0x77: {  	(xrf1) =	vsort.ascd.msk.u32 $0xffff, v51, v32;
	_ =	sdelay $0x9  }
0x78: {  	v52 =	vsub.f32 $0.0e+00, v55;
	_ =	sdelay $0x1  }
0x79: {  	v37 =	vsub.f32 $0.0e+00, v53;
	v41 =	vperm.xlane v56, v27;
	v32 =	vperm.xlane v52, v27  }
0x7a: {  	v50, v47, _ =	vpop (xrf1)  }
0x7b: {  	vm2 =	vlt.s32 v54, v41;
	vm1 =	veq.f32 v37, v32;
	v56, v55, _ =	vpop (xrf1)  }
0x7c: {  	vm3 =	vgt.f32 v37, v32;
	vm1 =	vmand vm1, vm2;
	v49 =	vsub.f32 $0.0e+00, v55  }
0x7d: {  	vm1 =	vmor vm3, vm1  }
0x7e: {  	v52 =	vsel vm1, v37, v32;
	v53 =	vsel vm1, v54, v41;
	(xrf1) =	vsort.ascd.msk.f32 $0xffff, v49, v56  }
0x7f: {  	(xrf1) =	vsort.ascd.msk.u32 $0xffff, v53, v52;
	_ =	sdelay $0xc  }
0x80: {  	v51, v52, _ =	vpop (xrf1)  }
0x81: {  	v46, v49, _ =	vpop (xrf1)  }
0x82: {  	v49 =	vsub.f32 $0.0e+00, v49;
	_ =	sdelay $0x1  }
0x83: {  	v32 =	vsel vm1, v32, v37;
	v54 =	vsel vm1, v41, v54;
	(xrf1) =	vsort.ascd.msk.f32 $0xffff, v49, v46  }
0x84: {  	(xrf1) =	vsort.ascd.msk.u32 $0xffff, v54, v32;
	_ =	sdelay $0x9  }
0x85: {  	v55 =	vsub.f32 $0.0e+00, v59;
	_ =	sdelay $0x1  }
0x86: {  	v53 =	vperm.xlane v55, v27;
	v49 =	vsub.f32 $0.0e+00, v57;
	v54 =	vperm.xlane v60, v27  }
0x87: {  	v41, v32, _ =	vpop (xrf1)  }
0x88: {  	vm1 =	veq.f32 v49, v53;
	vm2 =	vlt.s32 v58, v54;
	v37, v56, _ =	vpop (xrf1)  }
0x89: {  	vm3 =	vgt.f32 v49, v53;
	vm1 =	vmand vm1, vm2;
	v46 =	vsub.f32 $0.0e+00, v56  }
0x8a: {  	vm1 =	vmor vm3, vm1  }
0x8b: {  	v57 =	vsel vm1, v49, v53;
	v59 =	vsel vm1, v58, v54;
	(xrf1) =	vsort.ascd.msk.f32 $0xffff, v46, v37  }
0x8c: {  	(xrf1) =	vsort.ascd.msk.u32 $0xffff, v59, v57;
	_ =	sdelay $0xc  }
0x8d: {  	v46, v37, _ =	vpop (xrf1)  }
0x8e: {  	v55, v60, _ =	vpop (xrf1)  }
0x8f: {  	v56 =	vsub.f32 $0.0e+00, v60;
	_ =	sdelay $0x1  }
0x90: {  	v49 =	vsel vm1, v53, v49;
	v58 =	vsel vm1, v54, v58;
	(xrf1) =	vsort.ascd.msk.f32 $0xffff, v56, v55  }
0x91: {  	(xrf1) =	vsort.ascd.msk.u32 $0xffff, v58, v49;
	_ =	sdelay $0x9  }
0x92: {  	v59 =	vsub.f32 $0.0e+00, v62;
	_ =	sdelay $0x1  }
0x93: {  	v53 =	vsub.f32 $0.0e+00, v61;
	v54 =	vperm.xlane v59, v27;
	v55 =	vperm.xlane v63, v27  }
0x94: {  	v56, v49, _ =	vpop (xrf1)  }
0x95: {  	vm1 =	veq.f32 v53, v54;
	vm2 =	vlt.s32 v42, v55;
	v60, v61, _ =	vpop (xrf1)  }
0x96: {  	vm3 =	vgt.f32 v53, v54;
	vm1 =	vmand vm1, vm2;
	v58 =	vsub.f32 $0.0e+00, v61  }
0x97: {  	vm1 =	vmor vm3, vm1  }
0x98: {  	v62 =	vsel vm1, v53, v54;
	v63 =	vsel vm1, v42, v55;
	(xrf1) =	vsort.ascd.msk.f32 $0xffff, v58, v60  }
0x99: {  	(xrf1) =	vsort.ascd.msk.u32 $0xffff, v63, v62;
	_ =	sdelay $0xc  }
0x9a: {  	v57, v58, _ =	vpop (xrf1)  }
0x9b: {  	v59, v60, _ =	vpop (xrf1)  }
0x9c: {  	v60 =	vsub.f32 $0.0e+00, v60;
	_ =	sdelay $0x1  }
0x9d: {  	v53 =	vsel vm1, v54, v53;
	v42 =	vsel vm1, v55, v42;
	(xrf1) =	vsort.ascd.msk.f32 $0xffff, v60, v59  }
0x9e: {  	(xrf1) =	vsort.ascd.msk.u32 $0xffff, v42, v53;
	_ =	sdelay $0x9  }
0x9f: {  	v59 =	vsub.f32 $0.0e+00, v43;
	_ =	sdelay $0x1  }
0xa0: {  	v55 =	vperm.xlane v35, v27;
	v53 =	vsub.f32 $0.0e+00, v39;
	v54 =	vperm.xlane v59, v27  }
0xa1: {  	v42, v35, _ =	vpop (xrf1)  }
0xa2: {  	vm2 =	vlt.s32 v33, v55;
	vm1 =	veq.f32 v53, v54;
	v61, v60, _ =	vpop (xrf1)  }
0xa3: {  	vm3 =	vgt.f32 v53, v54;
	vm1 =	vmand vm1, vm2;
	v43 =	vsub.f32 $0.0e+00, v60  }
0xa4: {  	vm1 =	vmor vm3, vm1  }
0xa5: {  	v62 =	vsel vm1, v53, v54;
	v63 =	vsel vm1, v33, v55;
	(xrf1) =	vsort.ascd.msk.f32 $0xffff, v43, v61  }
0xa6: {  	(xrf1) =	vsort.ascd.msk.u32 $0xffff, v63, v62;
	_ =	sdelay $0xc  }
0xa7: {  	v43, v39, _ =	vpop (xrf1)  }
0xa8: {  	v59, v60, _ =	vpop (xrf1)  }
0xa9: {  	v60 =	vsub.f32 $0.0e+00, v60;
	_ =	sdelay $0x1  }
0xaa: {  	v53 =	vsel vm1, v54, v53;
	v33 =	vsel vm1, v55, v33;
	(xrf1) =	vsort.ascd.msk.f32 $0xffff, v60, v59  }
0xab: {  	(xrf1) =	vsort.ascd.msk.u32 $0xffff, v33, v53;
	_ =	sdelay $0x4  }
0xac: {  	v0 =	vsub.f32 $0.0e+00, v0  }
0xad: {  	v45 =	vperm.xlane v45, v27;
	v54 =	vsub.f32 $0.0e+00, v48  }
0xae: {  	v36 =	vsub.f32 $0.0e+00, v36;
	v1 =	vperm.xlane v1, v27;
	v0 =	vperm.xlane v0, v27  }
0xaf: {  	v40 =	vsub.f32 $0.0e+00, v40;
	v33 =	vperm.xlane v54, v27  }
0xb0: {  	vm4 =	vlt.s32 v31, v45;
	vm2 =	veq.f32 v36, v0;
	vm3 =	vlt.s32 v29, v1  }
0xb1: {  	vm1 =	vgt.f32 v36, v0;
	vm2 =	vmand vm2, vm3;
	vm3 =	veq.f32 v40, v33  }
0xb2: {  	vm1 =	vmor vm1, vm2;
	vm2 =	vgt.f32 v40, v33;
	vm3 =	vmand vm3, vm4  }
0xb3: {  	v0 =	vsel vm1, v36, v0;
	vm2 =	vmor vm2, vm3  }
0xb4: {  	v1 =	vsel vm1, v29, v1;
	v29 =	vsel vm2, v40, v33;
	v31 =	vsel vm2, v31, v45;
	v36, v48, _ =	vpop (xrf1)  }
0xb5: {  	vm1 =	veq.f32 v0, v29;
	vm2 =	vlt.s32 v1, v31;
	v33, v40, _ =	vpop (xrf1)  }
0xb6: {  	vm3 =	vgt.f32 v0, v29;
	vm1 =	vmand vm1, vm2;
	v40 =	vsub.f32 $0.0e+00, v40  }
0xb7: {  	vm1 =	vmor vm3, vm1  }
0xb8: {  	v55 =	vsel vm1, v0, v29;
	v59 =	vsel vm1, v1, v31;
	(xrf1) =	vsort.ascd.msk.f32 $0xffff, v40, v33  }
0xb9: {  	(xrf1) =	vsort.ascd.msk.u32 $0xffff, v59, v55;
	_ =	sdelay $0xc  }
0xba: {  	v33, v40, _ =	vpop (xrf1)  }
0xbb: {  	v61, v60, _ =	vpop (xrf1)  }
0xbc: {  	v53 =	vsub.f32 $0.0e+00, v60;
	_ =	sdelay $0x1  }
0xbd: {  	v0 =	vsel vm1, v29, v0;
	v1 =	vsel vm1, v31, v1;
	(xrf1) =	vsort.ascd.msk.f32 $0xffff, v53, v61  }
0xbe: {  	(xrf1) =	vsort.ascd.msk.u32 $0xffff, v1, v0;
	_ =	sdelay $0x4  }
0xbf: {  	v0 =	vsub.f32 $0.0e+00, v51  }
0xc0: {  	v63 =	vperm.xlane v47, v27;
	v1 =	vsub.f32 $0.0e+00, v50  }
0xc1: {  	v29 =	vsub.f32 $0.0e+00, v38;
	v31 =	vperm.xlane v52, v27;
	v0 =	vperm.xlane v0, v27  }
0xc2: {  	v62 =	vsub.f32 $0.0e+00, v44;
	v1 =	vperm.xlane v1, v27  }
0xc3: {  	vm10 =	vlt.s32 v34, v63;
	vm3 =	vlt.s32 v30, v31;
	vm2 =	veq.f32 v29, v0  }
0xc4: {  	vm1 =	vgt.f32 v29, v0;
	vm2 =	vmand vm2, vm3;
	vm3 =	veq.f32 v62, v1  }
0xc5: {  	vm1 =	vmor vm1, vm2;
	vm2 =	vgt.f32 v62, v1;
	vm3 =	vmand vm3, vm10  }
0xc6: {  	v0 =	vsel vm1, v29, v0;
	vm2 =	vmor vm2, vm3  }
0xc7: {  	v30 =	vsel vm1, v30, v31;
	v1 =	vsel vm2, v62, v1;
	v31 =	vsel vm2, v34, v63;
	v29, v45, _ =	vpop (xrf1)  }
0xc8: {  	vm1 =	veq.f32 v0, v1;
	vm2 =	vlt.s32 v30, v31;
	v51, v50, _ =	vpop (xrf1)  }
0xc9: {  	vm3 =	vgt.f32 v0, v1;
	vm1 =	vmand vm1, vm2;
	v38 =	vsub.f32 $0.0e+00, v50  }
0xca: {  	vm1 =	vmor vm3, vm1  }
0xcb: {  	v52 =	vsel vm1, v0, v1;
	v53 =	vsel vm1, v30, v31;
	(xrf1) =	vsort.ascd.msk.f32 $0xffff, v38, v51  }
0xcc: {  	(xrf1) =	vsort.ascd.msk.u32 $0xffff, v53, v52;
	_ =	sdelay $0xc  }
0xcd: {  	v34, v38, _ =	vpop (xrf1)  }
0xce: {  	v54, v47, _ =	vpop (xrf1)  }
0xcf: {  	v47 =	vsub.f32 $0.0e+00, v47;
	_ =	sdelay $0x1  }
0xd0: {  	v0 =	vsel vm1, v1, v0;
	v1 =	vsel vm1, v31, v30;
	(xrf1) =	vsort.ascd.msk.f32 $0xffff, v47, v54  }
0xd1: {  	(xrf1) =	vsort.ascd.msk.u32 $0xffff, v1, v0;
	_ =	sdelay $0x4  }
0xd2: {  	v0 =	vsub.f32 $0.0e+00, v57  }
0xd3: {  	v31 =	vperm.xlane v58, v27;
	v1 =	vsub.f32 $0.0e+00, v56  }
0xd4: {  	v30 =	vsub.f32 $0.0e+00, v41;
	v56 =	vperm.xlane v49, v27;
	v0 =	vperm.xlane v0, v27  }
0xd5: {  	v55 =	vsub.f32 $0.0e+00, v46;
	v1 =	vperm.xlane v1, v27  }
0xd6: {  	vm3 =	vlt.s32 v32, v31;
	vm11 =	vlt.s32 v37, v56;
	vm2 =	veq.f32 v30, v0  }
0xd7: {  	vm1 =	vgt.f32 v30, v0;
	vm2 =	vmand vm2, vm3;
	vm3 =	veq.f32 v55, v1  }
0xd8: {  	vm1 =	vmor vm1, vm2;
	vm2 =	vgt.f32 v55, v1;
	vm3 =	vmand vm3, vm11  }
0xd9: {  	v0 =	vsel vm1, v30, v0;
	vm2 =	vmor vm2, vm3  }
0xda: {  	v31 =	vsel vm1, v32, v31;
	v1 =	vsel vm2, v55, v1;
	v57 =	vsel vm2, v37, v56;
	v30, v46, _ =	vpop (xrf1)  }
0xdb: {  	vm1 =	veq.f32 v0, v1;
	vm2 =	vlt.s32 v31, v57;
	v59, v58, _ =	vpop (xrf1)  }
0xdc: {  	vm3 =	vgt.f32 v0, v1;
	vm1 =	vmand vm1, vm2;
	v41 =	vsub.f32 $0.0e+00, v58  }
0xdd: {  	vm1 =	vmor vm3, vm1  }
0xde: {  	v60 =	vsel vm1, v0, v1;
	v61 =	vsel vm1, v31, v57;
	(xrf1) =	vsort.ascd.msk.f32 $0xffff, v41, v59  }
0xdf: {  	(xrf1) =	vsort.ascd.msk.u32 $0xffff, v61, v60;
	_ =	sdelay $0xc  }
0xe0: {  	v37, v41, _ =	vpop (xrf1)  }
0xe1: {  	v63, v62, _ =	vpop (xrf1)  }
0xe2: {  	v47 =	vsub.f32 $0.0e+00, v62;
	_ =	sdelay $0x1  }
0xe3: {  	v0 =	vsel vm1, v1, v0;
	v1 =	vsel vm1, v57, v31;
	(xrf1) =	vsort.ascd.msk.f32 $0xffff, v47, v63  }
0xe4: {  	(xrf1) =	vsort.ascd.msk.u32 $0xffff, v1, v0;
	_ =	sdelay $0x4  }
0xe5: {  	v0 =	vsub.f32 $0.0e+00, v33  }
0xe6: {  	v51 =	vperm.xlane v48, v27;
	v1 =	vsub.f32 $0.0e+00, v36  }
0xe7: {  	v49 =	vperm.xlane v40, v27;
	v31 =	vsub.f32 $0.0e+00, v42;
	v0 =	vperm.xlane v0, v27  }
0xe8: {  	v50 =	vsub.f32 $0.0e+00, v43;
	v1 =	vperm.xlane v1, v27  }
0xe9: {  	vm12 =	vlt.s32 v39, v51;
	vm3 =	vlt.s32 v35, v49;
	vm2 =	veq.f32 v31, v0  }
0xea: {  	vm1 =	vgt.f32 v31, v0;
	vm2 =	vmand vm2, vm3;
	vm3 =	veq.f32 v50, v1  }
0xeb: {  	vm1 =	vmor vm1, vm2;
	vm2 =	vgt.f32 v50, v1;
	vm3 =	vmand vm3, vm12  }
0xec: {  	v0 =	vsel vm1, v31, v0;
	vm2 =	vmor vm2, vm3  }
0xed: {  	v32 =	vsel vm1, v35, v49;
	v1 =	vsel vm2, v50, v1;
	v53 =	vsel vm2, v39, v51;
	v31, v52, _ =	vpop (xrf1)  }
0xee: {  	vm1 =	veq.f32 v0, v1;
	vm2 =	vlt.s32 v32, v53;
	v54, v55, _ =	vpop (xrf1)  }
0xef: {  	vm3 =	vgt.f32 v0, v1;
	vm1 =	vmand vm1, vm2;
	v36 =	vsub.f32 $0.0e+00, v55  }
0xf0: {  	vm1 =	vmor vm3, vm1  }
0xf1: {  	v56 =	vsel vm1, v0, v1;
	v57 =	vsel vm1, v32, v53;
	(xrf1) =	vsort.ascd.msk.f32 $0xffff, v36, v54  }
0xf2: {  	(xrf1) =	vsort.ascd.msk.u32 $0xffff, v57, v56;
	_ =	sdelay $0xc  }
0xf3: {  	v35, v36, _ =	vpop (xrf1)  }
0xf4: {  	v59, v58, _ =	vpop (xrf1)  }
0xf5: {  	v42 =	vsub.f32 $0.0e+00, v58;
	_ =	sdelay $0x1  }
0xf6: {  	v0 =	vsel vm1, v1, v0;
	v1 =	vsel vm1, v53, v32;
	(xrf1) =	vsort.ascd.msk.f32 $0xffff, v42, v59  }
0xf7: {  	(xrf1) =	vsort.ascd.msk.u32 $0xffff, v1, v0;
	_ =	sdelay $0x4  }
0xf8: {  	v0 =	vsub.f32 $0.0e+00, v37  }
0xf9: {  	v61 =	vperm.xlane v46, v27;
	v1 =	vsub.f32 $0.0e+00, v30  }
0xfa: {  	v29 =	vsub.f32 $0.0e+00, v29;
	v30 =	vperm.xlane v41, v27;
	v0 =	vperm.xlane v0, v27  }
0xfb: {  	v60 =	vsub.f32 $0.0e+00, v34;
	v1 =	vperm.xlane v1, v27  }
0xfc: {  	vm13 =	vlt.s32 v38, v61;
	vm3 =	vlt.s32 v45, v30;
	vm2 =	veq.f32 v29, v0  }
0xfd: {  	vm1 =	vgt.f32 v29, v0;
	vm2 =	vmand vm2, vm3;
	vm3 =	veq.f32 v60, v1  }
0xfe: {  	vm1 =	vmor vm1, vm2;
	vm2 =	vgt.f32 v60, v1;
	vm3 =	vmand vm3, vm13  }
0xff: {  	v0 =	vsel vm1, v29, v0;
	vm2 =	vmor vm2, vm3  }
0x100: {  	v30 =	vsel vm1, v45, v30;
	v1 =	vsel vm2, v60, v1;
	v63 =	vsel vm2, v38, v61;
	v29, v62, _ =	vpop (xrf1)  }
0x101: {  	vm1 =	veq.f32 v0, v1;
	vm2 =	vlt.s32 v30, v63;
	v42, v41, _ =	vpop (xrf1)  }
0x102: {  	vm3 =	vgt.f32 v0, v1;
	vm1 =	vmand vm1, vm2;
	v37 =	vsub.f32 $0.0e+00, v41  }
0x103: {  	vm1 =	vmor vm3, vm1  }
0x104: {  	v43 =	vsel vm1, v0, v1;
	v44 =	vsel vm1, v30, v63;
	(xrf1) =	vsort.ascd.msk.f32 $0xffff, v37, v42  }
0x105: {  	(xrf1) =	vsort.ascd.msk.u32 $0xffff, v44, v43;
	_ =	sdelay $0xc  }
0x106: {  	v33, v37, _ =	vpop (xrf1)  }
0x107: {  	v46, v45, _ =	vpop (xrf1)  }
0x108: {  	v39 =	vsub.f32 $0.0e+00, v45;
	_ =	sdelay $0x1  }
0x109: {  	v0 =	vsel vm1, v1, v0;
	v1 =	vsel vm1, v63, v30;
	(xrf1) =	vsort.ascd.msk.f32 $0xffff, v39, v46  }
0x10a: {  	(xrf1) =	vsort.ascd.msk.u32 $0xffff, v1, v0;
	_ =	sdelay $0x4  }
0x10b: {  	v0 =	vsub.f32 $0.0e+00, v33  }
0x10c: {  	v47 =	vperm.xlane v62, v27;
	v1 =	vsub.f32 $0.0e+00, v29  }
0x10d: {  	v30 =	vperm.xlane v37, v27;
	v29 =	vsub.f32 $0.0e+00, v31;
	v0 =	vperm.xlane v0, v27  }
0x10e: {  	v31 =	vsub.f32 $0.0e+00, v35;
	v1 =	vperm.xlane v1, v27  }
0x10f: {  	vm14 =	vlt.s32 v36, v47;
	vm3 =	vlt.s32 v52, v30;
	vm2 =	veq.f32 v29, v0  }
0x110: {  	vm1 =	vgt.f32 v29, v0;
	vm2 =	vmand vm3, vm2;
	vm3 =	veq.f32 v31, v1  }
0x111: {  	vm1 =	vmor vm1, vm2;
	vm2 =	vgt.f32 v31, v1;
	vm3 =	vmand vm14, vm3  }
0x112: {  	v0 =	vsel vm1, v29, v0;
	vm2 =	vmor vm2, vm3  }
0x113: {  	v30 =	vsel vm1, v52, v30;
	v1 =	vsel vm2, v31, v1;
	v31 =	vsel vm2, v36, v47;
	v29, v48, _ =	vpop (xrf1)  }
0x114: {  	vm1 =	veq.f32 v0, v1;
	vm2 =	vlt.s32 v30, v31;
	v49, v34, _ =	vpop (xrf1)  }
0x115: {  	vm3 =	vgt.f32 v0, v1;
	vm1 =	vmand vm1, vm2;
	v34 =	vsub.f32 $0.0e+00, v34  }
0x116: {  	vm1 =	vmor vm3, vm1  }
0x117: {  	v50 =	vsel vm1, v0, v1;
	v51 =	vsel vm1, v30, v31;
	(xrf1) =	vsort.ascd.msk.f32 $0xffff, v34, v49  }
0x118: {  	(xrf1) =	vsort.ascd.msk.u32 $0xffff, v51, v50;
	_ =	sdelay $0xc  }
0x119: {  	v32, v34, _ =	vpop (xrf1)  }
0x11a: {  	v52, v53, _ =	vpop (xrf1)  }
0x11b: {  	v36 =	vsub.f32 $0.0e+00, v53;
	_ =	sdelay $0x1  }
0x11c: {  	v0 =	vsel vm1, v1, v0;
	v1 =	vsel vm1, v31, v30;
	(xrf1) =	vsort.ascd.msk.f32 $0xffff, v36, v52  }
0x11d: {  	(xrf1) =	vsort.ascd.msk.u32 $0xffff, v1, v0;
	_ =	sdelay $0xc  }
0x11e: {  	v0, v1, _ =	vpop (xrf1)  }
0x11f: {  	v30, v31, _ =	vpop (xrf1)  }
0x120: {  	v31 =	vsub.f32 $0.0e+00, v31;
	_ =	sdelay $0x1  }
0x121: {  	(xrf1) =	vsort.ascd.msk.f32 $0xffff, v31, v30;
	_ =	sdelay $0xd  }
0x122: {  	v30, v31, _ =	vpop (xrf1)  }
0x123: {  	v30 =	vsub.f32 $0.0e+00, v30  }
0x124: {  	v0 =	vsub.f32 $0.0e+00, v0;
	v1 =	vperm.xlane v1, v27  }
0x125: {  	v29 =	vsub.f32 $0.0e+00, v29;
	v31 =	vperm.xlane v31, v27;
	v30 =	vperm.xlane v30, v27  }
0x126: {  	v32 =	vsub.f32 $0.0e+00, v32;
	v0 =	vperm.xlane v0, v27  }
0x127: {  	vm15 =	vlt.s32 v34, v1;
	vm3 =	vlt.s32 v48, v31;
	vm2 =	veq.f32 v29, v30  }
0x128: {  	vm1 =	vgt.f32 v29, v30;
	vm2 =	vmand vm3, vm2;
	vm3 =	veq.f32 v32, v0  }
0x129: {  	vm1 =	vmor vm1, vm2;
	vm2 =	vgt.f32 v32, v0;
	vm3 =	vmand vm15, vm3  }
0x12a: {  	v29 =	vsel vm1, v29, v30;
	vm2 =	vmor vm2, vm3  }
0x12b: {  	v30 =	vsel vm1, v48, v31;
	v0 =	vsel vm2, v32, v0;
	v1 =	vsel vm2, v34, v1  }
0x12c: {  	vm1 =	veq.f32 v29, v0;
	vm2 =	vlt.s32 v30, v1  }
0x12d: {  	vm3 =	vgt.f32 v29, v0;
	vm1 =	vmand vm1, vm2  }
0x12e: {  	vm1 =	vmor vm3, vm1  }
0x12f: {  	v31 =	vsel vm1, v29, v0;
	v54 =	vsel vm1, v30, v1  }
0x130: {  	(xrf1) =	vsort.ascd.msk.u32 $0xffff, v54, v31;
	_ =	sdelay $0xd  }
0x131: {  	v31, v32, _ =	vpop (xrf1)  }
0x132: {  	v32 =	vsub.f32 $0.0e+00, v32;
	_ =	sdelay $0x1  }
0x133: {  	v0 =	vsel vm1, v0, v29;
	v1 =	vsel vm1, v1, v30;
	(xrf1) =	vsort.ascd.msk.f32 $0xffff, v32, v31  }
0x134: {  	(xrf1) =	vsort.ascd.msk.u32 $0xffff, v1, v0;
	_ =	sdelay $0xc  }
0x135: {  	v0, v1, _ =	vpop (xrf1)  }
0x136: {  	v29, v30, _ =	vpop (xrf1)  }
0x137: {  	v30 =	vsub.f32 $0.0e+00, v30;
	_ =	sdelay $0x1  }
0x138: {  	(xrf1) =	vsort.ascd.msk.f32 $0xffff, v30, v29;
	_ =	sdelay $0x5  }
0x139: {  	[tilespmem:$0x840] =	vst v26  }
0x13a: {  	[tilespmem:$0x850] =	vst v26  }
0x13b: {  	[tilespmem:$0x860] =	vst v26  }
0x13c: {  	[tilespmem:$0x870] =	vst v26  }
0x13d: {  	[tilespmem:$0x880] =	vst v26  }
0x13e: {  	[tilespmem:$0x890] =	vst v26  }
0x13f: {  	[tilespmem:$0x8A0] =	vst v26  }
0x140: {  	[tilespmem:$0x8B0] =	vst v26;
	v0 =	vsub.f32 $0.0e+00, v0  }
0x141: {  	[tilespmem:$0x120] =	vst v1;
	v29, v30, _ =	vpop (xrf1)  }
0x142: {  	[tilespmem:$0x100] =	vst v0;
	v29 =	vsub.f32 $0.0e+00, v29  }
0x143: {  	[tilespmem:$0x130] =	vst v30  }
0x144: {  	s31 =	rddreg [dreg:$0x9];
	[tilespmem:$0x110] =	vst v29  }
0x145: {  	[spmem:s31] =	stream.linear.scatter [tilespmem:s15], [sflag:$0x4], $0x40, $0x38;
	[tilespmem:$0x2940] =	vst v63  }
0x146: {  	_ =	swait.ge [sflag:s14], $0x40  }
0x147: {  	[sflag:s14] =	ssyncset.done $0x0  }
0x148: {  	[sflag:s14] =	ssyncadd.s32 $0xFFFFFFC0  }
0x149: {  	[bflag:$0x0] =	sbarrier.arrive $0xFFFF  }
0x14a: {  	[tilespmem:s16], [sflag:$0x4] =	stream.linear.gather [spmem:s3], $0x400, $0x38;
	[tilespmem:$0x2940] =	vst v63  }
0x14b: {  	_ =	swait.ge [sflag:s14], $0x400  }
0x14c: {  	[sflag:s14] =	ssyncset.done $0x0  }
0x14d: {  	[sflag:s14] =	ssyncadd.s32 $0xFFFFFC00  }
0x14e: {  	v0 =	vld [tilespmem:$0x1C0]  }
0x14f: {  	v1 =	vld [tilespmem:$0x1E0]  }
0x150: {  	v29 =	vld [tilespmem:$0x200]  }
0x151: {  	v30 =	vld [tilespmem:$0x210]  }
0x152: {  	v31 =	vld [tilespmem:$0x230]  }
0x153: {  	v55 =	vld [tilespmem:$0x220]  }
0x154: {  	v56 =	vld [tilespmem:$0x1D0]  }
0x155: {  	v57 =	vld [tilespmem:$0x1F0];
	_ =	sdelay $0x1  }
0x156: {  	v30 =	vperm.xlane v30, v27;
	v31 =	vperm.xlane v31, v27  }
0x157: {  	v29 =	vperm.xlane v29, v27;
	v32 =	vperm.xlane v55, v27  }
0x158: {  	vm1 =	vgt.f32 v0, v30;
	vm2 =	veq.f32 v0, v30;
	vm3 =	vlt.s32 v1, v31  }
0x159: {  	vm8 =	vlt.s32 v57, v32;
	vm2 =	vmand vm2, vm3;
	vm3 =	veq.f32 v56, v29  }
0x15a: {  	vm1 =	vmor vm1, vm2;
	vm2 =	vgt.f32 v56, v29;
	vm3 =	vmand vm3, vm8  }
0x15b: {  	v0 =	vsel vm1, v0, v30;
	vm2 =	vmor vm2, vm3  }
0x15c: {  	v1 =	vsel vm1, v1, v31;
	v29 =	vsel vm2, v56, v29;
	v30 =	vsel vm2, v57, v32  }
0x15d: {  	vm1 =	veq.f32 v0, v29;
	vm2 =	vlt.s32 v1, v30  }
0x15e: {  	vm3 =	vgt.f32 v0, v29;
	vm1 =	vmand vm1, vm2  }
0x15f: {  	vm1 =	vmor vm3, vm1  }
0x160: {  	v31 =	vsel vm1, v0, v29;
	v32 =	vsel vm1, v1, v30  }
0x161: {  	(xrf1) =	vsort.ascd.msk.u32 $0xffff, v32, v31;
	_ =	sdelay $0xd  }
0x162: {  	v31, v32, _ =	vpop (xrf1)  }
0x163: {  	v32 =	vsub.f32 $0.0e+00, v32  }
0x164: {  	v58 =	vld [tilespmem:$0x240]  }
0x165: {  	v59 =	vld [tilespmem:$0x260];
	v0 =	vsel vm1, v29, v0;
	v1 =	vsel vm1, v30, v1;
	(xrf1) =	vsort.ascd.msk.f32 $0xffff, v32, v31  }
0x166: {  	v30 =	vld [tilespmem:$0x2A0];
	(xrf1) =	vsort.ascd.msk.u32 $0xffff, v1, v0  }
0x167: {  	v0 =	vld [tilespmem:$0x290]  }
0x168: {  	v1 =	vld [tilespmem:$0x2B0]  }
0x169: {  	v29 =	vld [tilespmem:$0x280]  }
0x16a: {  	v61 =	vld [tilespmem:$0x270]  }
0x16b: {  	v60 =	vld [tilespmem:$0x250]  }
0x16c: {  	v30 =	vperm.xlane v30, v27  }
0x16d: {  	v0 =	vperm.xlane v0, v27;
	v1 =	vperm.xlane v1, v27  }
0x16e: {  	v62 =	vperm.xlane v29, v27  }
0x16f: {  	vm9 =	vlt.s32 v61, v30;
	vm2 =	veq.f32 v58, v0;
	vm3 =	vlt.s32 v59, v1  }
0x170: {  	vm1 =	vgt.f32 v58, v0;
	vm2 =	vmand vm2, vm3;
	vm3 =	veq.f32 v60, v62  }
0x171: {  	vm1 =	vmor vm1, vm2;
	vm2 =	vgt.f32 v60, v62;
	vm3 =	vmand vm3, vm9  }
0x172: {  	v0 =	vsel vm1, v58, v0;
	vm2 =	vmor vm2, vm3  }
0x173: {  	v1 =	vsel vm1, v59, v1;
	v63 =	vsel vm2, v60, v62;
	v40 =	vsel vm2, v61, v30;
	v31, v29, _ =	vpop (xrf1)  }
0x174: {  	vm1 =	veq.f32 v0, v63;
	vm2 =	vlt.s32 v1, v40;
	v30, v41, _ =	vpop (xrf1)  }
0x175: {  	vm3 =	vgt.f32 v0, v63;
	vm1 =	vmand vm1, vm2;
	v32 =	vsub.f32 $0.0e+00, v41  }
0x176: {  	vm1 =	vmor vm3, vm1  }
0x177: {  	v42 =	vsel vm1, v1, v40;
	(xrf1) =	vsort.ascd.msk.f32 $0xffff, v32, v30;
	v30 =	vsel vm1, v0, v63  }
0x178: {  	(xrf1) =	vsort.ascd.msk.u32 $0xffff, v42, v30;
	_ =	sdelay $0xc  }
0x179: {  	v32, v30, _ =	vpop (xrf1)  }
0x17a: {  	v44, v43, _ =	vpop (xrf1)  }
0x17b: {  	v36 =	vsub.f32 $0.0e+00, v43  }
0x17c: {  	v45 =	vld [tilespmem:$0x2C0]  }
0x17d: {  	v46 =	vld [tilespmem:$0x2E0];
	v1 =	vsel vm1, v40, v1;
	v0 =	vsel vm1, v63, v0;
	(xrf1) =	vsort.ascd.msk.f32 $0xffff, v36, v44  }
0x17e: {  	v48 =	vld [tilespmem:$0x320];
	(xrf1) =	vsort.ascd.msk.u32 $0xffff, v1, v0  }
0x17f: {  	v0 =	vld [tilespmem:$0x310]  }
0x180: {  	v1 =	vld [tilespmem:$0x330]  }
0x181: {  	v47 =	vld [tilespmem:$0x300]  }
0x182: {  	v50 =	vld [tilespmem:$0x2F0]  }
0x183: {  	v49 =	vld [tilespmem:$0x2D0]  }
0x184: {  	v51 =	vperm.xlane v48, v27  }
0x185: {  	v0 =	vperm.xlane v0, v27;
	v1 =	vperm.xlane v1, v27  }
0x186: {  	v33 =	vperm.xlane v47, v27  }
0x187: {  	vm10 =	vlt.s32 v50, v51;
	vm2 =	veq.f32 v45, v0;
	vm3 =	vlt.s32 v46, v1  }
0x188: {  	vm1 =	vgt.f32 v45, v0;
	vm2 =	vmand vm2, vm3;
	vm3 =	veq.f32 v49, v33  }
0x189: {  	vm1 =	vmor vm1, vm2;
	vm2 =	vgt.f32 v49, v33;
	vm3 =	vmand vm3, vm10  }
0x18a: {  	v0 =	vsel vm1, v45, v0;
	vm2 =	vmor vm2, vm3  }
0x18b: {  	v1 =	vsel vm1, v46, v1;
	v33 =	vsel vm2, v49, v33;
	v52 =	vsel vm2, v50, v51;
	v36, v34, _ =	vpop (xrf1)  }
0x18c: {  	vm1 =	veq.f32 v0, v33;
	vm2 =	vlt.s32 v1, v52;
	v53, v54, _ =	vpop (xrf1)  }
0x18d: {  	vm3 =	vgt.f32 v0, v33;
	vm1 =	vmand vm1, vm2;
	v38 =	vsub.f32 $0.0e+00, v54  }
0x18e: {  	vm1 =	vmor vm3, vm1  }
0x18f: {  	v55 =	vsel vm1, v0, v33;
	v56 =	vsel vm1, v1, v52;
	(xrf1) =	vsort.ascd.msk.f32 $0xffff, v38, v53  }
0x190: {  	(xrf1) =	vsort.ascd.msk.u32 $0xffff, v56, v55;
	_ =	sdelay $0xc  }
0x191: {  	v40, v38, _ =	vpop (xrf1)  }
0x192: {  	v37, v57, _ =	vpop (xrf1)  }
0x193: {  	v39 =	vsub.f32 $0.0e+00, v57  }
0x194: {  	v58 =	vld [tilespmem:$0x340]  }
0x195: {  	v59 =	vld [tilespmem:$0x360];
	v0 =	vsel vm1, v33, v0;
	v1 =	vsel vm1, v52, v1;
	(xrf1) =	vsort.ascd.msk.f32 $0xffff, v39, v37  }
0x196: {  	v61 =	vld [tilespmem:$0x3A0];
	(xrf1) =	vsort.ascd.msk.u32 $0xffff, v1, v0  }
0x197: {  	v0 =	vld [tilespmem:$0x390]  }
0x198: {  	v1 =	vld [tilespmem:$0x3B0]  }
0x199: {  	v60 =	vld [tilespmem:$0x380]  }
0x19a: {  	v63 =	vld [tilespmem:$0x370]  }
0x19b: {  	v62 =	vld [tilespmem:$0x350]  }
0x19c: {  	v35 =	vperm.xlane v61, v27  }
0x19d: {  	v0 =	vperm.xlane v0, v27;
	v1 =	vperm.xlane v1, v27  }
0x19e: {  	v48 =	vperm.xlane v60, v27  }
0x19f: {  	vm11 =	vlt.s32 v63, v35;
	vm2 =	veq.f32 v58, v0;
	vm3 =	vlt.s32 v59, v1  }
0x1a0: {  	vm1 =	vgt.f32 v58, v0;
	vm2 =	vmand vm2, vm3;
	vm3 =	veq.f32 v62, v48  }
0x1a1: {  	vm1 =	vmor vm1, vm2;
	vm2 =	vgt.f32 v62, v48;
	vm3 =	vmand vm3, vm11  }
0x1a2: {  	v0 =	vsel vm1, v58, v0;
	vm2 =	vmor vm2, vm3  }
0x1a3: {  	v1 =	vsel vm1, v59, v1;
	v49 =	vsel vm2, v62, v48;
	v50 =	vsel vm2, v63, v35;
	v37, v33, _ =	vpop (xrf1)  }
0x1a4: {  	vm1 =	veq.f32 v0, v49;
	vm2 =	vlt.s32 v1, v50;
	v52, v51, _ =	vpop (xrf1)  }
0x1a5: {  	vm3 =	vgt.f32 v0, v49;
	vm1 =	vmand vm1, vm2;
	v39 =	vsub.f32 $0.0e+00, v51  }
0x1a6: {  	vm1 =	vmor vm3, vm1  }
0x1a7: {  	v53 =	vsel vm1, v0, v49;
	v54 =	vsel vm1, v1, v50;
	(xrf1) =	vsort.ascd.msk.f32 $0xffff, v39, v52  }
0x1a8: {  	(xrf1) =	vsort.ascd.msk.u32 $0xffff, v54, v53;
	_ =	sdelay $0xc  }
0x1a9: {  	v39, v35, _ =	vpop (xrf1)  }
0x1aa: {  	v56, v55, _ =	vpop (xrf1)  }
0x1ab: {  	v44 =	vsub.f32 $0.0e+00, v55  }
0x1ac: {  	v60 =	vld [tilespmem:$0x420]  }
0x1ad: {  	v57 =	vld [tilespmem:$0x3C0];
	v0 =	vsel vm1, v49, v0;
	v1 =	vsel vm1, v50, v1;
	(xrf1) =	vsort.ascd.msk.f32 $0xffff, v44, v56  }
0x1ae: {  	v58 =	vld [tilespmem:$0x3E0];
	(xrf1) =	vsort.ascd.msk.u32 $0xffff, v1, v0  }
0x1af: {  	v0 =	vld [tilespmem:$0x410]  }
0x1b0: {  	v1 =	vld [tilespmem:$0x430]  }
0x1b1: {  	v59 =	vld [tilespmem:$0x400]  }
0x1b2: {  	v62 =	vld [tilespmem:$0x3F0]  }
0x1b3: {  	v61 =	vld [tilespmem:$0x3D0]  }
0x1b4: {  	v63 =	vperm.xlane v60, v27  }
0x1b5: {  	v0 =	vperm.xlane v0, v27;
	v1 =	vperm.xlane v1, v27  }
0x1b6: {  	v41 =	vperm.xlane v59, v27  }
0x1b7: {  	vm12 =	vlt.s32 v62, v63;
	vm2 =	veq.f32 v57, v0;
	vm3 =	vlt.s32 v58, v1  }
0x1b8: {  	vm1 =	vgt.f32 v57, v0;
	vm2 =	vmand vm2, vm3;
	vm3 =	veq.f32 v61, v41  }
0x1b9: {  	vm1 =	vmor vm1, vm2;
	vm2 =	vgt.f32 v61, v41;
	vm3 =	vmand vm3, vm12  }
0x1ba: {  	v0 =	vsel vm1, v57, v0;
	vm2 =	vmor vm2, vm3  }
0x1bb: {  	v1 =	vsel vm1, v58, v1;
	v41 =	vsel vm2, v61, v41;
	v52 =	vsel vm2, v62, v63;
	v44, v42, _ =	vpop (xrf1)  }
0x1bc: {  	vm1 =	veq.f32 v0, v41;
	vm2 =	vlt.s32 v1, v52;
	v53, v54, _ =	vpop (xrf1)  }
0x1bd: {  	vm3 =	vgt.f32 v0, v41;
	vm1 =	vmand vm1, vm2;
	v46 =	vsub.f32 $0.0e+00, v54  }
0x1be: {  	vm1 =	vmor vm3, vm1  }
0x1bf: {  	v55 =	vsel vm1, v0, v41;
	v56 =	vsel vm1, v1, v52;
	(xrf1) =	vsort.ascd.msk.f32 $0xffff, v46, v53  }
0x1c0: {  	(xrf1) =	vsort.ascd.msk.u32 $0xffff, v56, v55;
	_ =	sdelay $0xc  }
0x1c1: {  	v48, v46, _ =	vpop (xrf1)  }
0x1c2: {  	v45, v57, _ =	vpop (xrf1)  }
0x1c3: {  	v47 =	vsub.f32 $0.0e+00, v57  }
0x1c4: {  	v60 =	vld [tilespmem:$0x480]  }
0x1c5: {  	v59 =	vld [tilespmem:$0x460];
	v0 =	vsel vm1, v41, v0;
	v1 =	vsel vm1, v52, v1;
	(xrf1) =	vsort.ascd.msk.f32 $0xffff, v47, v45  }
0x1c6: {  	v61 =	vld [tilespmem:$0x4A0];
	(xrf1) =	vsort.ascd.msk.u32 $0xffff, v1, v0  }
0x1c7: {  	v0 =	vld [tilespmem:$0x490]  }
0x1c8: {  	v1 =	vld [tilespmem:$0x4B0]  }
0x1c9: {  	v58 =	vld [tilespmem:$0x440]  }
0x1ca: {  	v63 =	vld [tilespmem:$0x470]  }
0x1cb: {  	v62 =	vld [tilespmem:$0x450]  }
0x1cc: {  	v43 =	vperm.xlane v61, v27  }
0x1cd: {  	v0 =	vperm.xlane v0, v27;
	v1 =	vperm.xlane v1, v27  }
0x1ce: {  	v56 =	vperm.xlane v60, v27  }
0x1cf: {  	vm13 =	vlt.s32 v63, v43;
	vm2 =	veq.f32 v58, v0;
	vm3 =	vlt.s32 v59, v1  }
0x1d0: {  	vm1 =	vgt.f32 v58, v0;
	vm2 =	vmand vm2, vm3;
	vm3 =	veq.f32 v62, v56  }
0x1d1: {  	vm1 =	vmor vm1, vm2;
	vm2 =	vgt.f32 v62, v56;
	vm3 =	vmand vm3, vm13  }
0x1d2: {  	v0 =	vsel vm1, v58, v0;
	vm2 =	vmor vm2, vm3  }
0x1d3: {  	v1 =	vsel vm1, v59, v1;
	v49 =	vsel vm2, v62, v56;
	v50 =	vsel vm2, v63, v43;
	v45, v41, _ =	vpop (xrf1)  }
0x1d4: {  	vm1 =	veq.f32 v0, v49;
	vm2 =	vlt.s32 v1, v50;
	v58, v57, _ =	vpop (xrf1)  }
0x1d5: {  	vm3 =	vgt.f32 v0, v49;
	vm1 =	vmand vm1, vm2;
	v47 =	vsub.f32 $0.0e+00, v57  }
0x1d6: {  	vm1 =	vmor vm3, vm1  }
0x1d7: {  	v59 =	vsel vm1, v0, v49;
	v60 =	vsel vm1, v1, v50;
	(xrf1) =	vsort.ascd.msk.f32 $0xffff, v47, v58  }
0x1d8: {  	(xrf1) =	vsort.ascd.msk.u32 $0xffff, v60, v59;
	_ =	sdelay $0xc  }
0x1d9: {  	v47, v43, _ =	vpop (xrf1)  }
0x1da: {  	v62, v61, _ =	vpop (xrf1)  }
0x1db: {  	v52 =	vsub.f32 $0.0e+00, v61  }
0x1dc: {  	v53 =	vld [tilespmem:$0x4C0]  }
0x1dd: {  	v63 =	vld [tilespmem:$0x4E0];
	v0 =	vsel vm1, v49, v0;
	v1 =	vsel vm1, v50, v1;
	(xrf1) =	vsort.ascd.msk.f32 $0xffff, v52, v62  }
0x1de: {  	v59 =	vld [tilespmem:$0x520];
	(xrf1) =	vsort.ascd.msk.u32 $0xffff, v1, v0  }
0x1df: {  	v0 =	vld [tilespmem:$0x510]  }
0x1e0: {  	v1 =	vld [tilespmem:$0x530]  }
0x1e1: {  	v58 =	vld [tilespmem:$0x500]  }
0x1e2: {  	v61 =	vld [tilespmem:$0x4F0]  }
0x1e3: {  	v60 =	vld [tilespmem:$0x4D0]  }
0x1e4: {  	v62 =	vperm.xlane v59, v27  }
0x1e5: {  	v0 =	vperm.xlane v0, v27;
	v1 =	vperm.xlane v1, v27  }
0x1e6: {  	v49 =	vperm.xlane v58, v27  }
0x1e7: {  	vm14 =	vlt.s32 v61, v62;
	vm2 =	veq.f32 v53, v0;
	vm3 =	vlt.s32 v63, v1  }
0x1e8: {  	vm1 =	vgt.f32 v53, v0;
	vm2 =	vmand vm2, vm3;
	vm3 =	veq.f32 v60, v49  }
0x1e9: {  	vm1 =	vmor vm1, vm2;
	vm2 =	vgt.f32 v60, v49;
	vm3 =	vmand vm3, vm14  }
0x1ea: {  	v0 =	vsel vm1, v53, v0;
	vm2 =	vmor vm2, vm3  }
0x1eb: {  	v1 =	vsel vm1, v63, v1;
	v49 =	vsel vm2, v60, v49;
	v63 =	vsel vm2, v61, v62;
	v52, v50, _ =	vpop (xrf1)  }
0x1ec: {  	vm1 =	veq.f32 v0, v49;
	vm2 =	vlt.s32 v1, v63;
	v57, v58, _ =	vpop (xrf1)  }
0x1ed: {  	vm3 =	vgt.f32 v0, v49;
	vm1 =	vmand vm1, vm2;
	v54 =	vsub.f32 $0.0e+00, v58  }
0x1ee: {  	vm1 =	vmor vm3, vm1  }
0x1ef: {  	v59 =	vsel vm1, v0, v49;
	v60 =	vsel vm1, v1, v63;
	(xrf1) =	vsort.ascd.msk.f32 $0xffff, v54, v57  }
0x1f0: {  	(xrf1) =	vsort.ascd.msk.u32 $0xffff, v60, v59;
	_ =	sdelay $0xc  }
0x1f1: {  	v56, v54, _ =	vpop (xrf1)  }
0x1f2: {  	v53, v61, _ =	vpop (xrf1)  }
0x1f3: {  	v55 =	vsub.f32 $0.0e+00, v61  }
0x1f4: {  	v51 =	vld [tilespmem:$0x5A0]  }
0x1f5: {  	v62 =	vld [tilespmem:$0x580];
	v0 =	vsel vm1, v49, v0;
	v1 =	vsel vm1, v63, v1;
	(xrf1) =	vsort.ascd.msk.f32 $0xffff, v55, v53  }
0x1f6: {  	v58 =	vld [tilespmem:$0x560];
	(xrf1) =	vsort.ascd.msk.u32 $0xffff, v1, v0  }
0x1f7: {  	v0 =	vld [tilespmem:$0x590]  }
0x1f8: {  	v1 =	vld [tilespmem:$0x5B0]  }
0x1f9: {  	v57 =	vld [tilespmem:$0x540]  }
0x1fa: {  	v59 =	vld [tilespmem:$0x570]  }
0x1fb: {  	v55 =	vld [tilespmem:$0x550]  }
0x1fc: {  	v51 =	vperm.xlane v51, v27  }
0x1fd: {  	v0 =	vperm.xlane v0, v27;
	v1 =	vperm.xlane v1, v27  }
0x1fe: {  	v60 =	vperm.xlane v62, v27  }
0x1ff: {  	vm15 =	vlt.s32 v59, v51;
	vm2 =	veq.f32 v57, v0;
	vm3 =	vlt.s32 v58, v1  }
0x200: {  	vm1 =	vgt.f32 v57, v0;
	vm2 =	vmand vm2, vm3;
	vm3 =	veq.f32 v55, v60  }
0x201: {  	vm1 =	vmor vm1, vm2;
	vm2 =	vmand vm3, vm15;
	vm3 =	vgt.f32 v55, v60  }
0x202: {  	v0 =	vsel vm1, v57, v0;
	vm2 =	vmor vm3, vm2  }
0x203: {  	v1 =	vsel vm1, v58, v1;
	v57 =	vsel vm2, v55, v60;
	v58 =	vsel vm2, v59, v51;
	v53, v49, _ =	vpop (xrf1)  }
0x204: {  	vm1 =	veq.f32 v0, v57;
	vm2 =	vlt.s32 v1, v58;
	v59, v63, _ =	vpop (xrf1)  }
0x205: {  	vm3 =	vgt.f32 v0, v57;
	vm1 =	vmand vm1, vm2;
	v55 =	vsub.f32 $0.0e+00, v63  }
0x206: {  	vm1 =	vmor vm3, vm1  }
0x207: {  	v60 =	vsel vm1, v0, v57;
	v61 =	vsel vm1, v1, v58;
	(xrf1) =	vsort.ascd.msk.f32 $0xffff, v55, v59  }
0x208: {  	(xrf1) =	vsort.ascd.msk.u32 $0xffff, v61, v60;
	_ =	sdelay $0xc  }
0x209: {  	v55, v51, _ =	vpop (xrf1)  }
0x20a: {  	v59, v60, _ =	vpop (xrf1)  }
0x20b: {  	v60 =	vsub.f32 $0.0e+00, v60;
	_ =	sdelay $0x1  }
0x20c: {  	v0 =	vsel vm1, v57, v0;
	v1 =	vsel vm1, v58, v1;
	(xrf1) =	vsort.ascd.msk.f32 $0xffff, v60, v59  }
0x20d: {  	(xrf1) =	vsort.ascd.msk.u32 $0xffff, v1, v0;
	_ =	sdelay $0x4  }
0x20e: {  	v0 =	vsub.f32 $0.0e+00, v40  }
0x20f: {  	v34 =	vperm.xlane v34, v27;
	v1 =	vsub.f32 $0.0e+00, v36  }
0x210: {  	v31 =	vsub.f32 $0.0e+00, v31;
	v62 =	vperm.xlane v38, v27;
	v0 =	vperm.xlane v0, v27  }
0x211: {  	v32 =	vsub.f32 $0.0e+00, v32;
	v1 =	vperm.xlane v1, v27  }
0x212: {  	vm8 =	vlt.s32 v30, v34;
	vm3 =	vlt.s32 v29, v62;
	vm2 =	veq.f32 v31, v0  }
0x213: {  	vm1 =	vgt.f32 v31, v0;
	vm2 =	vmand vm2, vm3;
	vm3 =	veq.f32 v32, v1  }
0x214: {  	vm1 =	vmor vm1, vm2;
	vm2 =	vmand vm3, vm8;
	vm3 =	vgt.f32 v32, v1  }
0x215: {  	v0 =	vsel vm1, v31, v0;
	vm2 =	vmor vm3, vm2  }
0x216: {  	v29 =	vsel vm1, v29, v62;
	v1 =	vsel vm2, v32, v1;
	v30 =	vsel vm2, v30, v34;
	v31, v38, _ =	vpop (xrf1)  }
0x217: {  	vm1 =	veq.f32 v0, v1;
	vm2 =	vlt.s32 v29, v30;
	v63, v36, _ =	vpop (xrf1)  }
0x218: {  	vm3 =	vgt.f32 v0, v1;
	vm1 =	vmand vm1, vm2;
	v34 =	vsub.f32 $0.0e+00, v36  }
0x219: {  	vm1 =	vmor vm3, vm1  }
0x21a: {  	v40 =	vsel vm1, v0, v1;
	v57 =	vsel vm1, v29, v30;
	(xrf1) =	vsort.ascd.msk.f32 $0xffff, v34, v63  }
0x21b: {  	(xrf1) =	vsort.ascd.msk.u32 $0xffff, v57, v40;
	_ =	sdelay $0xc  }
0x21c: {  	v32, v34, _ =	vpop (xrf1)  }
0x21d: {  	v59, v58, _ =	vpop (xrf1)  }
0x21e: {  	v40 =	vsub.f32 $0.0e+00, v58;
	_ =	sdelay $0x1  }
0x21f: {  	v0 =	vsel vm1, v1, v0;
	v1 =	vsel vm1, v30, v29;
	(xrf1) =	vsort.ascd.msk.f32 $0xffff, v40, v59  }
0x220: {  	(xrf1) =	vsort.ascd.msk.u32 $0xffff, v1, v0;
	_ =	sdelay $0x4  }
0x221: {  	v0 =	vsub.f32 $0.0e+00, v48  }
0x222: {  	v61 =	vperm.xlane v42, v27;
	v1 =	vsub.f32 $0.0e+00, v44  }
0x223: {  	v29 =	vsub.f32 $0.0e+00, v37;
	v30 =	vperm.xlane v46, v27;
	v0 =	vperm.xlane v0, v27  }
0x224: {  	v60 =	vsub.f32 $0.0e+00, v39;
	v1 =	vperm.xlane v1, v27  }
0x225: {  	vm9 =	vlt.s32 v35, v61;
	vm3 =	vlt.s32 v33, v30;
	vm2 =	veq.f32 v29, v0  }
0x226: {  	vm1 =	vgt.f32 v29, v0;
	vm2 =	vmand vm2, vm3;
	vm3 =	veq.f32 v60, v1  }
0x227: {  	vm1 =	vmor vm1, vm2;
	vm2 =	vmand vm3, vm9;
	vm3 =	vgt.f32 v60, v1  }
0x228: {  	v0 =	vsel vm1, v29, v0;
	vm2 =	vmor vm3, vm2  }
0x229: {  	v30 =	vsel vm1, v33, v30;
	v1 =	vsel vm2, v60, v1;
	v62 =	vsel vm2, v35, v61;
	v29, v39, _ =	vpop (xrf1)  }
0x22a: {  	vm1 =	veq.f32 v0, v1;
	vm2 =	vlt.s32 v30, v62;
	v40, v63, _ =	vpop (xrf1)  }
0x22b: {  	vm3 =	vgt.f32 v0, v1;
	vm1 =	vmand vm1, vm2;
	v36 =	vsub.f32 $0.0e+00, v63  }
0x22c: {  	vm1 =	vmor vm3, vm1  }
0x22d: {  	v42 =	vsel vm1, v0, v1;
	v44 =	vsel vm1, v30, v62;
	(xrf1) =	vsort.ascd.msk.f32 $0xffff, v36, v40  }
0x22e: {  	(xrf1) =	vsort.ascd.msk.u32 $0xffff, v44, v42;
	_ =	sdelay $0xc  }
0x22f: {  	v35, v36, _ =	vpop (xrf1)  }
0x230: {  	v48, v46, _ =	vpop (xrf1)  }
0x231: {  	v40 =	vsub.f32 $0.0e+00, v46;
	_ =	sdelay $0x1  }
0x232: {  	v0 =	vsel vm1, v1, v0;
	v1 =	vsel vm1, v62, v30;
	(xrf1) =	vsort.ascd.msk.f32 $0xffff, v40, v48  }
0x233: {  	(xrf1) =	vsort.ascd.msk.u32 $0xffff, v1, v0;
	_ =	sdelay $0x4  }
0x234: {  	v0 =	vsub.f32 $0.0e+00, v56  }
0x235: {  	v1 =	vsub.f32 $0.0e+00, v52;
	v52 =	vperm.xlane v54, v27  }
0x236: {  	v30 =	vsub.f32 $0.0e+00, v45;
	v56 =	vperm.xlane v50, v27;
	v0 =	vperm.xlane v0, v27  }
0x237: {  	v54 =	vsub.f32 $0.0e+00, v47;
	v1 =	vperm.xlane v1, v27  }
0x238: {  	vm3 =	vlt.s32 v41, v52;
	vm10 =	vlt.s32 v43, v56;
	vm2 =	veq.f32 v30, v0  }
0x239: {  	vm1 =	vgt.f32 v30, v0;
	vm2 =	vmand vm2, vm3;
	vm3 =	veq.f32 v54, v1  }
0x23a: {  	vm1 =	vmor vm1, vm2;
	vm2 =	vmand vm3, vm10;
	vm3 =	vgt.f32 v54, v1  }
0x23b: {  	v0 =	vsel vm1, v30, v0;
	vm2 =	vmor vm3, vm2  }
0x23c: {  	v33 =	vsel vm1, v41, v52;
	v1 =	vsel vm2, v54, v1;
	v57 =	vsel vm2, v43, v56;
	v30, v42, _ =	vpop (xrf1)  }
0x23d: {  	vm1 =	veq.f32 v0, v1;
	vm2 =	vlt.s32 v33, v57;
	v59, v58, _ =	vpop (xrf1)  }
0x23e: {  	vm3 =	vgt.f32 v0, v1;
	vm1 =	vmand vm1, vm2;
	v41 =	vsub.f32 $0.0e+00, v58  }
0x23f: {  	vm1 =	vmor vm3, vm1  }
0x240: {  	v60 =	vsel vm1, v0, v1;
	v61 =	vsel vm1, v33, v57;
	(xrf1) =	vsort.ascd.msk.f32 $0xffff, v41, v59  }
0x241: {  	(xrf1) =	vsort.ascd.msk.u32 $0xffff, v61, v60;
	_ =	sdelay $0xc  }
0x242: {  	v40, v41, _ =	vpop (xrf1)  }
0x243: {  	v63, v62, _ =	vpop (xrf1)  }
0x244: {  	v44 =	vsub.f32 $0.0e+00, v62;
	_ =	sdelay $0x1  }
0x245: {  	v0 =	vsel vm1, v1, v0;
	v1 =	vsel vm1, v57, v33;
	(xrf1) =	vsort.ascd.msk.f32 $0xffff, v44, v63  }
0x246: {  	(xrf1) =	vsort.ascd.msk.u32 $0xffff, v1, v0;
	_ =	sdelay $0x4  }
0x247: {  	v0 =	vsub.f32 $0.0e+00, v32  }
0x248: {  	v47 =	vperm.xlane v34, v27;
	v1 =	vsub.f32 $0.0e+00, v31  }
0x249: {  	v50 =	vperm.xlane v38, v27;
	v31 =	vsub.f32 $0.0e+00, v53;
	v0 =	vperm.xlane v0, v27  }
0x24a: {  	v48 =	vsub.f32 $0.0e+00, v55;
	v1 =	vperm.xlane v1, v27  }
0x24b: {  	vm11 =	vlt.s32 v51, v50;
	vm3 =	vlt.s32 v49, v47;
	vm2 =	veq.f32 v31, v0  }
0x24c: {  	vm1 =	vgt.f32 v31, v0;
	vm2 =	vmand vm2, vm3;
	vm3 =	veq.f32 v48, v1  }
0x24d: {  	vm1 =	vmor vm1, vm2;
	vm2 =	vmand vm3, vm11;
	vm3 =	vgt.f32 v48, v1  }
0x24e: {  	v0 =	vsel vm1, v31, v0;
	vm2 =	vmor vm3, vm2  }
0x24f: {  	v32 =	vsel vm1, v49, v47;
	v1 =	vsel vm2, v48, v1;
	v53 =	vsel vm2, v51, v50;
	v31, v52, _ =	vpop (xrf1)  }
0x250: {  	vm1 =	veq.f32 v0, v1;
	vm2 =	vlt.s32 v32, v53;
	v54, v38, _ =	vpop (xrf1)  }
0x251: {  	vm3 =	vgt.f32 v0, v1;
	vm1 =	vmand vm1, vm2;
	v38 =	vsub.f32 $0.0e+00, v38  }
0x252: {  	vm1 =	vmor vm3, vm1  }
0x253: {  	v55 =	vsel vm1, v0, v1;
	v56 =	vsel vm1, v32, v53;
	(xrf1) =	vsort.ascd.msk.f32 $0xffff, v38, v54  }
0x254: {  	(xrf1) =	vsort.ascd.msk.u32 $0xffff, v56, v55;
	_ =	sdelay $0xc  }
0x255: {  	v34, v38, _ =	vpop (xrf1)  }
0x256: {  	v43, v44, _ =	vpop (xrf1)  }
0x257: {  	v44 =	vsub.f32 $0.0e+00, v44;
	_ =	sdelay $0x1  }
0x258: {  	v0 =	vsel vm1, v1, v0;
	v1 =	vsel vm1, v53, v32;
	(xrf1) =	vsort.ascd.msk.f32 $0xffff, v44, v43  }
0x259: {  	(xrf1) =	vsort.ascd.msk.u32 $0xffff, v1, v0;
	_ =	sdelay $0x4  }
0x25a: {  	v0 =	vsub.f32 $0.0e+00, v40  }
0x25b: {  	v58 =	vperm.xlane v42, v27;
	v1 =	vsub.f32 $0.0e+00, v30  }
0x25c: {  	v29 =	vsub.f32 $0.0e+00, v29;
	v30 =	vperm.xlane v41, v27;
	v0 =	vperm.xlane v0, v27  }
0x25d: {  	v57 =	vsub.f32 $0.0e+00, v35;
	v1 =	vperm.xlane v1, v27  }
0x25e: {  	vm12 =	vlt.s32 v36, v58;
	vm3 =	vlt.s32 v39, v30;
	vm2 =	veq.f32 v29, v0  }
0x25f: {  	vm1 =	vgt.f32 v29, v0;
	vm2 =	vmand vm2, vm3;
	vm3 =	veq.f32 v57, v1  }
0x260: {  	vm1 =	vmor vm1, vm2;
	vm2 =	vmand vm3, vm12;
	vm3 =	vgt.f32 v57, v1  }
0x261: {  	v0 =	vsel vm1, v29, v0;
	vm2 =	vmor vm3, vm2  }
0x262: {  	v30 =	vsel vm1, v39, v30;
	v1 =	vsel vm2, v57, v1;
	v60 =	vsel vm2, v36, v58;
	v29, v59, _ =	vpop (xrf1)  }
0x263: {  	vm1 =	veq.f32 v0, v1;
	vm2 =	vlt.s32 v30, v60;
	v33, v36, _ =	vpop (xrf1)  }
0x264: {  	vm3 =	vgt.f32 v0, v1;
	vm1 =	vmand vm1, vm2;
	v36 =	vsub.f32 $0.0e+00, v36  }
0x265: {  	vm1 =	vmor vm3, vm1  }
0x266: {  	v61 =	vsel vm1, v0, v1;
	v62 =	vsel vm1, v30, v60;
	(xrf1) =	vsort.ascd.msk.f32 $0xffff, v36, v33  }
0x267: {  	(xrf1) =	vsort.ascd.msk.u32 $0xffff, v62, v61;
	_ =	sdelay $0xc  }
0x268: {  	v33, v36, _ =	vpop (xrf1)  }
0x269: {  	v44, v63, _ =	vpop (xrf1)  }
0x26a: {  	v40 =	vsub.f32 $0.0e+00, v63;
	_ =	sdelay $0x1  }
0x26b: {  	v0 =	vsel vm1, v1, v0;
	v1 =	vsel vm1, v60, v30;
	(xrf1) =	vsort.ascd.msk.f32 $0xffff, v40, v44  }
0x26c: {  	(xrf1) =	vsort.ascd.msk.u32 $0xffff, v1, v0;
	_ =	sdelay $0x4  }
0x26d: {  	v0 =	vsub.f32 $0.0e+00, v33  }
0x26e: {  	v45 =	vperm.xlane v59, v27;
	v1 =	vsub.f32 $0.0e+00, v29  }
0x26f: {  	v30 =	vperm.xlane v36, v27;
	v29 =	vsub.f32 $0.0e+00, v31;
	v0 =	vperm.xlane v0, v27  }
0x270: {  	v31 =	vsub.f32 $0.0e+00, v34;
	v1 =	vperm.xlane v1, v27  }
0x271: {  	vm13 =	vlt.s32 v38, v45;
	vm3 =	vlt.s32 v52, v30;
	vm2 =	veq.f32 v29, v0  }
0x272: {  	vm1 =	vgt.f32 v29, v0;
	vm2 =	vmand vm3, vm2;
	vm3 =	veq.f32 v31, v1  }
0x273: {  	vm1 =	vmor vm1, vm2;
	vm2 =	vgt.f32 v31, v1;
	vm3 =	vmand vm13, vm3  }
0x274: {  	v0 =	vsel vm1, v29, v0;
	vm2 =	vmor vm2, vm3  }
0x275: {  	v30 =	vsel vm1, v52, v30;
	v1 =	vsel vm2, v31, v1;
	v31 =	vsel vm2, v38, v45;
	v29, v46, _ =	vpop (xrf1)  }
0x276: {  	vm1 =	veq.f32 v0, v1;
	vm2 =	vlt.s32 v30, v31;
	v48, v47, _ =	vpop (xrf1)  }
0x277: {  	vm3 =	vgt.f32 v0, v1;
	vm1 =	vmand vm1, vm2;
	v34 =	vsub.f32 $0.0e+00, v47  }
0x278: {  	vm1 =	vmor vm3, vm1  }
0x279: {  	v49 =	vsel vm1, v0, v1;
	v50 =	vsel vm1, v30, v31;
	(xrf1) =	vsort.ascd.msk.f32 $0xffff, v34, v48  }
0x27a: {  	(xrf1) =	vsort.ascd.msk.u32 $0xffff, v50, v49;
	_ =	sdelay $0xc  }
0x27b: {  	v32, v34, _ =	vpop (xrf1)  }
0x27c: {  	v52, v51, _ =	vpop (xrf1)  }
0x27d: {  	v36 =	vsub.f32 $0.0e+00, v51;
	_ =	sdelay $0x1  }
0x27e: {  	v0 =	vsel vm1, v1, v0;
	v1 =	vsel vm1, v31, v30;
	(xrf1) =	vsort.ascd.msk.f32 $0xffff, v36, v52  }
0x27f: {  	(xrf1) =	vsort.ascd.msk.u32 $0xffff, v1, v0;
	_ =	sdelay $0xc  }
0x280: {  	v0, v1, _ =	vpop (xrf1)  }
0x281: {  	v30, v31, _ =	vpop (xrf1)  }
0x282: {  	v31 =	vsub.f32 $0.0e+00, v31;
	_ =	sdelay $0x1  }
0x283: {  	(xrf1) =	vsort.ascd.msk.f32 $0xffff, v31, v30;
	_ =	sdelay $0xd  }
0x284: {  	v30, v31, _ =	vpop (xrf1)  }
0x285: {  	v30 =	vsub.f32 $0.0e+00, v30  }
0x286: {  	v0 =	vsub.f32 $0.0e+00, v0;
	v1 =	vperm.xlane v1, v27  }
0x287: {  	v31 =	vperm.xlane v31, v27;
	v30 =	vperm.xlane v30, v27  }
0x288: {  	v29 =	vxor.u32 $0x80000000, v29;
	v32 =	vxor.u32 $0x80000000, v32;
	v0 =	vperm.xlane v0, v27  }
0x289: {  	vm14 =	vlt.s32 v34, v1;
	vm3 =	vlt.s32 v46, v31;
	vm2 =	veq.f32 v29, v30  }
0x28a: {  	vm1 =	vgt.f32 v29, v30;
	vm2 =	vmand vm3, vm2;
	vm3 =	veq.f32 v32, v0  }
0x28b: {  	vm1 =	vmor vm1, vm2;
	vm2 =	vgt.f32 v32, v0;
	vm3 =	vmand vm14, vm3  }
0x28c: {  	v0 =	vsel vm1, v46, v31;
	vm1 =	vmor vm2, vm3  }
0x28d: {  	v1 =	vsel vm1, v34, v1;
	[tilespmem:$0x5C0] =	vst v0  }
0x28e: {  	v29 =	vadd.s32 v16, v0;
	[tilespmem:$0x5D0] =	vst v1  }
0x28f: {  	[tilespmem:$0x640] =	vst v29;
	v29 =	vadd.s32 v16, v1  }
0x290: {  	[tilespmem:$0x650] =	vst v29;
	v29 =	vadd.s32 v17, v0  }
0x291: {  	[tilespmem:$0x660] =	vst v29;
	v29 =	vadd.s32 v17, v1  }
0x292: {  	[tilespmem:$0x670] =	vst v29;
	v29 =	vadd.s32 v18, v0  }
0x293: {  	[tilespmem:$0x680] =	vst v29;
	v29 =	vadd.s32 v18, v1  }
0x294: {  	[tilespmem:$0x690] =	vst v29;
	v29 =	vadd.s32 v19, v0  }
0x295: {  	[tilespmem:$0x6A0] =	vst v29;
	v29 =	vadd.s32 v19, v1  }
0x296: {  	[tilespmem:$0x6B0] =	vst v29;
	v29 =	vadd.s32 v20, v0  }
0x297: {  	[tilespmem:$0x6C0] =	vst v29;
	v29 =	vadd.s32 v20, v1  }
0x298: {  	[tilespmem:$0x6D0] =	vst v29;
	v29 =	vadd.s32 v21, v0  }
0x299: {  	[tilespmem:$0x6E0] =	vst v29;
	v29 =	vadd.s32 v21, v1  }
0x29a: {  	[tilespmem:$0x6F0] =	vst v29;
	v29 =	vadd.s32 v22, v0  }
0x29b: {  	[tilespmem:$0x700] =	vst v29;
	v29 =	vadd.s32 v22, v1  }
0x29c: {  	[tilespmem:$0x710] =	vst v29;
	v29 =	vadd.s32 v23, v0  }
0x29d: {  	[tilespmem:$0x720] =	vst v29;
	v29 =	vadd.s32 v23, v1  }
0x29e: {  	[tilespmem:$0x730] =	vst v29  }
0x29f: {  	[tilespmem:s19], [sflag:$0x1] =	stream.indirect.gather [hbm4b:s0+s17], $0x1, s18, s17, $0xb8;
	[tilespmem:$0x2940] =	vst v63  }
0x2a0: {  	_ = 	snop  }
0x2a1: {  	[tilespmem:s21], [sflag:$0x1] =	stream.indirect.gather [hbm4b:s0+s17], $0x1, s20, s17, $0xb8;
	[tilespmem:$0x2940] =	vst v63  }
0x2a2: {  	v29 =	vld.msk @!p0 [tilespmem:s6+$0x5C0], $0xff;
	_ =	sdelay $0x4  }
0x2a3: {  	v30 =	vshll.u32 @!p0 v29, $0x3  }
0x2a4: {  	v31 =	vlaneseq.u32 @!p0;
	v29 =	vand.u32 @!p0 $0x7, v29;
	v30 =	vand.u32 @!p0 $0xFFFFFFC0, v30  }
0x2a5: {  	v29 =	vor.u32 @!p0 v29, v30;
	v30 =	vand.u32 @!p0 $0x7, v31;
	v31 =	vshrl.u32 @!p0 v31, $0x3  }
0x2a6: {  	v29 =	vperm.xlane @!p0 v29, v30;
	v30 =	vmul.u32 @!p0 $0x8, v31;
	_ =	sdelay $0x1  }
0x2a7: {  	v29 =	vadd.s32 @!p0 v30, v29;
	_ =	sdelay $0x2  }
0x2a8: {  	v30 =	vsub.s32 v0, v24  }
0x2a9: {  	s26 =	simm.s32 @!p0 $0x0;
	s28 =	simm.s32 @!p0 $0x940;
	vm1 =	vge.s32 v0, v24;
	vm2 =	vlt.s32 v0, v25;
	vm3 =	vgt.s32 v30, $0x0  }
0x2aa: {  	vm1 =	vmand vm1, vm2;
	v0 =	vnsel vm3, $0x0, v30;
	v30 =	vsub.s32 v1, v24;
	[tilespmem:s28], [sflag:$0x2] =	stream.indirect_vreg.gather @!p0 [hbm4b:s2+s26], $0x80, v29, vm0, $0xb8;
	[tilespmem:$0x2940] =	vst v63  }
0x2ab: {  	s1 =	simm.s32 @!p0 $0x1140;
	vm2 =	vge.s32 v1, v24;
	vm3 =	vlt.s32 v1, v25;
	vm15 =	vgt.s32 v30, $0x0  }
0x2ac: {  	vm2 =	vmand vm2, vm3;
	v0 =	vmin.u32 v0, $0x7F;
	v1 =	vnsel vm15, $0x0, v30;
	[tilespmem:s1], [sflag:$0x2] =	stream.indirect_vreg.gather @!p0 [hbm4b:s7+s26], $0x80, v29, vm0, $0xb8;
	[tilespmem:$0x2940] =	vst v63  }
0x2ad: {  	v1 =	vmin.u32 v1, $0x7F;
	s1 =	simm.s32 @!p0 $0x1940  }
0x2ae: {  	[tilespmem:s1], [sflag:$0x2] =	stream.indirect_vreg.gather @!p0 [hbm4b:s8+s26], $0x80, v29, vm0, $0xb8;
	[tilespmem:$0x2940] =	vst v63  }
0x2af: {  	s1 =	simm.s32 @!p0 $0x2140  }
0x2b0: {  	[tilespmem:s1], [sflag:$0x2] =	stream.indirect_vreg.gather @!p0 [hbm4b:s9+s26], $0x80, v29, vm0, $0xb8;
	[tilespmem:$0x2940] =	vst v63  }
0x2b1: {  	[tilespmem:v0+s22+$0x0] =	vst.idx.msk vm1, v28  }
0x2b2: {  	[tilespmem:v1+s22+$0x0] =	vst.idx.msk vm2, v28  }
0x2b3: {  	[hbm4b:s10+s5] =	stream.linear.scatter [tilespmem:s22], [sflag:$0x3], $0x80, $0x38;
	[tilespmem:$0x2940] =	vst v63  }
0x2b4: {  	_ =	swait.ge [sflag:s23], $0x80  }
0x2b5: {  	[sflag:s23] =	ssyncset.done $0x0  }
0x2b6: {  	[sflag:s23] =	ssyncadd.s32 $0xFFFFFF80  }
0x2b7: {  	_ =	swait.ge [sflag:s23], $0x80  }
0x2b8: {  	[sflag:s23] =	ssyncset.done $0x0  }
0x2b9: {  	[sflag:s23] =	ssyncadd.s32 $0xFFFFFF80  }
0x2ba: {  	v0 =	vld [tilespmem:$0x740]  }
0x2bb: {  	v1 =	vld [tilespmem:$0x760]  }
0x2bc: {  	v29 =	vld [tilespmem:$0x780]  }
0x2bd: {  	v30 =	vld [tilespmem:$0x7A0]  }
0x2be: {  	v31 =	vld [tilespmem:$0x750]  }
0x2bf: {  	v53 =	vld [tilespmem:$0x770]  }
0x2c0: {  	v54 =	vld [tilespmem:$0x790]  }
0x2c1: {  	v55 =	vld [tilespmem:$0x7B0]  }
0x2c2: {  	v56 =	vld [tilespmem:$0x7C0]  }
0x2c3: {  	v57 =	vld [tilespmem:$0x7E0]  }
0x2c4: {  	v58 =	vld [tilespmem:$0x7D0]  }
0x2c5: {  	v59 =	vld [tilespmem:$0x7F0]  }
0x2c6: {  	v60 =	vld [tilespmem:$0x800]  }
0x2c7: {  	v0 =	vadd.f32 v1, v0;
	v1 =	vld [tilespmem:$0x810]  }
0x2c8: {  	v61 =	vld [tilespmem:$0x820];
	v31 =	vadd.f32 v53, v31  }
0x2c9: {  	v62 =	vld [tilespmem:$0x830];
	v0 =	vadd.f32 v29, v0;
	v29 =	vadd.f32 v57, v56  }
0x2ca: {  	v63 =	vadd.f32 v59, v58;
	v31 =	vadd.f32 v54, v31  }
0x2cb: {  	v0 =	vadd.f32 v30, v0;
	v29 =	vadd.f32 v60, v29  }
0x2cc: {  	v30 =	vadd.f32 v55, v31;
	v1 =	vadd.f32 v1, v63  }
0x2cd: {  	[tilespmem:$0x8C0] =	vst v0;
	v0 =	vadd.f32 v61, v29  }
0x2ce: {  	[tilespmem:$0x8D0] =	vst v30;
	v1 =	vadd.f32 v62, v1  }
0x2cf: {  	[tilespmem:$0x8E0] =	vst v0  }
0x2d0: {  	[tilespmem:$0x8F0] =	vst v1  }
0x2d1: {  	[hbm4b:s11+s5] =	stream.linear.scatter [tilespmem:s24], [sflag:$0x3], $0x40, $0x38;
	[tilespmem:$0x2940] =	vst v63  }
0x2d2: {  	_ =	swait.ge [sflag:s25], $0x80  }
0x2d3: {  	[sflag:s25] =	ssyncset.done $0x0  }
0x2d4: {  	[sflag:s25] =	ssyncadd.s32 $0xFFFFFF80  }
0x2d5: {  	_ =	swait.ge [sflag:s25], $0x40  }
0x2d6: {  	[sflag:s25] =	ssyncset.done $0x0  }
0x2d7: {  	s1 =	simm.s32 @!p0 $0x2;
	[sflag:s25] =	ssyncadd.s32 $0xFFFFFFC0  }
0x2d8: {  	s13 =	sadd.s32 $0xFFFFFFFF, s13;
	_ =	swait.ge @!p0 [sflag:s1], $0x2000  }
0x2d9: {  	p1 =	sne.s32 s13, $0x0;
	[sflag:s1] =	ssyncset.done @!p0 $0x0  }
.Ltmp0:
0x2da: {  	[sflag:s1] =	ssyncadd.s32 @!p0 $0xFFFFE000;
	s1 =	simm.s32 @!p0 $0x4;
	(pc) =	sbr.rel @p1 .LBB2_1-.Ltmp0, $4  }
0x2db: {  	[hbm4b:s12+s26] =	stream.linear.scatter @!p0 [tilespmem:s28], [sflag:$0x4], $0x2000, $0x38;
	[tilespmem:$0x2940] =	vst v63  }
0x2dc: {  	_ =	swait.ge @!p0 [sflag:s1], $0x2000  }
0x2dd: {  	[sflag:s1] =	ssyncset.done @!p0 $0x0  }
0x2de: {  	[sflag:s1] =	ssyncadd.s32 @!p0 $0xFFFFE000  }
0x2df: {  	_ =	sfence.sel $0x180000  }
0x2e0: {  	[bflag:$0x0] =	sbarrier.arrive $0xFFFF  }
0x2e1: {  	_ =	strace $0x90000047  }
0x2e2: {  	[bflag:$0x2] =	sbarrier.arrive $0xFFFF  }
0x2e3: {  	p0 =	sne.s32 s29, $0x0;
	s0 =	rddreg [dreg:$0x7]  }
0x2e4: {  	s0 =	sadd.s32 @!p0 $0x100000, s0  }
0x2e5: {  	[sflag:s0] =	ssyncadd.tile.s32 @!p0 $0x1;
	_ =	shalt  }
.Lfunc_end2:
_tile_overlayer_lowered:
.L_overlay_start_2:
0x2e6: {  	(tag) =	ssettag $0x2  }
0x2e7: {  	s0 =	rddreg [dreg:$0x0];
	s2 =	stileid.u32  }
0x2e8: {  	s1 =	rddreg [dreg:$0x1];
	p0 =	sne.s32 s2, $0x0  }
0x2e9: {  	s3 =	rddreg [dreg:$0x2];
	[bflag:$0x3] =	sbarrier.arrive $0xFFFF;
	s2 =	simm.s32 @!p0 $0x1C04  }
0x2ea: {  	[timem:s3], [sflag:s2] =	dma.local @!p0 [hbm:s0], s1  }
0x2eb: {  	s0 =	simm.s32 @!p0 $0x4  }
0x2ec: {  	_ =	swait.ge @!p0 [sflag:s0], s1  }
0x2ed: {  	s1 =	ssub.s32 @!p0 $0x0, s1;
	[sflag:s0] =	ssyncset.done @!p0 $0x0  }
0x2ee: {  	[sflag:s0] =	ssyncadd.s32 @!p0 s1  }
0x2ef: {  	[bflag:$0x3] =	sbarrier.arrive $0xFFFF  }
0x2f0: {  	_ =	shalt  }

</sc_bundles>
